<compile_context>
chip_gen: v7x
topology: tpu7x:2x2x1
jax: 0.10.2.dev20260603
libtpu: 0.0.44.dev20260713+nightly
codegen_flags: <defaults>
</compile_context>

<pallas_src>
import jax
import jax.numpy as jnp
from jax import lax
from jax.experimental import pallas as pl
from jax.experimental.pallas import tpu as pltpu
from jax.experimental.pallas import tpu_sc as plsc

B, C, H, W = 16, 1, 512, 512
N = B * C * H * W
NB = 1024
T_MAX = 8.0
HS = 2 * NB
LANES = 16
NC, NS = 2, 16
NW = NC * NS
EW = N // NW
CH = 4096
EPS = 1e-6


UNROLL = 4
FW = 512
CHR = 8
ROWS_W = (N // FW) // NW
NCHUNK = ROWS_W // CHR


def _sc_hist_body(l_hbm, t_hbm, out_hbm, hist,
                  lb0, tb0, lb1, tb1, sl0, st0, sl1, st1):
    wid = lax.axis_index("s") * NC + lax.axis_index("c")
    lf = l_hbm.reshape(N // FW, FW)
    tf = t_hbm.reshape(N // FW, FW)
    rbase = wid * ROWS_W
    lbs, tbs, sls, sts = (lb0, lb1), (tb0, tb1), (sl0, sl1), (st0, st1)

    lane = lax.iota(jnp.int32, LANES)
    zeros16 = jnp.zeros((LANES,), jnp.float32)
    ones16 = jnp.ones((LANES,), jnp.float32)
    inv_dt = jnp.float32(NB / T_MAX)
    base_neg = jnp.zeros((LANES,), jnp.float32)
    base_pos = jnp.full((LANES,), float(NB), jnp.float32)
    top_off = jnp.float32(NB - 1)

    def issue(c, k):
        r0 = rbase + c * CHR
        pltpu.async_copy(lf.at[pl.ds(r0, CHR)], lbs[k], sls[k])
        pltpu.async_copy(tf.at[pl.ds(r0, CHR)], tbs[k], sts[k])

    def wait(k):
        pltpu.make_async_copy(lf.at[pl.ds(0, CHR)], lbs[k], sls[k]).wait()
        pltpu.make_async_copy(tf.at[pl.ds(0, CHR)], tbs[k], sts[k]).wait()

    issue(0, 0)
    issue(1, 1)

    @plsc.parallel_loop(0, LANES * HS // LANES, unroll=8)
    def _(j):
        hist[pl.ds(j * LANES, LANES)] = zeros16

    def process(k):
        lbuf, tbuf = lbs[k], tbs[k]
        for r in range(CHR):
            @plsc.parallel_loop(0, FW // LANES, unroll=UNROLL)
            def _(i):
                o = i * LANES
                lv = lbuf[r, pl.ds(o, LANES)]
                tv = tbuf[r, pl.ds(o, LANES)]
                mt = tv > 0.5
                s = jnp.where(mt, lv, -lv)
                base = jnp.where(mt, base_pos, base_neg)
                e = 1.0 - s
                mask = e > 0.0
                hf = jnp.minimum(base + e * inv_dt, base + top_off)
                idx = lax.shift_left(hf.astype(jnp.int32), 4) + lane
                plsc.addupdate_scatter(hist, [idx], ones16, mask=mask)

    def pair_body(c2, carry):
        c0 = 2 * c2
        wait(0)
        process(0)

        @pl.when(c0 + 2 < NCHUNK)
        def _():
            issue(c0 + 2, 0)

        wait(1)
        process(1)

        @pl.when(c0 + 3 < NCHUNK)
        def _():
            issue(c0 + 3, 1)

        return carry

    lax.fori_loop(0, NCHUNK // 2, pair_body, 0)
    pltpu.sync_copy(hist, out_hbm.at[wid])


def _make_sc_hist():
    mesh = plsc.VectorSubcoreMesh(core_axis_name="c", subcore_axis_name="s")
    return pl.kernel(
        _sc_hist_body,
        out_type=jax.ShapeDtypeStruct((NW, LANES * HS), jnp.float32),
        mesh=mesh,
        compiler_params=pltpu.CompilerParams(needs_layout_passes=False),
        scratch_types=[
            pltpu.VMEM((LANES * HS,), jnp.float32),
            pltpu.VMEM((CHR, FW), jnp.float32),
            pltpu.VMEM((CHR, FW), jnp.float32),
            pltpu.VMEM((CHR, FW), jnp.float32),
            pltpu.VMEM((CHR, FW), jnp.float32),
            pltpu.SemaphoreType.DMA,
            pltpu.SemaphoreType.DMA,
            pltpu.SemaphoreType.DMA,
            pltpu.SemaphoreType.DMA,
        ],
    )


def _tc_part_body(l_ref, t_ref, out_ref):
    l = l_ref[0, 0]
    t = t_ref[0, 0]
    bce = jnp.sum(jnp.maximum(l, 0.0) - l * t + jnp.log(1.0 + jnp.exp(-jnp.abs(l))))
    p = 1.0 / (1.0 + jnp.exp(-l))
    spt = jnp.sum(p * t)
    sp = jnp.sum(p)
    st = jnp.sum(t)
    col = lax.broadcasted_iota(jnp.int32, (1, 1, 128), 2)
    row = jnp.where(
        col == 0, bce,
        jnp.where(col == 1, spt, jnp.where(col == 2, sp, jnp.where(col == 3, st, 0.0))))
    out_ref[...] = row


def _make_tc_part():
    return pl.pallas_call(
        _tc_part_body,
        grid=(B,),
        in_specs=[
            pl.BlockSpec((1, 1, H, W), lambda i: (i, 0, 0, 0)),
            pl.BlockSpec((1, 1, H, W), lambda i: (i, 0, 0, 0)),
        ],
        out_specs=pl.BlockSpec((1, 1, 128), lambda i: (i, 0, 0)),
        out_shape=jax.ShapeDtypeStruct((B, 1, 128), jnp.float32),
    )


def _prefix_incl(h):
    r, c = h.shape
    ci = lax.broadcasted_iota(jnp.int32, (c, c), 0)
    cj = lax.broadcasted_iota(jnp.int32, (c, c), 1)
    upper = (ci <= cj).astype(jnp.float32)
    rowcum = jnp.dot(h, upper, preferred_element_type=jnp.float32)
    ri = lax.broadcasted_iota(jnp.int32, (r, r), 0)
    rj = lax.broadcasted_iota(jnp.int32, (r, r), 1)
    lower = (rj < ri).astype(jnp.float32)
    offs = jnp.dot(lower, rowcum[:, c - 1:c], preferred_element_type=jnp.float32)
    return rowcum + offs


def _tc_fin_body(part_ref, hist_ref, out_ref):
    part = part_ref[:, 0, :]
    bce_sum = jnp.sum(part[:, 0:1])
    spt = part[:, 1:2]
    sp = part[:, 2:3]
    st = part[:, 3:4]
    dice_mean = jnp.sum((2.0 * spt + EPS) / (sp + st + EPS)) / B
    p_tot = jnp.sum(st)

    hsum = jnp.sum(hist_ref[...], axis=0, keepdims=True)
    x = hsum.reshape(HS * LANES // 128, 128)
    ci = lax.broadcasted_iota(jnp.int32, (128, 128 // LANES), 0)
    cj = lax.broadcasted_iota(jnp.int32, (128, 128 // LANES), 1)
    lane_fold = ((ci // LANES) == cj).astype(jnp.float32)
    g = jnp.dot(x, lane_fold, preferred_element_type=jnp.float32)
    rows_half = NB * LANES // 128
    hneg = g[:rows_half, :]
    hpos = g[rows_half:, :]
    cp_excl = jnp.sum(hpos) - _prefix_incl(hpos)
    cn_excl = jnp.sum(hneg) - _prefix_incl(hneg)
    cp_cell = cp_excl + 0.5 * hpos
    cn_cell = cn_excl + 0.5 * hneg
    jac = 1.0 - (p_tot - cp_cell) / (p_tot + cn_cell)
    lovasz = jnp.float32(T_MAX / NB) * jnp.sum(jac)

    loss = bce_sum / N + (1.0 - dice_mean) + lovasz
    out_ref[...] = jnp.reshape(loss, (1, 1))


def _make_tc_fin():
    return pl.pallas_call(
        _tc_fin_body,
        out_shape=jax.ShapeDtypeStruct((1, 1), jnp.float32),
    )


def kernel(logits, targets):
    part = _make_tc_part()(logits, targets)
    hist = _make_sc_hist()(logits, targets)
    loss = _make_tc_fin()(part, hist)
    return loss[0, 0]

# --- scband reference (transcript-rebuilt; emitter-appended) ---
"""Pipeline reference for scband-bce-dice-lovasz-loss-15083925144323 (READ-ONLY COPY).

The authoritative reference and input builder live on the scoring server;
editing this copy changes nothing except your own understanding.
"""

import jax, jax.numpy as jnp
import numpy as np

WEIGHT_BCE = 1.0
WEIGHT_DICE = 1.0
WEIGHT_LOVASZ = 1.0


def setup_inputs(seed: int = 0) -> dict:
    key = jax.random.key(seed)
    k1, k2 = jax.random.split(key)
    logits = jax.random.normal(k1, (16, 1, 512, 512), dtype=jnp.float32)
    targets = jax.random.randint(k2, (16, 1, 512, 512), 0, 2).astype(jnp.float32)
    return {"logits": logits, "targets": targets}


def _bce_with_logits(logits, targets):
    # numerically stable BCEWithLogitsLoss (mean reduction), matches torch
    return jnp.mean(jnp.maximum(logits, 0.0) - logits * targets + jnp.log1p(jnp.exp(-jnp.abs(logits))))


def _dice_loss(logits, targets, eps=1e-06):
    probs = jax.nn.sigmoid(logits)
    intersection = jnp.sum(probs * targets, axis=(2, 3))
    union = jnp.sum(probs, axis=(2, 3)) + jnp.sum(targets, axis=(2, 3))
    dice = (2.0 * intersection + eps) / (union + eps)
    return 1.0 - jnp.mean(dice)


def _lovasz_grad(gt_sorted):
    gts = jnp.sum(gt_sorted)
    intersection = gts - jnp.cumsum(gt_sorted)
    union = gts + jnp.cumsum(1.0 - gt_sorted)
    jaccard = 1.0 - intersection / union
    # jaccard[1:] = jaccard[1:] - jaccard[:-1] (functional form)
    jaccard = jnp.concatenate([jaccard[:1], jaccard[1:] - jaccard[:-1]])
    return jaccard


def _lovasz_hinge(logits, labels):
    logits_flat = logits.reshape(-1)
    labels_flat = labels.reshape(-1).astype(jnp.float32)
    signs = 2.0 * labels_flat - 1.0
    errors = 1.0 - logits_flat * signs
    perm = jnp.argsort(-errors)  # descending sort permutation
    errors_sorted = errors[perm]
    gt_sorted = labels_flat[perm]
    grad = _lovasz_grad(gt_sorted)
    return jnp.dot(jax.nn.relu(errors_sorted), grad)


def reference(logits, targets):
    bce_loss = _bce_with_logits(logits, targets)
    dice_loss = _dice_loss(logits, targets)
    lovasz_loss = _lovasz_hinge(logits, targets)
    return WEIGHT_BCE * bce_loss + WEIGHT_DICE * dice_loss + WEIGHT_LOVASZ * lovasz_loss

if __name__ == "__main__":
    import jax
    _d = setup_inputs()
    print(jax.jit(kernel)(*tuple(_d.values())))

</pallas_src>

<mosaic_0001>
#map = affine_map<(d0, d1) -> (0, 0, 0, 0)>
#map1 = affine_map<(d0, d1) -> (0, 0)>
module attributes {stable_mosaic.version = 14 : i64} {
  func.func @_sc_hist_body(%arg0: i32, %arg1: i32, %arg2: memref<16x1x512x512xf32, #tpu.memory_space<hbm>>, %arg3: memref<16x1x512x512xf32, #tpu.memory_space<hbm>>, %arg4: memref<32x32768xf32, #tpu.memory_space<hbm>>, %arg5: memref<32768xf32, #tpu.memory_space<vmem>>, %arg6: memref<8x512xf32, #tpu.memory_space<vmem>>, %arg7: memref<8x512xf32, #tpu.memory_space<vmem>>, %arg8: memref<8x512xf32, #tpu.memory_space<vmem>>, %arg9: memref<8x512xf32, #tpu.memory_space<vmem>>, %arg10: memref<!tpu.dma_semaphore, #tpu.memory_space<semaphore_mem>>, %arg11: memref<!tpu.dma_semaphore, #tpu.memory_space<semaphore_mem>>, %arg12: memref<!tpu.dma_semaphore, #tpu.memory_space<semaphore_mem>>, %arg13: memref<!tpu.dma_semaphore, #tpu.memory_space<semaphore_mem>>) attributes {dimension_semantics = [#tpu.dimension_semantics<core_parallel>, #tpu.dimension_semantics<subcore_parallel>], iteration_bounds = array<i64: 2, 16>, scalar_prefetch = 0 : i64, scratch_operands = 9 : i64, tpu.core_type = #tpu.core_type<sc_vector_subcore>, window_params = [{transform_indices = #map}, {transform_indices = #map}, {transform_indices = #map1}]} {
    %mul3A = arith.constant 2 : i32
    %mul3A_0 = arith.muli %arg1, %mul3A : i32
    %add3A = arith.addi %mul3A_0, %arg0 : i32
    %mul3A_1 = arith.constant 256 : i32
    %mul3A_2 = arith.muli %add3A, %mul3A_1 : i32
    %iota3A = tpu.iota {dimensions = array<i32: 0>} : vector<16xi32>
    %broadcast_in_dim3A = arith.constant 0.000000e+00 : f32
    %broadcast_in_dim3A_3 = vector.broadcast %broadcast_in_dim3A : f32 to vector<16xf32>
    %broadcast_in_dim3A_4 = arith.constant 1.000000e+00 : f32
    %broadcast_in_dim3A_5 = vector.broadcast %broadcast_in_dim3A_4 : f32 to vector<16xf32>
    %broadcast_in_dim3A_6 = arith.constant 0.000000e+00 : f32
    %broadcast_in_dim3A_7 = vector.broadcast %broadcast_in_dim3A_6 : f32 to vector<16xf32>
    %broadcast_in_dim3A_8 = arith.constant 1.024000e+03 : f32
    %broadcast_in_dim3A_9 = vector.broadcast %broadcast_in_dim3A_8 : f32 to vector<16xf32>
    %add3A_10 = arith.constant 0 : i32
    %add3A_11 = arith.addi %mul3A_2, %add3A_10 : i32
    %dma_start3A = tpu.memref_reshape %arg2 : memref<16x1x512x512xf32, #tpu.memory_space<hbm>> -> memref<8192x512xf32, #tpu.memory_space<hbm>>
    %dma_start3A_12 = arith.constant 0 : i32
    %dma_start3A_13 = tpu.memref_slice %dma_start3A[%add3A_11, %dma_start3A_12] : memref<8192x512xf32, #tpu.memory_space<hbm>> -> memref<8x512xf32, #tpu.memory_space<hbm>>
    %dma_start3A_14 = tpu.memref_reshape %arg2 : memref<16x1x512x512xf32, #tpu.memory_space<hbm>> -> memref<8192x512xf32, #tpu.memory_space<hbm>>
    %dma_start3A_15 = arith.constant 0 : i32
    %dma_start3A_16 = tpu.memref_slice %dma_start3A_14[%add3A_11, %dma_start3A_15] : memref<8192x512xf32, #tpu.memory_space<hbm>> -> memref<8x512xf32, #tpu.memory_space<hbm>>
    tpu.enqueue_dma source(%dma_start3A_16 : memref<8x512xf32, #tpu.memory_space<hbm>>) target(%arg6 : memref<8x512xf32, #tpu.memory_space<vmem>>) target_semaphore(%arg10 : memref<!tpu.dma_semaphore, #tpu.memory_space<semaphore_mem>>)
    %dma_start3A_17 = tpu.memref_reshape %arg3 : memref<16x1x512x512xf32, #tpu.memory_space<hbm>> -> memref<8192x512xf32, #tpu.memory_space<hbm>>
    %dma_start3A_18 = arith.constant 0 : i32
    %dma_start3A_19 = tpu.memref_slice %dma_start3A_17[%add3A_11, %dma_start3A_18] : memref<8192x512xf32, #tpu.memory_space<hbm>> -> memref<8x512xf32, #tpu.memory_space<hbm>>
    %dma_start3A_20 = tpu.memref_reshape %arg3 : memref<16x1x512x512xf32, #tpu.memory_space<hbm>> -> memref<8192x512xf32, #tpu.memory_space<hbm>>
    %dma_start3A_21 = arith.constant 0 : i32
    %dma_start3A_22 = tpu.memref_slice %dma_start3A_20[%add3A_11, %dma_start3A_21] : memref<8192x512xf32, #tpu.memory_space<hbm>> -> memref<8x512xf32, #tpu.memory_space<hbm>>
    tpu.enqueue_dma source(%dma_start3A_22 : memref<8x512xf32, #tpu.memory_space<hbm>>) target(%arg7 : memref<8x512xf32, #tpu.memory_space<vmem>>) target_semaphore(%arg11 : memref<!tpu.dma_semaphore, #tpu.memory_space<semaphore_mem>>)
    %add3A_23 = arith.constant 8 : i32
    %add3A_24 = arith.addi %mul3A_2, %add3A_23 : i32
    %dma_start3A_25 = tpu.memref_reshape %arg2 : memref<16x1x512x512xf32, #tpu.memory_space<hbm>> -> memref<8192x512xf32, #tpu.memory_space<hbm>>
    %dma_start3A_26 = arith.constant 0 : i32
    %dma_start3A_27 = tpu.memref_slice %dma_start3A_25[%add3A_24, %dma_start3A_26] : memref<8192x512xf32, #tpu.memory_space<hbm>> -> memref<8x512xf32, #tpu.memory_space<hbm>>
    %dma_start3A_28 = tpu.memref_reshape %arg2 : memref<16x1x512x512xf32, #tpu.memory_space<hbm>> -> memref<8192x512xf32, #tpu.memory_space<hbm>>
    %dma_start3A_29 = arith.constant 0 : i32
    %dma_start3A_30 = tpu.memref_slice %dma_start3A_28[%add3A_24, %dma_start3A_29] : memref<8192x512xf32, #tpu.memory_space<hbm>> -> memref<8x512xf32, #tpu.memory_space<hbm>>
    tpu.enqueue_dma source(%dma_start3A_30 : memref<8x512xf32, #tpu.memory_space<hbm>>) target(%arg8 : memref<8x512xf32, #tpu.memory_space<vmem>>) target_semaphore(%arg12 : memref<!tpu.dma_semaphore, #tpu.memory_space<semaphore_mem>>)
    %dma_start3A_31 = tpu.memref_reshape %arg3 : memref<16x1x512x512xf32, #tpu.memory_space<hbm>> -> memref<8192x512xf32, #tpu.memory_space<hbm>>
    %dma_start3A_32 = arith.constant 0 : i32
    %dma_start3A_33 = tpu.memref_slice %dma_start3A_31[%add3A_24, %dma_start3A_32] : memref<8192x512xf32, #tpu.memory_space<hbm>> -> memref<8x512xf32, #tpu.memory_space<hbm>>
    %dma_start3A_34 = tpu.memref_reshape %arg3 : memref<16x1x512x512xf32, #tpu.memory_space<hbm>> -> memref<8192x512xf32, #tpu.memory_space<hbm>>
    %dma_start3A_35 = arith.constant 0 : i32
    %dma_start3A_36 = tpu.memref_slice %dma_start3A_34[%add3A_24, %dma_start3A_35] : memref<8192x512xf32, #tpu.memory_space<hbm>> -> memref<8x512xf32, #tpu.memory_space<hbm>>
    tpu.enqueue_dma source(%dma_start3A_36 : memref<8x512xf32, #tpu.memory_space<hbm>>) target(%arg9 : memref<8x512xf32, #tpu.memory_space<vmem>>) target_semaphore(%arg13 : memref<!tpu.dma_semaphore, #tpu.memory_space<semaphore_mem>>)
    %parallel_loop3A = arith.constant 0 : i32
    %parallel_loop3A_37 = arith.constant 2048 : i32
    %parallel_loop3A_38 = arith.constant 1 : i32
    scf.for %parallel_loop3A_46 = %parallel_loop3A to %parallel_loop3A_37 step %parallel_loop3A_38  : i32 {
      %parallel_loop3A_47 = arith.constant 16 : i32
      %parallel_loop3A_48 = arith.muli %parallel_loop3A_46, %parallel_loop3A_47 : i32
      %parallel_loop3A_49 = arith.index_cast %parallel_loop3A_48 : i32 to index
      %parallel_loop3A_50 = tpu.vector_load %arg5[%parallel_loop3A_49] {strides = array<i32>} : memref<32768xf32, #tpu.memory_space<vmem>>, vector<16xf32>,
      tpu.vector_store %arg5[%parallel_loop3A_49], %broadcast_in_dim3A_3 {strides = array<i32>} : memref<32768xf32, #tpu.memory_space<vmem>>, vector<16xf32>,
    } {sc.loop_unroll_factor = 8 : i64, sc.parallel_access}
    %scan3A = arith.constant 0 : i32
    %scan3A_39 = arith.constant 1.280000e+02 : f32
    %scan3A_40 = arith.constant 1.023000e+03 : f32
    %scan3A_41 = arith.constant 0 : i32
    %scan3A_42 = arith.constant 16 : i32
    %scan3A_43 = arith.addi %scan3A_41, %scan3A_42 : i32
    %scan3A_44 = arith.constant 1 : i32
    scf.for %scan3A_46 = %scan3A_41 to %scan3A_43 step %scan3A_44  : i32 {
      %mul3A_47 = arith.constant 2 : i32
      %mul3A_48 = arith.muli %mul3A_47, %scan3A_46 : i32
      %dma_wait3A = tpu.memref_reshape %arg2 : memref<16x1x512x512xf32, #tpu.memory_space<hbm>> -> memref<8192x512xf32, #tpu.memory_space<hbm>>
      %dma_wait3A_49 = arith.constant 0 : i32
      %dma_wait3A_50 = arith.constant 0 : i32
      %dma_wait3A_51 = tpu.memref_slice %dma_wait3A[%dma_wait3A_49, %dma_wait3A_50] : memref<8192x512xf32, #tpu.memory_space<hbm>> -> memref<8x512xf32, #tpu.memory_space<hbm>>
      %dma_wait3A_52 = tpu.memref_reshape %arg2 : memref<16x1x512x512xf32, #tpu.memory_space<hbm>> -> memref<8192x512xf32, #tpu.memory_space<hbm>>
      %dma_wait3A_53 = arith.constant 0 : i32
      %dma_wait3A_54 = arith.constant 0 : i32
      %dma_wait3A_55 = tpu.memref_slice %dma_wait3A_52[%dma_wait3A_53, %dma_wait3A_54] : memref<8192x512xf32, #tpu.memory_space<hbm>> -> memref<8x512xf32, #tpu.memory_space<hbm>>
      tpu.wait_dma2 semaphore(%arg10 : memref<!tpu.dma_semaphore, #tpu.memory_space<semaphore_mem>>) src(%dma_wait3A_55 : memref<8x512xf32, #tpu.memory_space<hbm>>) dst(%arg6 : memref<8x512xf32, #tpu.memory_space<vmem>>)
      %dma_wait3A_56 = tpu.memref_reshape %arg3 : memref<16x1x512x512xf32, #tpu.memory_space<hbm>> -> memref<8192x512xf32, #tpu.memory_space<hbm>>
      %dma_wait3A_57 = arith.constant 0 : i32
      %dma_wait3A_58 = arith.constant 0 : i32
      %dma_wait3A_59 = tpu.memref_slice %dma_wait3A_56[%dma_wait3A_57, %dma_wait3A_58] : memref<8192x512xf32, #tpu.memory_space<hbm>> -> memref<8x512xf32, #tpu.memory_space<hbm>>
      %dma_wait3A_60 = tpu.memref_reshape %arg3 : memref<16x1x512x512xf32, #tpu.memory_space<hbm>> -> memref<8192x512xf32, #tpu.memory_space<hbm>>
      %dma_wait3A_61 = arith.constant 0 : i32
      %dma_wait3A_62 = arith.constant 0 : i32
      %dma_wait3A_63 = tpu.memref_slice %dma_wait3A_60[%dma_wait3A_61, %dma_wait3A_62] : memref<8192x512xf32, #tpu.memory_space<hbm>> -> memref<8x512xf32, #tpu.memory_space<hbm>>
      tpu.wait_dma2 semaphore(%arg11 : memref<!tpu.dma_semaphore, #tpu.memory_space<semaphore_mem>>) src(%dma_wait3A_63 : memref<8x512xf32, #tpu.memory_space<hbm>>) dst(%arg7 : memref<8x512xf32, #tpu.memory_space<vmem>>)
      %parallel_loop3A_64 = arith.constant 0 : i32
      %parallel_loop3A_65 = arith.constant 32 : i32
      %parallel_loop3A_66 = arith.constant 1 : i32
      scf.for %parallel_loop3A_139 = %parallel_loop3A_64 to %parallel_loop3A_65 step %parallel_loop3A_66  : i32 {
        %parallel_loop3A_140 = arith.constant 16 : i32
        %parallel_loop3A_141 = arith.muli %parallel_loop3A_139, %parallel_loop3A_140 : i32
        %parallel_loop3A_142 = arith.constant 0 : i32
        %parallel_loop3A_143 = arith.index_cast %parallel_loop3A_142 : i32 to index
        %parallel_loop3A_144 = arith.index_cast %parallel_loop3A_141 : i32 to index
        %parallel_loop3A_145 = tpu.vector_load %arg6[%parallel_loop3A_143, %parallel_loop3A_144] {strides = array<i32>} : memref<8x512xf32, #tpu.memory_space<vmem>>, vector<16xf32>,
        %parallel_loop3A_146 = arith.constant 0 : i32
        %parallel_loop3A_147 = arith.index_cast %parallel_loop3A_146 : i32 to index
        %parallel_loop3A_148 = arith.index_cast %parallel_loop3A_141 : i32 to index
        %parallel_loop3A_149 = tpu.vector_load %arg7[%parallel_loop3A_147, %parallel_loop3A_148] {strides = array<i32>} : memref<8x512xf32, #tpu.memory_space<vmem>>, vector<16xf32>,
        %parallel_loop3A_150 = arith.constant 5.000000e-01 : f32
        %parallel_loop3A_151 = vector.broadcast %parallel_loop3A_150 : f32 to vector<16xf32>
        %parallel_loop3A_152 = arith.cmpf ogt, %parallel_loop3A_149, %parallel_loop3A_151 : vector<16xf32>
        %parallel_loop3A_153 = arith.constant 0.000000e+00 : f32
        %parallel_loop3A_154 = vector.broadcast %parallel_loop3A_153 : f32 to vector<16xf32>
        %parallel_loop3A_155 = arith.subf %parallel_loop3A_154, %parallel_loop3A_145 : vector<16xf32>
        %parallel_loop3A_156 = arith.select %parallel_loop3A_152, %parallel_loop3A_145, %parallel_loop3A_155 : vector<16xi1>, vector<16xf32>
        %parallel_loop3A_157 = arith.select %parallel_loop3A_152, %broadcast_in_dim3A_9, %broadcast_in_dim3A_7 : vector<16xi1>, vector<16xf32>
        %parallel_loop3A_158 = arith.constant 1.000000e+00 : f32
        %parallel_loop3A_159 = vector.broadcast %parallel_loop3A_158 : f32 to vector<16xf32>
        %parallel_loop3A_160 = arith.subf %parallel_loop3A_159, %parallel_loop3A_156 : vector<16xf32>
        %parallel_loop3A_161 = arith.constant 0.000000e+00 : f32
        %parallel_loop3A_162 = vector.broadcast %parallel_loop3A_161 : f32 to vector<16xf32>
        %parallel_loop3A_163 = arith.cmpf ogt, %parallel_loop3A_160, %parallel_loop3A_162 : vector<16xf32>
        %parallel_loop3A_164 = vector.broadcast %scan3A_39 : f32 to vector<16xf32>
        %parallel_loop3A_165 = arith.mulf %parallel_loop3A_160, %parallel_loop3A_164 : vector<16xf32>
        %parallel_loop3A_166 = arith.addf %parallel_loop3A_157, %parallel_loop3A_165 : vector<16xf32>
        %parallel_loop3A_167 = vector.broadcast %scan3A_40 : f32 to vector<16xf32>
        %parallel_loop3A_168 = arith.addf %parallel_loop3A_157, %parallel_loop3A_167 : vector<16xf32>
        %parallel_loop3A_169 = arith.minimumf %parallel_loop3A_166, %parallel_loop3A_168 : vector<16xf32>
        %parallel_loop3A_170 = arith.fptosi %parallel_loop3A_169 : vector<16xf32> to vector<16xi32>
        %parallel_loop3A_171 = arith.constant 4 : i32
        %parallel_loop3A_172 = vector.broadcast %parallel_loop3A_171 : i32 to vector<16xi32>
        %parallel_loop3A_173 = arith.shli %parallel_loop3A_170, %parallel_loop3A_172 : vector<16xi32>
        %parallel_loop3A_174 = arith.addi %parallel_loop3A_173, %iota3A : vector<16xi32>
        tpu.vector_store_idx %arg5[%parallel_loop3A_174], %broadcast_in_dim3A_5 masked %parallel_loop3A_163 {add = true} : memref<32768xf32, #tpu.memory_space<vmem>>[vector<16xi32>], vector<16xf32>, vector<16xi1>
      } {sc.loop_unroll_factor = 4 : i64, sc.parallel_access}
      %parallel_loop3A_67 = arith.constant 0 : i32
      %parallel_loop3A_68 = arith.constant 32 : i32
      %parallel_loop3A_69 = arith.constant 1 : i32
      scf.for %parallel_loop3A_139 = %parallel_loop3A_67 to %parallel_loop3A_68 step %parallel_loop3A_69  : i32 {
        %parallel_loop3A_140 = arith.constant 16 : i32
        %parallel_loop3A_141 = arith.muli %parallel_loop3A_139, %parallel_loop3A_140 : i32
        %parallel_loop3A_142 = arith.constant 1 : i32
        %parallel_loop3A_143 = arith.index_cast %parallel_loop3A_142 : i32 to index
        %parallel_loop3A_144 = arith.index_cast %parallel_loop3A_141 : i32 to index
        %parallel_loop3A_145 = tpu.vector_load %arg6[%parallel_loop3A_143, %parallel_loop3A_144] {strides = array<i32>} : memref<8x512xf32, #tpu.memory_space<vmem>>, vector<16xf32>,
        %parallel_loop3A_146 = arith.constant 1 : i32
        %parallel_loop3A_147 = arith.index_cast %parallel_loop3A_146 : i32 to index
        %parallel_loop3A_148 = arith.index_cast %parallel_loop3A_141 : i32 to index
        %parallel_loop3A_149 = tpu.vector_load %arg7[%parallel_loop3A_147, %parallel_loop3A_148] {strides = array<i32>} : memref<8x512xf32, #tpu.memory_space<vmem>>, vector<16xf32>,
        %parallel_loop3A_150 = arith.constant 5.000000e-01 : f32
        %parallel_loop3A_151 = vector.broadcast %parallel_loop3A_150 : f32 to vector<16xf32>
        %parallel_loop3A_152 = arith.cmpf ogt, %parallel_loop3A_149, %parallel_loop3A_151 : vector<16xf32>
        %parallel_loop3A_153 = arith.constant 0.000000e+00 : f32
        %parallel_loop3A_154 = vector.broadcast %parallel_loop3A_153 : f32 to vector<16xf32>
        %parallel_loop3A_155 = arith.subf %parallel_loop3A_154, %parallel_loop3A_145 : vector<16xf32>
        %parallel_loop3A_156 = arith.select %parallel_loop3A_152, %parallel_loop3A_145, %parallel_loop3A_155 : vector<16xi1>, vector<16xf32>
        %parallel_loop3A_157 = arith.select %parallel_loop3A_152, %broadcast_in_dim3A_9, %broadcast_in_dim3A_7 : vector<16xi1>, vector<16xf32>
        %parallel_loop3A_158 = arith.constant 1.000000e+00 : f32
        %parallel_loop3A_159 = vector.broadcast %parallel_loop3A_158 : f32 to vector<16xf32>
        %parallel_loop3A_160 = arith.subf %parallel_loop3A_159, %parallel_loop3A_156 : vector<16xf32>
        %parallel_loop3A_161 = arith.constant 0.000000e+00 : f32
        %parallel_loop3A_162 = vector.broadcast %parallel_loop3A_161 : f32 to vector<16xf32>
        %parallel_loop3A_163 = arith.cmpf ogt, %parallel_loop3A_160, %parallel_loop3A_162 : vector<16xf32>
        %parallel_loop3A_164 = vector.broadcast %scan3A_39 : f32 to vector<16xf32>
        %parallel_loop3A_165 = arith.mulf %parallel_loop3A_160, %parallel_loop3A_164 : vector<16xf32>
        %parallel_loop3A_166 = arith.addf %parallel_loop3A_157, %parallel_loop3A_165 : vector<16xf32>
        %parallel_loop3A_167 = vector.broadcast %scan3A_40 : f32 to vector<16xf32>
        %parallel_loop3A_168 = arith.addf %parallel_loop3A_157, %parallel_loop3A_167 : vector<16xf32>
        %parallel_loop3A_169 = arith.minimumf %parallel_loop3A_166, %parallel_loop3A_168 : vector<16xf32>
        %parallel_loop3A_170 = arith.fptosi %parallel_loop3A_169 : vector<16xf32> to vector<16xi32>
        %parallel_loop3A_171 = arith.constant 4 : i32
        %parallel_loop3A_172 = vector.broadcast %parallel_loop3A_171 : i32 to vector<16xi32>
        %parallel_loop3A_173 = arith.shli %parallel_loop3A_170, %parallel_loop3A_172 : vector<16xi32>
        %parallel_loop3A_174 = arith.addi %parallel_loop3A_173, %iota3A : vector<16xi32>
        tpu.vector_store_idx %arg5[%parallel_loop3A_174], %broadcast_in_dim3A_5 masked %parallel_loop3A_163 {add = true} : memref<32768xf32, #tpu.memory_space<vmem>>[vector<16xi32>], vector<16xf32>, vector<16xi1>
      } {sc.loop_unroll_factor = 4 : i64, sc.parallel_access}
      %parallel_loop3A_70 = arith.constant 0 : i32
      %parallel_loop3A_71 = arith.constant 32 : i32
      %parallel_loop3A_72 = arith.constant 1 : i32
      scf.for %parallel_loop3A_139 = %parallel_loop3A_70 to %parallel_loop3A_71 step %parallel_loop3A_72  : i32 {
        %parallel_loop3A_140 = arith.constant 16 : i32
        %parallel_loop3A_141 = arith.muli %parallel_loop3A_139, %parallel_loop3A_140 : i32
        %parallel_loop3A_142 = arith.constant 2 : i32
        %parallel_loop3A_143 = arith.index_cast %parallel_loop3A_142 : i32 to index
        %parallel_loop3A_144 = arith.index_cast %parallel_loop3A_141 : i32 to index
        %parallel_loop3A_145 = tpu.vector_load %arg6[%parallel_loop3A_143, %parallel_loop3A_144] {strides = array<i32>} : memref<8x512xf32, #tpu.memory_space<vmem>>, vector<16xf32>,
        %parallel_loop3A_146 = arith.constant 2 : i32
        %parallel_loop3A_147 = arith.index_cast %parallel_loop3A_146 : i32 to index
        %parallel_loop3A_148 = arith.index_cast %parallel_loop3A_141 : i32 to index
        %parallel_loop3A_149 = tpu.vector_load %arg7[%parallel_loop3A_147, %parallel_loop3A_148] {strides = array<i32>} : memref<8x512xf32, #tpu.memory_space<vmem>>, vector<16xf32>,
        %parallel_loop3A_150 = arith.constant 5.000000e-01 : f32
        %parallel_loop3A_151 = vector.broadcast %parallel_loop3A_150 : f32 to vector<16xf32>
        %parallel_loop3A_152 = arith.cmpf ogt, %parallel_loop3A_149, %parallel_loop3A_151 : vector<16xf32>
        %parallel_loop3A_153 = arith.constant 0.000000e+00 : f32
        %parallel_loop3A_154 = vector.broadcast %parallel_loop3A_153 : f32 to vector<16xf32>
        %parallel_loop3A_155 = arith.subf %parallel_loop3A_154, %parallel_loop3A_145 : vector<16xf32>
        %parallel_loop3A_156 = arith.select %parallel_loop3A_152, %parallel_loop3A_145, %parallel_loop3A_155 : vector<16xi1>, vector<16xf32>
        %parallel_loop3A_157 = arith.select %parallel_loop3A_152, %broadcast_in_dim3A_9, %broadcast_in_dim3A_7 : vector<16xi1>, vector<16xf32>
        %parallel_loop3A_158 = arith.constant 1.000000e+00 : f32
        %parallel_loop3A_159 = vector.broadcast %parallel_loop3A_158 : f32 to vector<16xf32>
        %parallel_loop3A_160 = arith.subf %parallel_loop3A_159, %parallel_loop3A_156 : vector<16xf32>
        %parallel_loop3A_161 = arith.constant 0.000000e+00 : f32
        %parallel_loop3A_162 = vector.broadcast %parallel_loop3A_161 : f32 to vector<16xf32>
        %parallel_loop3A_163 = arith.cmpf ogt, %parallel_loop3A_160, %parallel_loop3A_162 : vector<16xf32>
        %parallel_loop3A_164 = vector.broadcast %scan3A_39 : f32 to vector<16xf32>
        %parallel_loop3A_165 = arith.mulf %parallel_loop3A_160, %parallel_loop3A_164 : vector<16xf32>
        %parallel_loop3A_166 = arith.addf %parallel_loop3A_157, %parallel_loop3A_165 : vector<16xf32>
        %parallel_loop3A_167 = vector.broadcast %scan3A_40 : f32 to vector<16xf32>
        %parallel_loop3A_168 = arith.addf %parallel_loop3A_157, %parallel_loop3A_167 : vector<16xf32>
        %parallel_loop3A_169 = arith.minimumf %parallel_loop3A_166, %parallel_loop3A_168 : vector<16xf32>
        %parallel_loop3A_170 = arith.fptosi %parallel_loop3A_169 : vector<16xf32> to vector<16xi32>
        %parallel_loop3A_171 = arith.constant 4 : i32
        %parallel_loop3A_172 = vector.broadcast %parallel_loop3A_171 : i32 to vector<16xi32>
        %parallel_loop3A_173 = arith.shli %parallel_loop3A_170, %parallel_loop3A_172 : vector<16xi32>
        %parallel_loop3A_174 = arith.addi %parallel_loop3A_173, %iota3A : vector<16xi32>
        tpu.vector_store_idx %arg5[%parallel_loop3A_174], %broadcast_in_dim3A_5 masked %parallel_loop3A_163 {add = true} : memref<32768xf32, #tpu.memory_space<vmem>>[vector<16xi32>], vector<16xf32>, vector<16xi1>
      } {sc.loop_unroll_factor = 4 : i64, sc.parallel_access}
      %parallel_loop3A_73 = arith.constant 0 : i32
      %parallel_loop3A_74 = arith.constant 32 : i32
      %parallel_loop3A_75 = arith.constant 1 : i32
      scf.for %parallel_loop3A_139 = %parallel_loop3A_73 to %parallel_loop3A_74 step %parallel_loop3A_75  : i32 {
        %parallel_loop3A_140 = arith.constant 16 : i32
        %parallel_loop3A_141 = arith.muli %parallel_loop3A_139, %parallel_loop3A_140 : i32
        %parallel_loop3A_142 = arith.constant 3 : i32
        %parallel_loop3A_143 = arith.index_cast %parallel_loop3A_142 : i32 to index
        %parallel_loop3A_144 = arith.index_cast %parallel_loop3A_141 : i32 to index
        %parallel_loop3A_145 = tpu.vector_load %arg6[%parallel_loop3A_143, %parallel_loop3A_144] {strides = array<i32>} : memref<8x512xf32, #tpu.memory_space<vmem>>, vector<16xf32>,
        %parallel_loop3A_146 = arith.constant 3 : i32
        %parallel_loop3A_147 = arith.index_cast %parallel_loop3A_146 : i32 to index
        %parallel_loop3A_148 = arith.index_cast %parallel_loop3A_141 : i32 to index
        %parallel_loop3A_149 = tpu.vector_load %arg7[%parallel_loop3A_147, %parallel_loop3A_148] {strides = array<i32>} : memref<8x512xf32, #tpu.memory_space<vmem>>, vector<16xf32>,
        %parallel_loop3A_150 = arith.constant 5.000000e-01 : f32
        %parallel_loop3A_151 = vector.broadcast %parallel_loop3A_150 : f32 to vector<16xf32>
        %parallel_loop3A_152 = arith.cmpf ogt, %parallel_loop3A_149, %parallel_loop3A_151 : vector<16xf32>
        %parallel_loop3A_153 = arith.constant 0.000000e+00 : f32
        %parallel_loop3A_154 = vector.broadcast %parallel_loop3A_153 : f32 to vector<16xf32>
        %parallel_loop3A_155 = arith.subf %parallel_loop3A_154, %parallel_loop3A_145 : vector<16xf32>
        %parallel_loop3A_156 = arith.select %parallel_loop3A_152, %parallel_loop3A_145, %parallel_loop3A_155 : vector<16xi1>, vector<16xf32>
        %parallel_loop3A_157 = arith.select %parallel_loop3A_152, %broadcast_in_dim3A_9, %broadcast_in_dim3A_7 : vector<16xi1>, vector<16xf32>
        %parallel_loop3A_158 = arith.constant 1.000000e+00 : f32
        %parallel_loop3A_159 = vector.broadcast %parallel_loop3A_158 : f32 to vector<16xf32>
        %parallel_loop3A_160 = arith.subf %parallel_loop3A_159, %parallel_loop3A_156 : vector<16xf32>
        %parallel_loop3A_161 = arith.constant 0.000000e+00 : f32
        %parallel_loop3A_162 = vector.broadcast %parallel_loop3A_161 : f32 to vector<16xf32>
        %parallel_loop3A_163 = arith.cmpf ogt, %parallel_loop3A_160, %parallel_loop3A_162 : vector<16xf32>
        %parallel_loop3A_164 = vector.broadcast %scan3A_39 : f32 to vector<16xf32>
        %parallel_loop3A_165 = arith.mulf %parallel_loop3A_160, %parallel_loop3A_164 : vector<16xf32>
        %parallel_loop3A_166 = arith.addf %parallel_loop3A_157, %parallel_loop3A_165 : vector<16xf32>
        %parallel_loop3A_167 = vector.broadcast %scan3A_40 : f32 to vector<16xf32>
        %parallel_loop3A_168 = arith.addf %parallel_loop3A_157, %parallel_loop3A_167 : vector<16xf32>
        %parallel_loop3A_169 = arith.minimumf %parallel_loop3A_166, %parallel_loop3A_168 : vector<16xf32>
        %parallel_loop3A_170 = arith.fptosi %parallel_loop3A_169 : vector<16xf32> to vector<16xi32>
        %parallel_loop3A_171 = arith.constant 4 : i32
        %parallel_loop3A_172 = vector.broadcast %parallel_loop3A_171 : i32 to vector<16xi32>
        %parallel_loop3A_173 = arith.shli %parallel_loop3A_170, %parallel_loop3A_172 : vector<16xi32>
        %parallel_loop3A_174 = arith.addi %parallel_loop3A_173, %iota3A : vector<16xi32>
        tpu.vector_store_idx %arg5[%parallel_loop3A_174], %broadcast_in_dim3A_5 masked %parallel_loop3A_163 {add = true} : memref<32768xf32, #tpu.memory_space<vmem>>[vector<16xi32>], vector<16xf32>, vector<16xi1>
      } {sc.loop_unroll_factor = 4 : i64, sc.parallel_access}
      %parallel_loop3A_76 = arith.constant 0 : i32
      %parallel_loop3A_77 = arith.constant 32 : i32
      %parallel_loop3A_78 = arith.constant 1 : i32
      scf.for %parallel_loop3A_139 = %parallel_loop3A_76 to %parallel_loop3A_77 step %parallel_loop3A_78  : i32 {
        %parallel_loop3A_140 = arith.constant 16 : i32
        %parallel_loop3A_141 = arith.muli %parallel_loop3A_139, %parallel_loop3A_140 : i32
        %parallel_loop3A_142 = arith.constant 4 : i32
        %parallel_loop3A_143 = arith.index_cast %parallel_loop3A_142 : i32 to index
        %parallel_loop3A_144 = arith.index_cast %parallel_loop3A_141 : i32 to index
        %parallel_loop3A_145 = tpu.vector_load %arg6[%parallel_loop3A_143, %parallel_loop3A_144] {strides = array<i32>} : memref<8x512xf32, #tpu.memory_space<vmem>>, vector<16xf32>,
        %parallel_loop3A_146 = arith.constant 4 : i32
        %parallel_loop3A_147 = arith.index_cast %parallel_loop3A_146 : i32 to index
        %parallel_loop3A_148 = arith.index_cast %parallel_loop3A_141 : i32 to index
        %parallel_loop3A_149 = tpu.vector_load %arg7[%parallel_loop3A_147, %parallel_loop3A_148] {strides = array<i32>} : memref<8x512xf32, #tpu.memory_space<vmem>>, vector<16xf32>,
        %parallel_loop3A_150 = arith.constant 5.000000e-01 : f32
        %parallel_loop3A_151 = vector.broadcast %parallel_loop3A_150 : f32 to vector<16xf32>
        %parallel_loop3A_152 = arith.cmpf ogt, %parallel_loop3A_149, %parallel_loop3A_151 : vector<16xf32>
        %parallel_loop3A_153 = arith.constant 0.000000e+00 : f32
        %parallel_loop3A_154 = vector.broadcast %parallel_loop3A_153 : f32 to vector<16xf32>
        %parallel_loop3A_155 = arith.subf %parallel_loop3A_154, %parallel_loop3A_145 : vector<16xf32>
        %parallel_loop3A_156 = arith.select %parallel_loop3A_152, %parallel_loop3A_145, %parallel_loop3A_155 : vector<16xi1>, vector<16xf32>
        %parallel_loop3A_157 = arith.select %parallel_loop3A_152, %broadcast_in_dim3A_9, %broadcast_in_dim3A_7 : vector<16xi1>, vector<16xf32>
        %parallel_loop3A_158 = arith.constant 1.000000e+00 : f32
        %parallel_loop3A_159 = vector.broadcast %parallel_loop3A_158 : f32 to vector<16xf32>
        %parallel_loop3A_160 = arith.subf %parallel_loop3A_159, %parallel_loop3A_156 : vector<16xf32>
        %parallel_loop3A_161 = arith.constant 0.000000e+00 : f32
        %parallel_loop3A_162 = vector.broadcast %parallel_loop3A_161 : f32 to vector<16xf32>
        %parallel_loop3A_163 = arith.cmpf ogt, %parallel_loop3A_160, %parallel_loop3A_162 : vector<16xf32>
        %parallel_loop3A_164 = vector.broadcast %scan3A_39 : f32 to vector<16xf32>
        %parallel_loop3A_165 = arith.mulf %parallel_loop3A_160, %parallel_loop3A_164 : vector<16xf32>
        %parallel_loop3A_166 = arith.addf %parallel_loop3A_157, %parallel_loop3A_165 : vector<16xf32>
        %parallel_loop3A_167 = vector.broadcast %scan3A_40 : f32 to vector<16xf32>
        %parallel_loop3A_168 = arith.addf %parallel_loop3A_157, %parallel_loop3A_167 : vector<16xf32>
        %parallel_loop3A_169 = arith.minimumf %parallel_loop3A_166, %parallel_loop3A_168 : vector<16xf32>
        %parallel_loop3A_170 = arith.fptosi %parallel_loop3A_169 : vector<16xf32> to vector<16xi32>
        %parallel_loop3A_171 = arith.constant 4 : i32
        %parallel_loop3A_172 = vector.broadcast %parallel_loop3A_171 : i32 to vector<16xi32>
        %parallel_loop3A_173 = arith.shli %parallel_loop3A_170, %parallel_loop3A_172 : vector<16xi32>
        %parallel_loop3A_174 = arith.addi %parallel_loop3A_173, %iota3A : vector<16xi32>
        tpu.vector_store_idx %arg5[%parallel_loop3A_174], %broadcast_in_dim3A_5 masked %parallel_loop3A_163 {add = true} : memref<32768xf32, #tpu.memory_space<vmem>>[vector<16xi32>], vector<16xf32>, vector<16xi1>
      } {sc.loop_unroll_factor = 4 : i64, sc.parallel_access}
      %parallel_loop3A_79 = arith.constant 0 : i32
      %parallel_loop3A_80 = arith.constant 32 : i32
      %parallel_loop3A_81 = arith.constant 1 : i32
      scf.for %parallel_loop3A_139 = %parallel_loop3A_79 to %parallel_loop3A_80 step %parallel_loop3A_81  : i32 {
        %parallel_loop3A_140 = arith.constant 16 : i32
        %parallel_loop3A_141 = arith.muli %parallel_loop3A_139, %parallel_loop3A_140 : i32
        %parallel_loop3A_142 = arith.constant 5 : i32
        %parallel_loop3A_143 = arith.index_cast %parallel_loop3A_142 : i32 to index
        %parallel_loop3A_144 = arith.index_cast %parallel_loop3A_141 : i32 to index
        %parallel_loop3A_145 = tpu.vector_load %arg6[%parallel_loop3A_143, %parallel_loop3A_144] {strides = array<i32>} : memref<8x512xf32, #tpu.memory_space<vmem>>, vector<16xf32>,
        %parallel_loop3A_146 = arith.constant 5 : i32
        %parallel_loop3A_147 = arith.index_cast %parallel_loop3A_146 : i32 to index
        %parallel_loop3A_148 = arith.index_cast %parallel_loop3A_141 : i32 to index
        %parallel_loop3A_149 = tpu.vector_load %arg7[%parallel_loop3A_147, %parallel_loop3A_148] {strides = array<i32>} : memref<8x512xf32, #tpu.memory_space<vmem>>, vector<16xf32>,
        %parallel_loop3A_150 = arith.constant 5.000000e-01 : f32
        %parallel_loop3A_151 = vector.broadcast %parallel_loop3A_150 : f32 to vector<16xf32>
        %parallel_loop3A_152 = arith.cmpf ogt, %parallel_loop3A_149, %parallel_loop3A_151 : vector<16xf32>
        %parallel_loop3A_153 = arith.constant 0.000000e+00 : f32
        %parallel_loop3A_154 = vector.broadcast %parallel_loop3A_153 : f32 to vector<16xf32>
        %parallel_loop3A_155 = arith.subf %parallel_loop3A_154, %parallel_loop3A_145 : vector<16xf32>
        %parallel_loop3A_156 = arith.select %parallel_loop3A_152, %parallel_loop3A_145, %parallel_loop3A_155 : vector<16xi1>, vector<16xf32>
        %parallel_loop3A_157 = arith.select %parallel_loop3A_152, %broadcast_in_dim3A_9, %broadcast_in_dim3A_7 : vector<16xi1>, vector<16xf32>
        %parallel_loop3A_158 = arith.constant 1.000000e+00 : f32
        %parallel_loop3A_159 = vector.broadcast %parallel_loop3A_158 : f32 to vector<16xf32>
        %parallel_loop3A_160 = arith.subf %parallel_loop3A_159, %parallel_loop3A_156 : vector<16xf32>
        %parallel_loop3A_161 = arith.constant 0.000000e+00 : f32
        %parallel_loop3A_162 = vector.broadcast %parallel_loop3A_161 : f32 to vector<16xf32>
        %parallel_loop3A_163 = arith.cmpf ogt, %parallel_loop3A_160, %parallel_loop3A_162 : vector<16xf32>
        %parallel_loop3A_164 = vector.broadcast %scan3A_39 : f32 to vector<16xf32>
        %parallel_loop3A_165 = arith.mulf %parallel_loop3A_160, %parallel_loop3A_164 : vector<16xf32>
        %parallel_loop3A_166 = arith.addf %parallel_loop3A_157, %parallel_loop3A_165 : vector<16xf32>
        %parallel_loop3A_167 = vector.broadcast %scan3A_40 : f32 to vector<16xf32>
        %parallel_loop3A_168 = arith.addf %parallel_loop3A_157, %parallel_loop3A_167 : vector<16xf32>
        %parallel_loop3A_169 = arith.minimumf %parallel_loop3A_166, %parallel_loop3A_168 : vector<16xf32>
        %parallel_loop3A_170 = arith.fptosi %parallel_loop3A_169 : vector<16xf32> to vector<16xi32>
        %parallel_loop3A_171 = arith.constant 4 : i32
        %parallel_loop3A_172 = vector.broadcast %parallel_loop3A_171 : i32 to vector<16xi32>
        %parallel_loop3A_173 = arith.shli %parallel_loop3A_170, %parallel_loop3A_172 : vector<16xi32>
        %parallel_loop3A_174 = arith.addi %parallel_loop3A_173, %iota3A : vector<16xi32>
        tpu.vector_store_idx %arg5[%parallel_loop3A_174], %broadcast_in_dim3A_5 masked %parallel_loop3A_163 {add = true} : memref<32768xf32, #tpu.memory_space<vmem>>[vector<16xi32>], vector<16xf32>, vector<16xi1>
      } {sc.loop_unroll_factor = 4 : i64, sc.parallel_access}
      %parallel_loop3A_82 = arith.constant 0 : i32
      %parallel_loop3A_83 = arith.constant 32 : i32
      %parallel_loop3A_84 = arith.constant 1 : i32
      scf.for %parallel_loop3A_139 = %parallel_loop3A_82 to %parallel_loop3A_83 step %parallel_loop3A_84  : i32 {
        %parallel_loop3A_140 = arith.constant 16 : i32
        %parallel_loop3A_141 = arith.muli %parallel_loop3A_139, %parallel_loop3A_140 : i32
        %parallel_loop3A_142 = arith.constant 6 : i32
        %parallel_loop3A_143 = arith.index_cast %parallel_loop3A_142 : i32 to index
        %parallel_loop3A_144 = arith.index_cast %parallel_loop3A_141 : i32 to index
        %parallel_loop3A_145 = tpu.vector_load %arg6[%parallel_loop3A_143, %parallel_loop3A_144] {strides = array<i32>} : memref<8x512xf32, #tpu.memory_space<vmem>>, vector<16xf32>,
        %parallel_loop3A_146 = arith.constant 6 : i32
        %parallel_loop3A_147 = arith.index_cast %parallel_loop3A_146 : i32 to index
        %parallel_loop3A_148 = arith.index_cast %parallel_loop3A_141 : i32 to index
        %parallel_loop3A_149 = tpu.vector_load %arg7[%parallel_loop3A_147, %parallel_loop3A_148] {strides = array<i32>} : memref<8x512xf32, #tpu.memory_space<vmem>>, vector<16xf32>,
        %parallel_loop3A_150 = arith.constant 5.000000e-01 : f32
        %parallel_loop3A_151 = vector.broadcast %parallel_loop3A_150 : f32 to vector<16xf32>
        %parallel_loop3A_152 = arith.cmpf ogt, %parallel_loop3A_149, %parallel_loop3A_151 : vector<16xf32>
        %parallel_loop3A_153 = arith.constant 0.000000e+00 : f32
        %parallel_loop3A_154 = vector.broadcast %parallel_loop3A_153 : f32 to vector<16xf32>
        %parallel_loop3A_155 = arith.subf %parallel_loop3A_154, %parallel_loop3A_145 : vector<16xf32>
        %parallel_loop3A_156 = arith.select %parallel_loop3A_152, %parallel_loop3A_145, %parallel_loop3A_155 : vector<16xi1>, vector<16xf32>
        %parallel_loop3A_157 = arith.select %parallel_loop3A_152, %broadcast_in_dim3A_9, %broadcast_in_dim3A_7 : vector<16xi1>, vector<16xf32>
        %parallel_loop3A_158 = arith.constant 1.000000e+00 : f32
        %parallel_loop3A_159 = vector.broadcast %parallel_loop3A_158 : f32 to vector<16xf32>
        %parallel_loop3A_160 = arith.subf %parallel_loop3A_159, %parallel_loop3A_156 : vector<16xf32>
        %parallel_loop3A_161 = arith.constant 0.000000e+00 : f32
        %parallel_loop3A_162 = vector.broadcast %parallel_loop3A_161 : f32 to vector<16xf32>
        %parallel_loop3A_163 = arith.cmpf ogt, %parallel_loop3A_160, %parallel_loop3A_162 : vector<16xf32>
        %parallel_loop3A_164 = vector.broadcast %scan3A_39 : f32 to vector<16xf32>
        %parallel_loop3A_165 = arith.mulf %parallel_loop3A_160, %parallel_loop3A_164 : vector<16xf32>
        %parallel_loop3A_166 = arith.addf %parallel_loop3A_157, %parallel_loop3A_165 : vector<16xf32>
        %parallel_loop3A_167 = vector.broadcast %scan3A_40 : f32 to vector<16xf32>
        %parallel_loop3A_168 = arith.addf %parallel_loop3A_157, %parallel_loop3A_167 : vector<16xf32>
        %parallel_loop3A_169 = arith.minimumf %parallel_loop3A_166, %parallel_loop3A_168 : vector<16xf32>
        %parallel_loop3A_170 = arith.fptosi %parallel_loop3A_169 : vector<16xf32> to vector<16xi32>
        %parallel_loop3A_171 = arith.constant 4 : i32
        %parallel_loop3A_172 = vector.broadcast %parallel_loop3A_171 : i32 to vector<16xi32>
        %parallel_loop3A_173 = arith.shli %parallel_loop3A_170, %parallel_loop3A_172 : vector<16xi32>
        %parallel_loop3A_174 = arith.addi %parallel_loop3A_173, %iota3A : vector<16xi32>
        tpu.vector_store_idx %arg5[%parallel_loop3A_174], %broadcast_in_dim3A_5 masked %parallel_loop3A_163 {add = true} : memref<32768xf32, #tpu.memory_space<vmem>>[vector<16xi32>], vector<16xf32>, vector<16xi1>
      } {sc.loop_unroll_factor = 4 : i64, sc.parallel_access}
      %parallel_loop3A_85 = arith.constant 0 : i32
      %parallel_loop3A_86 = arith.constant 32 : i32
      %parallel_loop3A_87 = arith.constant 1 : i32
      scf.for %parallel_loop3A_139 = %parallel_loop3A_85 to %parallel_loop3A_86 step %parallel_loop3A_87  : i32 {
        %parallel_loop3A_140 = arith.constant 16 : i32
        %parallel_loop3A_141 = arith.muli %parallel_loop3A_139, %parallel_loop3A_140 : i32
        %parallel_loop3A_142 = arith.constant 7 : i32
        %parallel_loop3A_143 = arith.index_cast %parallel_loop3A_142 : i32 to index
        %parallel_loop3A_144 = arith.index_cast %parallel_loop3A_141 : i32 to index
        %parallel_loop3A_145 = tpu.vector_load %arg6[%parallel_loop3A_143, %parallel_loop3A_144] {strides = array<i32>} : memref<8x512xf32, #tpu.memory_space<vmem>>, vector<16xf32>,
        %parallel_loop3A_146 = arith.constant 7 : i32
        %parallel_loop3A_147 = arith.index_cast %parallel_loop3A_146 : i32 to index
        %parallel_loop3A_148 = arith.index_cast %parallel_loop3A_141 : i32 to index
        %parallel_loop3A_149 = tpu.vector_load %arg7[%parallel_loop3A_147, %parallel_loop3A_148] {strides = array<i32>} : memref<8x512xf32, #tpu.memory_space<vmem>>, vector<16xf32>,
        %parallel_loop3A_150 = arith.constant 5.000000e-01 : f32
        %parallel_loop3A_151 = vector.broadcast %parallel_loop3A_150 : f32 to vector<16xf32>
        %parallel_loop3A_152 = arith.cmpf ogt, %parallel_loop3A_149, %parallel_loop3A_151 : vector<16xf32>
        %parallel_loop3A_153 = arith.constant 0.000000e+00 : f32
        %parallel_loop3A_154 = vector.broadcast %parallel_loop3A_153 : f32 to vector<16xf32>
        %parallel_loop3A_155 = arith.subf %parallel_loop3A_154, %parallel_loop3A_145 : vector<16xf32>
        %parallel_loop3A_156 = arith.select %parallel_loop3A_152, %parallel_loop3A_145, %parallel_loop3A_155 : vector<16xi1>, vector<16xf32>
        %parallel_loop3A_157 = arith.select %parallel_loop3A_152, %broadcast_in_dim3A_9, %broadcast_in_dim3A_7 : vector<16xi1>, vector<16xf32>
        %parallel_loop3A_158 = arith.constant 1.000000e+00 : f32
        %parallel_loop3A_159 = vector.broadcast %parallel_loop3A_158 : f32 to vector<16xf32>
        %parallel_loop3A_160 = arith.subf %parallel_loop3A_159, %parallel_loop3A_156 : vector<16xf32>
        %parallel_loop3A_161 = arith.constant 0.000000e+00 : f32
        %parallel_loop3A_162 = vector.broadcast %parallel_loop3A_161 : f32 to vector<16xf32>
        %parallel_loop3A_163 = arith.cmpf ogt, %parallel_loop3A_160, %parallel_loop3A_162 : vector<16xf32>
        %parallel_loop3A_164 = vector.broadcast %scan3A_39 : f32 to vector<16xf32>
        %parallel_loop3A_165 = arith.mulf %parallel_loop3A_160, %parallel_loop3A_164 : vector<16xf32>
        %parallel_loop3A_166 = arith.addf %parallel_loop3A_157, %parallel_loop3A_165 : vector<16xf32>
        %parallel_loop3A_167 = vector.broadcast %scan3A_40 : f32 to vector<16xf32>
        %parallel_loop3A_168 = arith.addf %parallel_loop3A_157, %parallel_loop3A_167 : vector<16xf32>
        %parallel_loop3A_169 = arith.minimumf %parallel_loop3A_166, %parallel_loop3A_168 : vector<16xf32>
        %parallel_loop3A_170 = arith.fptosi %parallel_loop3A_169 : vector<16xf32> to vector<16xi32>
        %parallel_loop3A_171 = arith.constant 4 : i32
        %parallel_loop3A_172 = vector.broadcast %parallel_loop3A_171 : i32 to vector<16xi32>
        %parallel_loop3A_173 = arith.shli %parallel_loop3A_170, %parallel_loop3A_172 : vector<16xi32>
        %parallel_loop3A_174 = arith.addi %parallel_loop3A_173, %iota3A : vector<16xi32>
        tpu.vector_store_idx %arg5[%parallel_loop3A_174], %broadcast_in_dim3A_5 masked %parallel_loop3A_163 {add = true} : memref<32768xf32, #tpu.memory_space<vmem>>[vector<16xi32>], vector<16xf32>, vector<16xi1>
      } {sc.loop_unroll_factor = 4 : i64, sc.parallel_access}
      %add3A_88 = arith.constant 2 : i32
      %add3A_89 = arith.addi %mul3A_48, %add3A_88 : i32
      %lt3A = arith.constant 32 : i32
      %lt3A_90 = arith.cmpi slt, %add3A_89, %lt3A : i32
      %convert_element_type3A = arith.extui %lt3A_90 : i1 to i32
      %cond3A = arith.constant 0 : i32
      %cond3A_91 = arith.cmpi ne, %convert_element_type3A, %cond3A : i32
      scf.if %cond3A_91 {
        %add3A_139 = arith.constant 2 : i32
        %add3A_140 = arith.addi %mul3A_48, %add3A_139 : i32
        %mul3A_141 = arith.constant 8 : i32
        %mul3A_142 = arith.muli %add3A_140, %mul3A_141 : i32
        %add3A_143 = arith.addi %mul3A_2, %mul3A_142 : i32
        %dma_start3A_144 = tpu.memref_reshape %arg2 : memref<16x1x512x512xf32, #tpu.memory_space<hbm>> -> memref<8192x512xf32, #tpu.memory_space<hbm>>
        %dma_start3A_145 = arith.constant 0 : i32
        %dma_start3A_146 = tpu.memref_slice %dma_start3A_144[%add3A_143, %dma_start3A_145] : memref<8192x512xf32, #tpu.memory_space<hbm>> -> memref<8x512xf32, #tpu.memory_space<hbm>>
        %dma_start3A_147 = tpu.memref_reshape %arg2 : memref<16x1x512x512xf32, #tpu.memory_space<hbm>> -> memref<8192x512xf32, #tpu.memory_space<hbm>>
        %dma_start3A_148 = arith.constant 0 : i32
        %dma_start3A_149 = tpu.memref_slice %dma_start3A_147[%add3A_143, %dma_start3A_148] : memref<8192x512xf32, #tpu.memory_space<hbm>> -> memref<8x512xf32, #tpu.memory_space<hbm>>
        tpu.enqueue_dma source(%dma_start3A_149 : memref<8x512xf32, #tpu.memory_space<hbm>>) target(%arg6 : memref<8x512xf32, #tpu.memory_space<vmem>>) target_semaphore(%arg10 : memref<!tpu.dma_semaphore, #tpu.memory_space<semaphore_mem>>)
        %dma_start3A_150 = tpu.memref_reshape %arg3 : memref<16x1x512x512xf32, #tpu.memory_space<hbm>> -> memref<8192x512xf32, #tpu.memory_space<hbm>>
        %dma_start3A_151 = arith.constant 0 : i32
        %dma_start3A_152 = tpu.memref_slice %dma_start3A_150[%add3A_143, %dma_start3A_151] : memref<8192x512xf32, #tpu.memory_space<hbm>> -> memref<8x512xf32, #tpu.memory_space<hbm>>
        %dma_start3A_153 = tpu.memref_reshape %arg3 : memref<16x1x512x512xf32, #tpu.memory_space<hbm>> -> memref<8192x512xf32, #tpu.memory_space<hbm>>
        %dma_start3A_154 = arith.constant 0 : i32
        %dma_start3A_155 = tpu.memref_slice %dma_start3A_153[%add3A_143, %dma_start3A_154] : memref<8192x512xf32, #tpu.memory_space<hbm>> -> memref<8x512xf32, #tpu.memory_space<hbm>>
        tpu.enqueue_dma source(%dma_start3A_155 : memref<8x512xf32, #tpu.memory_space<hbm>>) target(%arg7 : memref<8x512xf32, #tpu.memory_space<vmem>>) target_semaphore(%arg11 : memref<!tpu.dma_semaphore, #tpu.memory_space<semaphore_mem>>)
      } else {
      }
      %dma_wait3A_92 = tpu.memref_reshape %arg2 : memref<16x1x512x512xf32, #tpu.memory_space<hbm>> -> memref<8192x512xf32, #tpu.memory_space<hbm>>
      %dma_wait3A_93 = arith.constant 0 : i32
      %dma_wait3A_94 = arith.constant 0 : i32
      %dma_wait3A_95 = tpu.memref_slice %dma_wait3A_92[%dma_wait3A_93, %dma_wait3A_94] : memref<8192x512xf32, #tpu.memory_space<hbm>> -> memref<8x512xf32, #tpu.memory_space<hbm>>
      %dma_wait3A_96 = tpu.memref_reshape %arg2 : memref<16x1x512x512xf32, #tpu.memory_space<hbm>> -> memref<8192x512xf32, #tpu.memory_space<hbm>>
      %dma_wait3A_97 = arith.constant 0 : i32
      %dma_wait3A_98 = arith.constant 0 : i32
      %dma_wait3A_99 = tpu.memref_slice %dma_wait3A_96[%dma_wait3A_97, %dma_wait3A_98] : memref<8192x512xf32, #tpu.memory_space<hbm>> -> memref<8x512xf32, #tpu.memory_space<hbm>>
      tpu.wait_dma2 semaphore(%arg12 : memref<!tpu.dma_semaphore, #tpu.memory_space<semaphore_mem>>) src(%dma_wait3A_99 : memref<8x512xf32, #tpu.memory_space<hbm>>) dst(%arg8 : memref<8x512xf32, #tpu.memory_space<vmem>>)
      %dma_wait3A_100 = tpu.memref_reshape %arg3 : memref<16x1x512x512xf32, #tpu.memory_space<hbm>> -> memref<8192x512xf32, #tpu.memory_space<hbm>>
      %dma_wait3A_101 = arith.constant 0 : i32
      %dma_wait3A_102 = arith.constant 0 : i32
      %dma_wait3A_103 = tpu.memref_slice %dma_wait3A_100[%dma_wait3A_101, %dma_wait3A_102] : memref<8192x512xf32, #tpu.memory_space<hbm>> -> memref<8x512xf32, #tpu.memory_space<hbm>>
      %dma_wait3A_104 = tpu.memref_reshape %arg3 : memref<16x1x512x512xf32, #tpu.memory_space<hbm>> -> memref<8192x512xf32, #tpu.memory_space<hbm>>
      %dma_wait3A_105 = arith.constant 0 : i32
      %dma_wait3A_106 = arith.constant 0 : i32
      %dma_wait3A_107 = tpu.memref_slice %dma_wait3A_104[%dma_wait3A_105, %dma_wait3A_106] : memref<8192x512xf32, #tpu.memory_space<hbm>> -> memref<8x512xf32, #tpu.memory_space<hbm>>
      tpu.wait_dma2 semaphore(%arg13 : memref<!tpu.dma_semaphore, #tpu.memory_space<semaphore_mem>>) src(%dma_wait3A_107 : memref<8x512xf32, #tpu.memory_space<hbm>>) dst(%arg9 : memref<8x512xf32, #tpu.memory_space<vmem>>)
      %parallel_loop3A_108 = arith.constant 0 : i32
      %parallel_loop3A_109 = arith.constant 32 : i32
      %parallel_loop3A_110 = arith.constant 1 : i32
      scf.for %parallel_loop3A_139 = %parallel_loop3A_108 to %parallel_loop3A_109 step %parallel_loop3A_110  : i32 {
        %parallel_loop3A_140 = arith.constant 16 : i32
        %parallel_loop3A_141 = arith.muli %parallel_loop3A_139, %parallel_loop3A_140 : i32
        %parallel_loop3A_142 = arith.constant 0 : i32
        %parallel_loop3A_143 = arith.index_cast %parallel_loop3A_142 : i32 to index
        %parallel_loop3A_144 = arith.index_cast %parallel_loop3A_141 : i32 to index
        %parallel_loop3A_145 = tpu.vector_load %arg8[%parallel_loop3A_143, %parallel_loop3A_144] {strides = array<i32>} : memref<8x512xf32, #tpu.memory_space<vmem>>, vector<16xf32>,
        %parallel_loop3A_146 = arith.constant 0 : i32
        %parallel_loop3A_147 = arith.index_cast %parallel_loop3A_146 : i32 to index
        %parallel_loop3A_148 = arith.index_cast %parallel_loop3A_141 : i32 to index
        %parallel_loop3A_149 = tpu.vector_load %arg9[%parallel_loop3A_147, %parallel_loop3A_148] {strides = array<i32>} : memref<8x512xf32, #tpu.memory_space<vmem>>, vector<16xf32>,
        %parallel_loop3A_150 = arith.constant 5.000000e-01 : f32
        %parallel_loop3A_151 = vector.broadcast %parallel_loop3A_150 : f32 to vector<16xf32>
        %parallel_loop3A_152 = arith.cmpf ogt, %parallel_loop3A_149, %parallel_loop3A_151 : vector<16xf32>
        %parallel_loop3A_153 = arith.constant 0.000000e+00 : f32
        %parallel_loop3A_154 = vector.broadcast %parallel_loop3A_153 : f32 to vector<16xf32>
        %parallel_loop3A_155 = arith.subf %parallel_loop3A_154, %parallel_loop3A_145 : vector<16xf32>
        %parallel_loop3A_156 = arith.select %parallel_loop3A_152, %parallel_loop3A_145, %parallel_loop3A_155 : vector<16xi1>, vector<16xf32>
        %parallel_loop3A_157 = arith.select %parallel_loop3A_152, %broadcast_in_dim3A_9, %broadcast_in_dim3A_7 : vector<16xi1>, vector<16xf32>
        %parallel_loop3A_158 = arith.constant 1.000000e+00 : f32
        %parallel_loop3A_159 = vector.broadcast %parallel_loop3A_158 : f32 to vector<16xf32>
        %parallel_loop3A_160 = arith.subf %parallel_loop3A_159, %parallel_loop3A_156 : vector<16xf32>
        %parallel_loop3A_161 = arith.constant 0.000000e+00 : f32
        %parallel_loop3A_162 = vector.broadcast %parallel_loop3A_161 : f32 to vector<16xf32>
        %parallel_loop3A_163 = arith.cmpf ogt, %parallel_loop3A_160, %parallel_loop3A_162 : vector<16xf32>
        %parallel_loop3A_164 = vector.broadcast %scan3A_39 : f32 to vector<16xf32>
        %parallel_loop3A_165 = arith.mulf %parallel_loop3A_160, %parallel_loop3A_164 : vector<16xf32>
        %parallel_loop3A_166 = arith.addf %parallel_loop3A_157, %parallel_loop3A_165 : vector<16xf32>
        %parallel_loop3A_167 = vector.broadcast %scan3A_40 : f32 to vector<16xf32>
        %parallel_loop3A_168 = arith.addf %parallel_loop3A_157, %parallel_loop3A_167 : vector<16xf32>
        %parallel_loop3A_169 = arith.minimumf %parallel_loop3A_166, %parallel_loop3A_168 : vector<16xf32>
        %parallel_loop3A_170 = arith.fptosi %parallel_loop3A_169 : vector<16xf32> to vector<16xi32>
        %parallel_loop3A_171 = arith.constant 4 : i32
        %parallel_loop3A_172 = vector.broadcast %parallel_loop3A_171 : i32 to vector<16xi32>
        %parallel_loop3A_173 = arith.shli %parallel_loop3A_170, %parallel_loop3A_172 : vector<16xi32>
        %parallel_loop3A_174 = arith.addi %parallel_loop3A_173, %iota3A : vector<16xi32>
        tpu.vector_store_idx %arg5[%parallel_loop3A_174], %broadcast_in_dim3A_5 masked %parallel_loop3A_163 {add = true} : memref<32768xf32, #tpu.memory_space<vmem>>[vector<16xi32>], vector<16xf32>, vector<16xi1>
      } {sc.loop_unroll_factor = 4 : i64, sc.parallel_access}
      %parallel_loop3A_111 = arith.constant 0 : i32
      %parallel_loop3A_112 = arith.constant 32 : i32
      %parallel_loop3A_113 = arith.constant 1 : i32
      scf.for %parallel_loop3A_139 = %parallel_loop3A_111 to %parallel_loop3A_112 step %parallel_loop3A_113  : i32 {
        %parallel_loop3A_140 = arith.constant 16 : i32
        %parallel_loop3A_141 = arith.muli %parallel_loop3A_139, %parallel_loop3A_140 : i32
        %parallel_loop3A_142 = arith.constant 1 : i32
        %parallel_loop3A_143 = arith.index_cast %parallel_loop3A_142 : i32 to index
        %parallel_loop3A_144 = arith.index_cast %parallel_loop3A_141 : i32 to index
        %parallel_loop3A_145 = tpu.vector_load %arg8[%parallel_loop3A_143, %parallel_loop3A_144] {strides = array<i32>} : memref<8x512xf32, #tpu.memory_space<vmem>>, vector<16xf32>,
        %parallel_loop3A_146 = arith.constant 1 : i32
        %parallel_loop3A_147 = arith.index_cast %parallel_loop3A_146 : i32 to index
        %parallel_loop3A_148 = arith.index_cast %parallel_loop3A_141 : i32 to index
        %parallel_loop3A_149 = tpu.vector_load %arg9[%parallel_loop3A_147, %parallel_loop3A_148] {strides = array<i32>} : memref<8x512xf32, #tpu.memory_space<vmem>>, vector<16xf32>,
        %parallel_loop3A_150 = arith.constant 5.000000e-01 : f32
        %parallel_loop3A_151 = vector.broadcast %parallel_loop3A_150 : f32 to vector<16xf32>
        %parallel_loop3A_152 = arith.cmpf ogt, %parallel_loop3A_149, %parallel_loop3A_151 : vector<16xf32>
        %parallel_loop3A_153 = arith.constant 0.000000e+00 : f32
        %parallel_loop3A_154 = vector.broadcast %parallel_loop3A_153 : f32 to vector<16xf32>
        %parallel_loop3A_155 = arith.subf %parallel_loop3A_154, %parallel_loop3A_145 : vector<16xf32>
        %parallel_loop3A_156 = arith.select %parallel_loop3A_152, %parallel_loop3A_145, %parallel_loop3A_155 : vector<16xi1>, vector<16xf32>
        %parallel_loop3A_157 = arith.select %parallel_loop3A_152, %broadcast_in_dim3A_9, %broadcast_in_dim3A_7 : vector<16xi1>, vector<16xf32>
        %parallel_loop3A_158 = arith.constant 1.000000e+00 : f32
        %parallel_loop3A_159 = vector.broadcast %parallel_loop3A_158 : f32 to vector<16xf32>
        %parallel_loop3A_160 = arith.subf %parallel_loop3A_159, %parallel_loop3A_156 : vector<16xf32>
        %parallel_loop3A_161 = arith.constant 0.000000e+00 : f32
        %parallel_loop3A_162 = vector.broadcast %parallel_loop3A_161 : f32 to vector<16xf32>
        %parallel_loop3A_163 = arith.cmpf ogt, %parallel_loop3A_160, %parallel_loop3A_162 : vector<16xf32>
        %parallel_loop3A_164 = vector.broadcast %scan3A_39 : f32 to vector<16xf32>
        %parallel_loop3A_165 = arith.mulf %parallel_loop3A_160, %parallel_loop3A_164 : vector<16xf32>
        %parallel_loop3A_166 = arith.addf %parallel_loop3A_157, %parallel_loop3A_165 : vector<16xf32>
        %parallel_loop3A_167 = vector.broadcast %scan3A_40 : f32 to vector<16xf32>
        %parallel_loop3A_168 = arith.addf %parallel_loop3A_157, %parallel_loop3A_167 : vector<16xf32>
        %parallel_loop3A_169 = arith.minimumf %parallel_loop3A_166, %parallel_loop3A_168 : vector<16xf32>
        %parallel_loop3A_170 = arith.fptosi %parallel_loop3A_169 : vector<16xf32> to vector<16xi32>
        %parallel_loop3A_171 = arith.constant 4 : i32
        %parallel_loop3A_172 = vector.broadcast %parallel_loop3A_171 : i32 to vector<16xi32>
        %parallel_loop3A_173 = arith.shli %parallel_loop3A_170, %parallel_loop3A_172 : vector<16xi32>
        %parallel_loop3A_174 = arith.addi %parallel_loop3A_173, %iota3A : vector<16xi32>
        tpu.vector_store_idx %arg5[%parallel_loop3A_174], %broadcast_in_dim3A_5 masked %parallel_loop3A_163 {add = true} : memref<32768xf32, #tpu.memory_space<vmem>>[vector<16xi32>], vector<16xf32>, vector<16xi1>
      } {sc.loop_unroll_factor = 4 : i64, sc.parallel_access}
      %parallel_loop3A_114 = arith.constant 0 : i32
      %parallel_loop3A_115 = arith.constant 32 : i32
      %parallel_loop3A_116 = arith.constant 1 : i32
      scf.for %parallel_loop3A_139 = %parallel_loop3A_114 to %parallel_loop3A_115 step %parallel_loop3A_116  : i32 {
        %parallel_loop3A_140 = arith.constant 16 : i32
        %parallel_loop3A_141 = arith.muli %parallel_loop3A_139, %parallel_loop3A_140 : i32
        %parallel_loop3A_142 = arith.constant 2 : i32
        %parallel_loop3A_143 = arith.index_cast %parallel_loop3A_142 : i32 to index
        %parallel_loop3A_144 = arith.index_cast %parallel_loop3A_141 : i32 to index
        %parallel_loop3A_145 = tpu.vector_load %arg8[%parallel_loop3A_143, %parallel_loop3A_144] {strides = array<i32>} : memref<8x512xf32, #tpu.memory_space<vmem>>, vector<16xf32>,
        %parallel_loop3A_146 = arith.constant 2 : i32
        %parallel_loop3A_147 = arith.index_cast %parallel_loop3A_146 : i32 to index
        %parallel_loop3A_148 = arith.index_cast %parallel_loop3A_141 : i32 to index
        %parallel_loop3A_149 = tpu.vector_load %arg9[%parallel_loop3A_147, %parallel_loop3A_148] {strides = array<i32>} : memref<8x512xf32, #tpu.memory_space<vmem>>, vector<16xf32>,
        %parallel_loop3A_150 = arith.constant 5.000000e-01 : f32
        %parallel_loop3A_151 = vector.broadcast %parallel_loop3A_150 : f32 to vector<16xf32>
        %parallel_loop3A_152 = arith.cmpf ogt, %parallel_loop3A_149, %parallel_loop3A_151 : vector<16xf32>
        %parallel_loop3A_153 = arith.constant 0.000000e+00 : f32
        %parallel_loop3A_154 = vector.broadcast %parallel_loop3A_153 : f32 to vector<16xf32>
        %parallel_loop3A_155 = arith.subf %parallel_loop3A_154, %parallel_loop3A_145 : vector<16xf32>
        %parallel_loop3A_156 = arith.select %parallel_loop3A_152, %parallel_loop3A_145, %parallel_loop3A_155 : vector<16xi1>, vector<16xf32>
        %parallel_loop3A_157 = arith.select %parallel_loop3A_152, %broadcast_in_dim3A_9, %broadcast_in_dim3A_7 : vector<16xi1>, vector<16xf32>
        %parallel_loop3A_158 = arith.constant 1.000000e+00 : f32
        %parallel_loop3A_159 = vector.broadcast %parallel_loop3A_158 : f32 to vector<16xf32>
        %parallel_loop3A_160 = arith.subf %parallel_loop3A_159, %parallel_loop3A_156 : vector<16xf32>
        %parallel_loop3A_161 = arith.constant 0.000000e+00 : f32
        %parallel_loop3A_162 = vector.broadcast %parallel_loop3A_161 : f32 to vector<16xf32>
        %parallel_loop3A_163 = arith.cmpf ogt, %parallel_loop3A_160, %parallel_loop3A_162 : vector<16xf32>
        %parallel_loop3A_164 = vector.broadcast %scan3A_39 : f32 to vector<16xf32>
        %parallel_loop3A_165 = arith.mulf %parallel_loop3A_160, %parallel_loop3A_164 : vector<16xf32>
        %parallel_loop3A_166 = arith.addf %parallel_loop3A_157, %parallel_loop3A_165 : vector<16xf32>
        %parallel_loop3A_167 = vector.broadcast %scan3A_40 : f32 to vector<16xf32>
        %parallel_loop3A_168 = arith.addf %parallel_loop3A_157, %parallel_loop3A_167 : vector<16xf32>
        %parallel_loop3A_169 = arith.minimumf %parallel_loop3A_166, %parallel_loop3A_168 : vector<16xf32>
        %parallel_loop3A_170 = arith.fptosi %parallel_loop3A_169 : vector<16xf32> to vector<16xi32>
        %parallel_loop3A_171 = arith.constant 4 : i32
        %parallel_loop3A_172 = vector.broadcast %parallel_loop3A_171 : i32 to vector<16xi32>
        %parallel_loop3A_173 = arith.shli %parallel_loop3A_170, %parallel_loop3A_172 : vector<16xi32>
        %parallel_loop3A_174 = arith.addi %parallel_loop3A_173, %iota3A : vector<16xi32>
        tpu.vector_store_idx %arg5[%parallel_loop3A_174], %broadcast_in_dim3A_5 masked %parallel_loop3A_163 {add = true} : memref<32768xf32, #tpu.memory_space<vmem>>[vector<16xi32>], vector<16xf32>, vector<16xi1>
      } {sc.loop_unroll_factor = 4 : i64, sc.parallel_access}
      %parallel_loop3A_117 = arith.constant 0 : i32
      %parallel_loop3A_118 = arith.constant 32 : i32
      %parallel_loop3A_119 = arith.constant 1 : i32
      scf.for %parallel_loop3A_139 = %parallel_loop3A_117 to %parallel_loop3A_118 step %parallel_loop3A_119  : i32 {
        %parallel_loop3A_140 = arith.constant 16 : i32
        %parallel_loop3A_141 = arith.muli %parallel_loop3A_139, %parallel_loop3A_140 : i32
        %parallel_loop3A_142 = arith.constant 3 : i32
        %parallel_loop3A_143 = arith.index_cast %parallel_loop3A_142 : i32 to index
        %parallel_loop3A_144 = arith.index_cast %parallel_loop3A_141 : i32 to index
        %parallel_loop3A_145 = tpu.vector_load %arg8[%parallel_loop3A_143, %parallel_loop3A_144] {strides = array<i32>} : memref<8x512xf32, #tpu.memory_space<vmem>>, vector<16xf32>,
        %parallel_loop3A_146 = arith.constant 3 : i32
        %parallel_loop3A_147 = arith.index_cast %parallel_loop3A_146 : i32 to index
        %parallel_loop3A_148 = arith.index_cast %parallel_loop3A_141 : i32 to index
        %parallel_loop3A_149 = tpu.vector_load %arg9[%parallel_loop3A_147, %parallel_loop3A_148] {strides = array<i32>} : memref<8x512xf32, #tpu.memory_space<vmem>>, vector<16xf32>,
        %parallel_loop3A_150 = arith.constant 5.000000e-01 : f32
        %parallel_loop3A_151 = vector.broadcast %parallel_loop3A_150 : f32 to vector<16xf32>
        %parallel_loop3A_152 = arith.cmpf ogt, %parallel_loop3A_149, %parallel_loop3A_151 : vector<16xf32>
        %parallel_loop3A_153 = arith.constant 0.000000e+00 : f32
        %parallel_loop3A_154 = vector.broadcast %parallel_loop3A_153 : f32 to vector<16xf32>
        %parallel_loop3A_155 = arith.subf %parallel_loop3A_154, %parallel_loop3A_145 : vector<16xf32>
        %parallel_loop3A_156 = arith.select %parallel_loop3A_152, %parallel_loop3A_145, %parallel_loop3A_155 : vector<16xi1>, vector<16xf32>
        %parallel_loop3A_157 = arith.select %parallel_loop3A_152, %broadcast_in_dim3A_9, %broadcast_in_dim3A_7 : vector<16xi1>, vector<16xf32>
        %parallel_loop3A_158 = arith.constant 1.000000e+00 : f32
        %parallel_loop3A_159 = vector.broadcast %parallel_loop3A_158 : f32 to vector<16xf32>
        %parallel_loop3A_160 = arith.subf %parallel_loop3A_159, %parallel_loop3A_156 : vector<16xf32>
        %parallel_loop3A_161 = arith.constant 0.000000e+00 : f32
        %parallel_loop3A_162 = vector.broadcast %parallel_loop3A_161 : f32 to vector<16xf32>
        %parallel_loop3A_163 = arith.cmpf ogt, %parallel_loop3A_160, %parallel_loop3A_162 : vector<16xf32>
        %parallel_loop3A_164 = vector.broadcast %scan3A_39 : f32 to vector<16xf32>
        %parallel_loop3A_165 = arith.mulf %parallel_loop3A_160, %parallel_loop3A_164 : vector<16xf32>
        %parallel_loop3A_166 = arith.addf %parallel_loop3A_157, %parallel_loop3A_165 : vector<16xf32>
        %parallel_loop3A_167 = vector.broadcast %scan3A_40 : f32 to vector<16xf32>
        %parallel_loop3A_168 = arith.addf %parallel_loop3A_157, %parallel_loop3A_167 : vector<16xf32>
        %parallel_loop3A_169 = arith.minimumf %parallel_loop3A_166, %parallel_loop3A_168 : vector<16xf32>
        %parallel_loop3A_170 = arith.fptosi %parallel_loop3A_169 : vector<16xf32> to vector<16xi32>
        %parallel_loop3A_171 = arith.constant 4 : i32
        %parallel_loop3A_172 = vector.broadcast %parallel_loop3A_171 : i32 to vector<16xi32>
        %parallel_loop3A_173 = arith.shli %parallel_loop3A_170, %parallel_loop3A_172 : vector<16xi32>
        %parallel_loop3A_174 = arith.addi %parallel_loop3A_173, %iota3A : vector<16xi32>
        tpu.vector_store_idx %arg5[%parallel_loop3A_174], %broadcast_in_dim3A_5 masked %parallel_loop3A_163 {add = true} : memref<32768xf32, #tpu.memory_space<vmem>>[vector<16xi32>], vector<16xf32>, vector<16xi1>
      } {sc.loop_unroll_factor = 4 : i64, sc.parallel_access}
      %parallel_loop3A_120 = arith.constant 0 : i32
      %parallel_loop3A_121 = arith.constant 32 : i32
      %parallel_loop3A_122 = arith.constant 1 : i32
      scf.for %parallel_loop3A_139 = %parallel_loop3A_120 to %parallel_loop3A_121 step %parallel_loop3A_122  : i32 {
        %parallel_loop3A_140 = arith.constant 16 : i32
        %parallel_loop3A_141 = arith.muli %parallel_loop3A_139, %parallel_loop3A_140 : i32
        %parallel_loop3A_142 = arith.constant 4 : i32
        %parallel_loop3A_143 = arith.index_cast %parallel_loop3A_142 : i32 to index
        %parallel_loop3A_144 = arith.index_cast %parallel_loop3A_141 : i32 to index
        %parallel_loop3A_145 = tpu.vector_load %arg8[%parallel_loop3A_143, %parallel_loop3A_144] {strides = array<i32>} : memref<8x512xf32, #tpu.memory_space<vmem>>, vector<16xf32>,
        %parallel_loop3A_146 = arith.constant 4 : i32
        %parallel_loop3A_147 = arith.index_cast %parallel_loop3A_146 : i32 to index
        %parallel_loop3A_148 = arith.index_cast %parallel_loop3A_141 : i32 to index
        %parallel_loop3A_149 = tpu.vector_load %arg9[%parallel_loop3A_147, %parallel_loop3A_148] {strides = array<i32>} : memref<8x512xf32, #tpu.memory_space<vmem>>, vector<16xf32>,
        %parallel_loop3A_150 = arith.constant 5.000000e-01 : f32
        %parallel_loop3A_151 = vector.broadcast %parallel_loop3A_150 : f32 to vector<16xf32>
        %parallel_loop3A_152 = arith.cmpf ogt, %parallel_loop3A_149, %parallel_loop3A_151 : vector<16xf32>
        %parallel_loop3A_153 = arith.constant 0.000000e+00 : f32
        %parallel_loop3A_154 = vector.broadcast %parallel_loop3A_153 : f32 to vector<16xf32>
        %parallel_loop3A_155 = arith.subf %parallel_loop3A_154, %parallel_loop3A_145 : vector<16xf32>
        %parallel_loop3A_156 = arith.select %parallel_loop3A_152, %parallel_loop3A_145, %parallel_loop3A_155 : vector<16xi1>, vector<16xf32>
        %parallel_loop3A_157 = arith.select %parallel_loop3A_152, %broadcast_in_dim3A_9, %broadcast_in_dim3A_7 : vector<16xi1>, vector<16xf32>
        %parallel_loop3A_158 = arith.constant 1.000000e+00 : f32
        %parallel_loop3A_159 = vector.broadcast %parallel_loop3A_158 : f32 to vector<16xf32>
        %parallel_loop3A_160 = arith.subf %parallel_loop3A_159, %parallel_loop3A_156 : vector<16xf32>
        %parallel_loop3A_161 = arith.constant 0.000000e+00 : f32
        %parallel_loop3A_162 = vector.broadcast %parallel_loop3A_161 : f32 to vector<16xf32>
        %parallel_loop3A_163 = arith.cmpf ogt, %parallel_loop3A_160, %parallel_loop3A_162 : vector<16xf32>
        %parallel_loop3A_164 = vector.broadcast %scan3A_39 : f32 to vector<16xf32>
        %parallel_loop3A_165 = arith.mulf %parallel_loop3A_160, %parallel_loop3A_164 : vector<16xf32>
        %parallel_loop3A_166 = arith.addf %parallel_loop3A_157, %parallel_loop3A_165 : vector<16xf32>
        %parallel_loop3A_167 = vector.broadcast %scan3A_40 : f32 to vector<16xf32>
        %parallel_loop3A_168 = arith.addf %parallel_loop3A_157, %parallel_loop3A_167 : vector<16xf32>
        %parallel_loop3A_169 = arith.minimumf %parallel_loop3A_166, %parallel_loop3A_168 : vector<16xf32>
        %parallel_loop3A_170 = arith.fptosi %parallel_loop3A_169 : vector<16xf32> to vector<16xi32>
        %parallel_loop3A_171 = arith.constant 4 : i32
        %parallel_loop3A_172 = vector.broadcast %parallel_loop3A_171 : i32 to vector<16xi32>
        %parallel_loop3A_173 = arith.shli %parallel_loop3A_170, %parallel_loop3A_172 : vector<16xi32>
        %parallel_loop3A_174 = arith.addi %parallel_loop3A_173, %iota3A : vector<16xi32>
        tpu.vector_store_idx %arg5[%parallel_loop3A_174], %broadcast_in_dim3A_5 masked %parallel_loop3A_163 {add = true} : memref<32768xf32, #tpu.memory_space<vmem>>[vector<16xi32>], vector<16xf32>, vector<16xi1>
      } {sc.loop_unroll_factor = 4 : i64, sc.parallel_access}
      %parallel_loop3A_123 = arith.constant 0 : i32
      %parallel_loop3A_124 = arith.constant 32 : i32
      %parallel_loop3A_125 = arith.constant 1 : i32
      scf.for %parallel_loop3A_139 = %parallel_loop3A_123 to %parallel_loop3A_124 step %parallel_loop3A_125  : i32 {
        %parallel_loop3A_140 = arith.constant 16 : i32
        %parallel_loop3A_141 = arith.muli %parallel_loop3A_139, %parallel_loop3A_140 : i32
        %parallel_loop3A_142 = arith.constant 5 : i32
        %parallel_loop3A_143 = arith.index_cast %parallel_loop3A_142 : i32 to index
        %parallel_loop3A_144 = arith.index_cast %parallel_loop3A_141 : i32 to index
        %parallel_loop3A_145 = tpu.vector_load %arg8[%parallel_loop3A_143, %parallel_loop3A_144] {strides = array<i32>} : memref<8x512xf32, #tpu.memory_space<vmem>>, vector<16xf32>,
        %parallel_loop3A_146 = arith.constant 5 : i32
        %parallel_loop3A_147 = arith.index_cast %parallel_loop3A_146 : i32 to index
        %parallel_loop3A_148 = arith.index_cast %parallel_loop3A_141 : i32 to index
        %parallel_loop3A_149 = tpu.vector_load %arg9[%parallel_loop3A_147, %parallel_loop3A_148] {strides = array<i32>} : memref<8x512xf32, #tpu.memory_space<vmem>>, vector<16xf32>,
        %parallel_loop3A_150 = arith.constant 5.000000e-01 : f32
        %parallel_loop3A_151 = vector.broadcast %parallel_loop3A_150 : f32 to vector<16xf32>
        %parallel_loop3A_152 = arith.cmpf ogt, %parallel_loop3A_149, %parallel_loop3A_151 : vector<16xf32>
        %parallel_loop3A_153 = arith.constant 0.000000e+00 : f32
        %parallel_loop3A_154 = vector.broadcast %parallel_loop3A_153 : f32 to vector<16xf32>
        %parallel_loop3A_155 = arith.subf %parallel_loop3A_154, %parallel_loop3A_145 : vector<16xf32>
        %parallel_loop3A_156 = arith.select %parallel_loop3A_152, %parallel_loop3A_145, %parallel_loop3A_155 : vector<16xi1>, vector<16xf32>
        %parallel_loop3A_157 = arith.select %parallel_loop3A_152, %broadcast_in_dim3A_9, %broadcast_in_dim3A_7 : vector<16xi1>, vector<16xf32>
        %parallel_loop3A_158 = arith.constant 1.000000e+00 : f32
        %parallel_loop3A_159 = vector.broadcast %parallel_loop3A_158 : f32 to vector<16xf32>
        %parallel_loop3A_160 = arith.subf %parallel_loop3A_159, %parallel_loop3A_156 : vector<16xf32>
        %parallel_loop3A_161 = arith.constant 0.000000e+00 : f32
        %parallel_loop3A_162 = vector.broadcast %parallel_loop3A_161 : f32 to vector<16xf32>
        %parallel_loop3A_163 = arith.cmpf ogt, %parallel_loop3A_160, %parallel_loop3A_162 : vector<16xf32>
        %parallel_loop3A_164 = vector.broadcast %scan3A_39 : f32 to vector<16xf32>
        %parallel_loop3A_165 = arith.mulf %parallel_loop3A_160, %parallel_loop3A_164 : vector<16xf32>
        %parallel_loop3A_166 = arith.addf %parallel_loop3A_157, %parallel_loop3A_165 : vector<16xf32>
        %parallel_loop3A_167 = vector.broadcast %scan3A_40 : f32 to vector<16xf32>
        %parallel_loop3A_168 = arith.addf %parallel_loop3A_157, %parallel_loop3A_167 : vector<16xf32>
        %parallel_loop3A_169 = arith.minimumf %parallel_loop3A_166, %parallel_loop3A_168 : vector<16xf32>
        %parallel_loop3A_170 = arith.fptosi %parallel_loop3A_169 : vector<16xf32> to vector<16xi32>
        %parallel_loop3A_171 = arith.constant 4 : i32
        %parallel_loop3A_172 = vector.broadcast %parallel_loop3A_171 : i32 to vector<16xi32>
        %parallel_loop3A_173 = arith.shli %parallel_loop3A_170, %parallel_loop3A_172 : vector<16xi32>
        %parallel_loop3A_174 = arith.addi %parallel_loop3A_173, %iota3A : vector<16xi32>
        tpu.vector_store_idx %arg5[%parallel_loop3A_174], %broadcast_in_dim3A_5 masked %parallel_loop3A_163 {add = true} : memref<32768xf32, #tpu.memory_space<vmem>>[vector<16xi32>], vector<16xf32>, vector<16xi1>
      } {sc.loop_unroll_factor = 4 : i64, sc.parallel_access}
      %parallel_loop3A_126 = arith.constant 0 : i32
      %parallel_loop3A_127 = arith.constant 32 : i32
      %parallel_loop3A_128 = arith.constant 1 : i32
      scf.for %parallel_loop3A_139 = %parallel_loop3A_126 to %parallel_loop3A_127 step %parallel_loop3A_128  : i32 {
        %parallel_loop3A_140 = arith.constant 16 : i32
        %parallel_loop3A_141 = arith.muli %parallel_loop3A_139, %parallel_loop3A_140 : i32
        %parallel_loop3A_142 = arith.constant 6 : i32
        %parallel_loop3A_143 = arith.index_cast %parallel_loop3A_142 : i32 to index
        %parallel_loop3A_144 = arith.index_cast %parallel_loop3A_141 : i32 to index
        %parallel_loop3A_145 = tpu.vector_load %arg8[%parallel_loop3A_143, %parallel_loop3A_144] {strides = array<i32>} : memref<8x512xf32, #tpu.memory_space<vmem>>, vector<16xf32>,
        %parallel_loop3A_146 = arith.constant 6 : i32
        %parallel_loop3A_147 = arith.index_cast %parallel_loop3A_146 : i32 to index
        %parallel_loop3A_148 = arith.index_cast %parallel_loop3A_141 : i32 to index
        %parallel_loop3A_149 = tpu.vector_load %arg9[%parallel_loop3A_147, %parallel_loop3A_148] {strides = array<i32>} : memref<8x512xf32, #tpu.memory_space<vmem>>, vector<16xf32>,
        %parallel_loop3A_150 = arith.constant 5.000000e-01 : f32
        %parallel_loop3A_151 = vector.broadcast %parallel_loop3A_150 : f32 to vector<16xf32>
        %parallel_loop3A_152 = arith.cmpf ogt, %parallel_loop3A_149, %parallel_loop3A_151 : vector<16xf32>
        %parallel_loop3A_153 = arith.constant 0.000000e+00 : f32
        %parallel_loop3A_154 = vector.broadcast %parallel_loop3A_153 : f32 to vector<16xf32>
        %parallel_loop3A_155 = arith.subf %parallel_loop3A_154, %parallel_loop3A_145 : vector<16xf32>
        %parallel_loop3A_156 = arith.select %parallel_loop3A_152, %parallel_loop3A_145, %parallel_loop3A_155 : vector<16xi1>, vector<16xf32>
        %parallel_loop3A_157 = arith.select %parallel_loop3A_152, %broadcast_in_dim3A_9, %broadcast_in_dim3A_7 : vector<16xi1>, vector<16xf32>
        %parallel_loop3A_158 = arith.constant 1.000000e+00 : f32
        %parallel_loop3A_159 = vector.broadcast %parallel_loop3A_158 : f32 to vector<16xf32>
        %parallel_loop3A_160 = arith.subf %parallel_loop3A_159, %parallel_loop3A_156 : vector<16xf32>
        %parallel_loop3A_161 = arith.constant 0.000000e+00 : f32
        %parallel_loop3A_162 = vector.broadcast %parallel_loop3A_161 : f32 to vector<16xf32>
        %parallel_loop3A_163 = arith.cmpf ogt, %parallel_loop3A_160, %parallel_loop3A_162 : vector<16xf32>
        %parallel_loop3A_164 = vector.broadcast %scan3A_39 : f32 to vector<16xf32>
        %parallel_loop3A_165 = arith.mulf %parallel_loop3A_160, %parallel_loop3A_164 : vector<16xf32>
        %parallel_loop3A_166 = arith.addf %parallel_loop3A_157, %parallel_loop3A_165 : vector<16xf32>
        %parallel_loop3A_167 = vector.broadcast %scan3A_40 : f32 to vector<16xf32>
        %parallel_loop3A_168 = arith.addf %parallel_loop3A_157, %parallel_loop3A_167 : vector<16xf32>
        %parallel_loop3A_169 = arith.minimumf %parallel_loop3A_166, %parallel_loop3A_168 : vector<16xf32>
        %parallel_loop3A_170 = arith.fptosi %parallel_loop3A_169 : vector<16xf32> to vector<16xi32>
        %parallel_loop3A_171 = arith.constant 4 : i32
        %parallel_loop3A_172 = vector.broadcast %parallel_loop3A_171 : i32 to vector<16xi32>
        %parallel_loop3A_173 = arith.shli %parallel_loop3A_170, %parallel_loop3A_172 : vector<16xi32>
        %parallel_loop3A_174 = arith.addi %parallel_loop3A_173, %iota3A : vector<16xi32>
        tpu.vector_store_idx %arg5[%parallel_loop3A_174], %broadcast_in_dim3A_5 masked %parallel_loop3A_163 {add = true} : memref<32768xf32, #tpu.memory_space<vmem>>[vector<16xi32>], vector<16xf32>, vector<16xi1>
      } {sc.loop_unroll_factor = 4 : i64, sc.parallel_access}
      %parallel_loop3A_129 = arith.constant 0 : i32
      %parallel_loop3A_130 = arith.constant 32 : i32
      %parallel_loop3A_131 = arith.constant 1 : i32
      scf.for %parallel_loop3A_139 = %parallel_loop3A_129 to %parallel_loop3A_130 step %parallel_loop3A_131  : i32 {
        %parallel_loop3A_140 = arith.constant 16 : i32
        %parallel_loop3A_141 = arith.muli %parallel_loop3A_139, %parallel_loop3A_140 : i32
        %parallel_loop3A_142 = arith.constant 7 : i32
        %parallel_loop3A_143 = arith.index_cast %parallel_loop3A_142 : i32 to index
        %parallel_loop3A_144 = arith.index_cast %parallel_loop3A_141 : i32 to index
        %parallel_loop3A_145 = tpu.vector_load %arg8[%parallel_loop3A_143, %parallel_loop3A_144] {strides = array<i32>} : memref<8x512xf32, #tpu.memory_space<vmem>>, vector<16xf32>,
        %parallel_loop3A_146 = arith.constant 7 : i32
        %parallel_loop3A_147 = arith.index_cast %parallel_loop3A_146 : i32 to index
        %parallel_loop3A_148 = arith.index_cast %parallel_loop3A_141 : i32 to index
        %parallel_loop3A_149 = tpu.vector_load %arg9[%parallel_loop3A_147, %parallel_loop3A_148] {strides = array<i32>} : memref<8x512xf32, #tpu.memory_space<vmem>>, vector<16xf32>,
        %parallel_loop3A_150 = arith.constant 5.000000e-01 : f32
        %parallel_loop3A_151 = vector.broadcast %parallel_loop3A_150 : f32 to vector<16xf32>
        %parallel_loop3A_152 = arith.cmpf ogt, %parallel_loop3A_149, %parallel_loop3A_151 : vector<16xf32>
        %parallel_loop3A_153 = arith.constant 0.000000e+00 : f32
        %parallel_loop3A_154 = vector.broadcast %parallel_loop3A_153 : f32 to vector<16xf32>
        %parallel_loop3A_155 = arith.subf %parallel_loop3A_154, %parallel_loop3A_145 : vector<16xf32>
        %parallel_loop3A_156 = arith.select %parallel_loop3A_152, %parallel_loop3A_145, %parallel_loop3A_155 : vector<16xi1>, vector<16xf32>
        %parallel_loop3A_157 = arith.select %parallel_loop3A_152, %broadcast_in_dim3A_9, %broadcast_in_dim3A_7 : vector<16xi1>, vector<16xf32>
        %parallel_loop3A_158 = arith.constant 1.000000e+00 : f32
        %parallel_loop3A_159 = vector.broadcast %parallel_loop3A_158 : f32 to vector<16xf32>
        %parallel_loop3A_160 = arith.subf %parallel_loop3A_159, %parallel_loop3A_156 : vector<16xf32>
        %parallel_loop3A_161 = arith.constant 0.000000e+00 : f32
        %parallel_loop3A_162 = vector.broadcast %parallel_loop3A_161 : f32 to vector<16xf32>
        %parallel_loop3A_163 = arith.cmpf ogt, %parallel_loop3A_160, %parallel_loop3A_162 : vector<16xf32>
        %parallel_loop3A_164 = vector.broadcast %scan3A_39 : f32 to vector<16xf32>
        %parallel_loop3A_165 = arith.mulf %parallel_loop3A_160, %parallel_loop3A_164 : vector<16xf32>
        %parallel_loop3A_166 = arith.addf %parallel_loop3A_157, %parallel_loop3A_165 : vector<16xf32>
        %parallel_loop3A_167 = vector.broadcast %scan3A_40 : f32 to vector<16xf32>
        %parallel_loop3A_168 = arith.addf %parallel_loop3A_157, %parallel_loop3A_167 : vector<16xf32>
        %parallel_loop3A_169 = arith.minimumf %parallel_loop3A_166, %parallel_loop3A_168 : vector<16xf32>
        %parallel_loop3A_170 = arith.fptosi %parallel_loop3A_169 : vector<16xf32> to vector<16xi32>
        %parallel_loop3A_171 = arith.constant 4 : i32
        %parallel_loop3A_172 = vector.broadcast %parallel_loop3A_171 : i32 to vector<16xi32>
        %parallel_loop3A_173 = arith.shli %parallel_loop3A_170, %parallel_loop3A_172 : vector<16xi32>
        %parallel_loop3A_174 = arith.addi %parallel_loop3A_173, %iota3A : vector<16xi32>
        tpu.vector_store_idx %arg5[%parallel_loop3A_174], %broadcast_in_dim3A_5 masked %parallel_loop3A_163 {add = true} : memref<32768xf32, #tpu.memory_space<vmem>>[vector<16xi32>], vector<16xf32>, vector<16xi1>
      } {sc.loop_unroll_factor = 4 : i64, sc.parallel_access}
      %add3A_132 = arith.constant 3 : i32
      %add3A_133 = arith.addi %mul3A_48, %add3A_132 : i32
      %lt3A_134 = arith.constant 32 : i32
      %lt3A_135 = arith.cmpi slt, %add3A_133, %lt3A_134 : i32
      %convert_element_type3A_136 = arith.extui %lt3A_135 : i1 to i32
      %cond3A_137 = arith.constant 0 : i32
      %cond3A_138 = arith.cmpi ne, %convert_element_type3A_136, %cond3A_137 : i32
      scf.if %cond3A_138 {
        %add3A_139 = arith.constant 3 : i32
        %add3A_140 = arith.addi %mul3A_48, %add3A_139 : i32
        %mul3A_141 = arith.constant 8 : i32
        %mul3A_142 = arith.muli %add3A_140, %mul3A_141 : i32
        %add3A_143 = arith.addi %mul3A_2, %mul3A_142 : i32
        %dma_start3A_144 = tpu.memref_reshape %arg2 : memref<16x1x512x512xf32, #tpu.memory_space<hbm>> -> memref<8192x512xf32, #tpu.memory_space<hbm>>
        %dma_start3A_145 = arith.constant 0 : i32
        %dma_start3A_146 = tpu.memref_slice %dma_start3A_144[%add3A_143, %dma_start3A_145] : memref<8192x512xf32, #tpu.memory_space<hbm>> -> memref<8x512xf32, #tpu.memory_space<hbm>>
        %dma_start3A_147 = tpu.memref_reshape %arg2 : memref<16x1x512x512xf32, #tpu.memory_space<hbm>> -> memref<8192x512xf32, #tpu.memory_space<hbm>>
        %dma_start3A_148 = arith.constant 0 : i32
        %dma_start3A_149 = tpu.memref_slice %dma_start3A_147[%add3A_143, %dma_start3A_148] : memref<8192x512xf32, #tpu.memory_space<hbm>> -> memref<8x512xf32, #tpu.memory_space<hbm>>
        tpu.enqueue_dma source(%dma_start3A_149 : memref<8x512xf32, #tpu.memory_space<hbm>>) target(%arg8 : memref<8x512xf32, #tpu.memory_space<vmem>>) target_semaphore(%arg12 : memref<!tpu.dma_semaphore, #tpu.memory_space<semaphore_mem>>)
        %dma_start3A_150 = tpu.memref_reshape %arg3 : memref<16x1x512x512xf32, #tpu.memory_space<hbm>> -> memref<8192x512xf32, #tpu.memory_space<hbm>>
        %dma_start3A_151 = arith.constant 0 : i32
        %dma_start3A_152 = tpu.memref_slice %dma_start3A_150[%add3A_143, %dma_start3A_151] : memref<8192x512xf32, #tpu.memory_space<hbm>> -> memref<8x512xf32, #tpu.memory_space<hbm>>
        %dma_start3A_153 = tpu.memref_reshape %arg3 : memref<16x1x512x512xf32, #tpu.memory_space<hbm>> -> memref<8192x512xf32, #tpu.memory_space<hbm>>
        %dma_start3A_154 = arith.constant 0 : i32
        %dma_start3A_155 = tpu.memref_slice %dma_start3A_153[%add3A_143, %dma_start3A_154] : memref<8192x512xf32, #tpu.memory_space<hbm>> -> memref<8x512xf32, #tpu.memory_space<hbm>>
        tpu.enqueue_dma source(%dma_start3A_155 : memref<8x512xf32, #tpu.memory_space<hbm>>) target(%arg9 : memref<8x512xf32, #tpu.memory_space<vmem>>) target_semaphore(%arg13 : memref<!tpu.dma_semaphore, #tpu.memory_space<semaphore_mem>>)
      } else {
      }
    }
    %scan3A_45 = arith.constant 16 : i32
    "tpu.region"() ({
      %run_scoped3A = tpu.sem_alloc : memref<!tpu.dma_semaphore, #tpu.memory_space<semaphore_mem>>
      %dma_start3A_46 = arith.constant 0 : i32
      %dma_start3A_47 = tpu.memref_slice %arg4[%add3A, %dma_start3A_46] : memref<32x32768xf32, #tpu.memory_space<hbm>> -> memref<1x32768xf32, #tpu.memory_space<hbm>>
      %dma_start3A_48 = tpu.memref_squeeze %dma_start3A_47 : memref<1x32768xf32, #tpu.memory_space<hbm>> -> memref<32768xf32, #tpu.memory_space<hbm>>
      %dma_start3A_49 = arith.constant 0 : i32
      %dma_start3A_50 = tpu.memref_slice %arg4[%add3A, %dma_start3A_49] : memref<32x32768xf32, #tpu.memory_space<hbm>> -> memref<1x32768xf32, #tpu.memory_space<hbm>>
      %dma_start3A_51 = tpu.memref_squeeze %dma_start3A_50 : memref<1x32768xf32, #tpu.memory_space<hbm>> -> memref<32768xf32, #tpu.memory_space<hbm>>
      tpu.enqueue_dma source(%arg5 : memref<32768xf32, #tpu.memory_space<vmem>>) target(%dma_start3A_51 : memref<32768xf32, #tpu.memory_space<hbm>>) target_semaphore(%run_scoped3A : memref<!tpu.dma_semaphore, #tpu.memory_space<semaphore_mem>>)
      %dma_wait3A = arith.constant 0 : i32
      %dma_wait3A_52 = tpu.memref_slice %arg4[%add3A, %dma_wait3A] : memref<32x32768xf32, #tpu.memory_space<hbm>> -> memref<1x32768xf32, #tpu.memory_space<hbm>>
      %dma_wait3A_53 = tpu.memref_squeeze %dma_wait3A_52 : memref<1x32768xf32, #tpu.memory_space<hbm>> -> memref<32768xf32, #tpu.memory_space<hbm>>
      %dma_wait3A_54 = arith.constant 0 : i32
      %dma_wait3A_55 = tpu.memref_slice %arg4[%add3A, %dma_wait3A_54] : memref<32x32768xf32, #tpu.memory_space<hbm>> -> memref<1x32768xf32, #tpu.memory_space<hbm>>
      %dma_wait3A_56 = tpu.memref_squeeze %dma_wait3A_55 : memref<1x32768xf32, #tpu.memory_space<hbm>> -> memref<32768xf32, #tpu.memory_space<hbm>>
      tpu.wait_dma2 semaphore(%run_scoped3A : memref<!tpu.dma_semaphore, #tpu.memory_space<semaphore_mem>>) src(%arg5 : memref<32768xf32, #tpu.memory_space<vmem>>) dst(%dma_wait3A_56 : memref<32768xf32, #tpu.memory_space<hbm>>)
      tpu.yield
    }) : () -> ()
    return
  }
}

module attributes {stable_mosaic.version = 14 : i64} {
  func.func @_tc_part_body(%arg0: i32, %arg1: memref<1x1x512x512xf32, #tpu.memory_space<vmem>>, %arg2: memref<1x1x512x512xf32, #tpu.memory_space<vmem>>, %arg3: memref<1x1x128xf32, #tpu.memory_space<vmem>>) attributes {dimension_semantics = [#tpu.dimension_semantics<arbitrary>], iteration_bounds = array<i64: 16>, scalar_prefetch = 0 : i64, scratch_operands = 0 : i64, tpu.core_type = #tpu.core_type<tc>, window_params = [{transform_indices = @transform_0, window_bounds = array<i64: 1, 1, 512, 512>}, {transform_indices = @transform_1, window_bounds = array<i64: 1, 1, 512, 512>}, {transform_indices = @transform_2, window_bounds = array<i64: 1, 1, 128>}]} {
    %get3A = arith.constant 0 : index
    %get3A_0 = arith.constant 0 : index
    %get3A_1 = arith.constant 0 : index
    %get3A_2 = arith.constant 0 : index
    %get3A_3 = vector.load %arg1[%get3A, %get3A_0, %get3A_1, %get3A_2] : memref<1x1x512x512xf32, #tpu.memory_space<vmem>>, vector<1x1x512x512xf32>
    %get3A_4 = vector.shape_cast %get3A_3 : vector<1x1x512x512xf32> to vector<512x512xf32>
    %get3A_5 = arith.constant 0 : index
    %get3A_6 = arith.constant 0 : index
    %get3A_7 = arith.constant 0 : index
    %get3A_8 = arith.constant 0 : index
    %get3A_9 = vector.load %arg2[%get3A_5, %get3A_6, %get3A_7, %get3A_8] : memref<1x1x512x512xf32, #tpu.memory_space<vmem>>, vector<1x1x512x512xf32>
    %get3A_10 = vector.shape_cast %get3A_9 : vector<1x1x512x512xf32> to vector<512x512xf32>
    %max3A = arith.constant 0.000000e+00 : f32
    %max3A_11 = vector.broadcast %max3A : f32 to vector<512x512xf32>
    %max3A_12 = arith.maximumf %get3A_4, %max3A_11 : vector<512x512xf32>
    %mul3A = arith.mulf %get3A_4, %get3A_10 : vector<512x512xf32>
    %sub3A = arith.subf %max3A_12, %mul3A : vector<512x512xf32>
    %abs3A = math.absf %get3A_4 : vector<512x512xf32>
    %neg3A = arith.constant 0.000000e+00 : f32
    %neg3A_13 = vector.broadcast %neg3A : f32 to vector<512x512xf32>
    %neg3A_14 = arith.subf %neg3A_13, %abs3A : vector<512x512xf32>
    %exp3A = math.exp %neg3A_14 : vector<512x512xf32>
    %add3A = arith.constant 1.000000e+00 : f32
    %add3A_15 = vector.broadcast %add3A : f32 to vector<512x512xf32>
    %add3A_16 = arith.addf %add3A_15, %exp3A : vector<512x512xf32>
    %log3A = math.log %add3A_16 : vector<512x512xf32>
    %add3A_17 = arith.addf %sub3A, %log3A : vector<512x512xf32>
    %reduce_sum3A = vector.shape_cast %add3A_17 : vector<512x512xf32> to vector<1x512x512xf32>
    %reduce_sum3A_18 = arith.constant dense<0.000000e+00> : vector<1xf32>
    %reduce_sum3A_19 = vector.multi_reduction <add>, %reduce_sum3A, %reduce_sum3A_18 [1, 2] : vector<1x512x512xf32> to vector<1xf32>
    %reduce_sum3A_20 = vector.shape_cast %reduce_sum3A_19 : vector<1xf32> to vector<1x1x1xf32>
    %reduce_sum3A_21 = vector.extract %reduce_sum3A_20[0, 0, 0] : f32 from vector<1x1x1xf32>
    %neg3A_22 = arith.constant 0.000000e+00 : f32
    %neg3A_23 = vector.broadcast %neg3A_22 : f32 to vector<512x512xf32>
    %neg3A_24 = arith.subf %neg3A_23, %get3A_4 : vector<512x512xf32>
    %exp3A_25 = math.exp %neg3A_24 : vector<512x512xf32>
    %add3A_26 = arith.constant 1.000000e+00 : f32
    %add3A_27 = vector.broadcast %add3A_26 : f32 to vector<512x512xf32>
    %add3A_28 = arith.addf %add3A_27, %exp3A_25 : vector<512x512xf32>
    %div3A = arith.constant 1.000000e+00 : f32
    %div3A_29 = vector.broadcast %div3A : f32 to vector<512x512xf32>
    %div3A_30 = arith.divf %div3A_29, %add3A_28 : vector<512x512xf32>
    %mul3A_31 = arith.mulf %div3A_30, %get3A_10 : vector<512x512xf32>
    %reduce_sum3A_32 = vector.shape_cast %mul3A_31 : vector<512x512xf32> to vector<1x512x512xf32>
    %reduce_sum3A_33 = arith.constant dense<0.000000e+00> : vector<1xf32>
    %reduce_sum3A_34 = vector.multi_reduction <add>, %reduce_sum3A_32, %reduce_sum3A_33 [1, 2] : vector<1x512x512xf32> to vector<1xf32>
    %reduce_sum3A_35 = vector.shape_cast %reduce_sum3A_34 : vector<1xf32> to vector<1x1x1xf32>
    %reduce_sum3A_36 = vector.extract %reduce_sum3A_35[0, 0, 0] : f32 from vector<1x1x1xf32>
    %reduce_sum3A_37 = vector.shape_cast %div3A_30 : vector<512x512xf32> to vector<1x512x512xf32>
    %reduce_sum3A_38 = arith.constant dense<0.000000e+00> : vector<1xf32>
    %reduce_sum3A_39 = vector.multi_reduction <add>, %reduce_sum3A_37, %reduce_sum3A_38 [1, 2] : vector<1x512x512xf32> to vector<1xf32>
    %reduce_sum3A_40 = vector.shape_cast %reduce_sum3A_39 : vector<1xf32> to vector<1x1x1xf32>
    %reduce_sum3A_41 = vector.extract %reduce_sum3A_40[0, 0, 0] : f32 from vector<1x1x1xf32>
    %reduce_sum3A_42 = vector.shape_cast %get3A_10 : vector<512x512xf32> to vector<1x512x512xf32>
    %reduce_sum3A_43 = arith.constant dense<0.000000e+00> : vector<1xf32>
    %reduce_sum3A_44 = vector.multi_reduction <add>, %reduce_sum3A_42, %reduce_sum3A_43 [1, 2] : vector<1x512x512xf32> to vector<1xf32>
    %reduce_sum3A_45 = vector.shape_cast %reduce_sum3A_44 : vector<1xf32> to vector<1x1x1xf32>
    %reduce_sum3A_46 = vector.extract %reduce_sum3A_45[0, 0, 0] : f32 from vector<1x1x1xf32>
    %iota3A = tpu.iota {dimensions = array<i32: 2>} : vector<1x1x128xi32>
    %eq3A = arith.constant 0 : i32
    %eq3A_47 = vector.broadcast %eq3A : i32 to vector<1x1x128xi32>
    %eq3A_48 = arith.cmpi eq, %iota3A, %eq3A_47 : vector<1x1x128xi32>
    %eq3A_49 = arith.constant 1 : i32
    %eq3A_50 = vector.broadcast %eq3A_49 : i32 to vector<1x1x128xi32>
    %eq3A_51 = arith.cmpi eq, %iota3A, %eq3A_50 : vector<1x1x128xi32>
    %eq3A_52 = arith.constant 2 : i32
    %eq3A_53 = vector.broadcast %eq3A_52 : i32 to vector<1x1x128xi32>
    %eq3A_54 = arith.cmpi eq, %iota3A, %eq3A_53 : vector<1x1x128xi32>
    %eq3A_55 = arith.constant 3 : i32
    %eq3A_56 = vector.broadcast %eq3A_55 : i32 to vector<1x1x128xi32>
    %eq3A_57 = arith.cmpi eq, %iota3A, %eq3A_56 : vector<1x1x128xi32>
    %jit3A = arith.constant 0.000000e+00 : f32
    %broadcast_in_dim3A = vector.broadcast %reduce_sum3A_46 : f32 to vector<1x1x128xf32>
    %broadcast_in_dim3A_58 = vector.broadcast %jit3A : f32 to vector<1x1x128xf32>
    %select_n3A = arith.select %eq3A_57, %broadcast_in_dim3A, %broadcast_in_dim3A_58 : vector<1x1x128xi1>, vector<1x1x128xf32>
    %broadcast_in_dim3A_59 = vector.broadcast %reduce_sum3A_41 : f32 to vector<1x1x128xf32>
    %select_n3A_60 = arith.select %eq3A_54, %broadcast_in_dim3A_59, %select_n3A : vector<1x1x128xi1>, vector<1x1x128xf32>
    %broadcast_in_dim3A_61 = vector.broadcast %reduce_sum3A_36 : f32 to vector<1x1x128xf32>
    %select_n3A_62 = arith.select %eq3A_51, %broadcast_in_dim3A_61, %select_n3A_60 : vector<1x1x128xi1>, vector<1x1x128xf32>
    %broadcast_in_dim3A_63 = vector.broadcast %reduce_sum3A_21 : f32 to vector<1x1x128xf32>
    %select_n3A_64 = arith.select %eq3A_48, %broadcast_in_dim3A_63, %select_n3A_62 : vector<1x1x128xi1>, vector<1x1x128xf32>
    %swap3A = arith.constant 0 : index
    %swap3A_65 = arith.constant 0 : index
    %swap3A_66 = arith.constant 0 : index
    %swap3A_67 = vector.load %arg3[%swap3A, %swap3A_65, %swap3A_66] : memref<1x1x128xf32, #tpu.memory_space<vmem>>, vector<1x1x128xf32>
    tpu.vector_store %arg3[%swap3A, %swap3A_65, %swap3A_66], %select_n3A_64 {strides = array<i32>} : memref<1x1x128xf32, #tpu.memory_space<vmem>>, vector<1x1x128xf32>,
    return
  }
  func.func @transform_0(%arg0: i32) -> (i32, i32, i32, i32) {
    %c0_i32 = arith.constant 0 : i32
    %c0_i32_0 = arith.constant 0 : i32
    %c0_i32_1 = arith.constant 0 : i32
    %c0_i32_2 = arith.constant 0 : i32
    return %arg0, %c0_i32, %c0_i32_0, %c0_i32_1 : i32, i32, i32, i32
  }
  func.func @transform_1(%arg0: i32) -> (i32, i32, i32, i32) {
    %c0_i32 = arith.constant 0 : i32
    %c0_i32_0 = arith.constant 0 : i32
    %c0_i32_1 = arith.constant 0 : i32
    %c0_i32_2 = arith.constant 0 : i32
    return %arg0, %c0_i32, %c0_i32_0, %c0_i32_1 : i32, i32, i32, i32
  }
  func.func @transform_2(%arg0: i32) -> (i32, i32, i32) {
    %c0_i32 = arith.constant 0 : i32
    %c0_i32_0 = arith.constant 0 : i32
    %c0_i32_1 = arith.constant 0 : i32
    return %arg0, %c0_i32, %c0_i32_0 : i32, i32, i32
  }
}

module attributes {stable_mosaic.version = 14 : i64} {
  func.func @_tc_fin_body(%arg0: memref<16x1x128xf32, #tpu.memory_space<vmem>>, %arg1: memref<32x32768xf32, #tpu.memory_space<vmem>>, %arg2: memref<1x1xf32, #tpu.memory_space<vmem>>) attributes {dimension_semantics = [], scalar_prefetch = 0 : i64, scratch_operands = 0 : i64, tpu.core_type = #tpu.core_type<tc>} {
    %get3A = arith.constant 0 : index
    %get3A_0 = arith.constant 0 : index
    %get3A_1 = arith.constant 0 : index
    %get3A_2 = vector.load %arg0[%get3A, %get3A_0, %get3A_1] : memref<16x1x128xf32, #tpu.memory_space<vmem>>, vector<16x1x128xf32>
    %get3A_3 = vector.shape_cast %get3A_2 : vector<16x1x128xf32> to vector<16x128xf32>
    %slice3A = vector.extract_strided_slice %get3A_3 {offsets = [0, 0], sizes = [16, 1], strides = [1, 1]} : vector<16x128xf32> to vector<16x1xf32>
    %reduce_sum3A = vector.shape_cast %slice3A : vector<16x1xf32> to vector<1x16x1xf32>
    %reduce_sum3A_4 = arith.constant dense<0.000000e+00> : vector<1xf32>
    %reduce_sum3A_5 = vector.multi_reduction <add>, %reduce_sum3A, %reduce_sum3A_4 [1, 2] : vector<1x16x1xf32> to vector<1xf32>
    %reduce_sum3A_6 = vector.shape_cast %reduce_sum3A_5 : vector<1xf32> to vector<1x1x1xf32>
    %reduce_sum3A_7 = vector.extract %reduce_sum3A_6[0, 0, 0] : f32 from vector<1x1x1xf32>
    %slice3A_8 = vector.extract_strided_slice %get3A_3 {offsets = [0, 1], sizes = [16, 1], strides = [1, 1]} : vector<16x128xf32> to vector<16x1xf32>
    %slice3A_9 = vector.extract_strided_slice %get3A_3 {offsets = [0, 2], sizes = [16, 1], strides = [1, 1]} : vector<16x128xf32> to vector<16x1xf32>
    %slice3A_10 = vector.extract_strided_slice %get3A_3 {offsets = [0, 3], sizes = [16, 1], strides = [1, 1]} : vector<16x128xf32> to vector<16x1xf32>
    %mul3A = arith.constant 2.000000e+00 : f32
    %mul3A_11 = vector.broadcast %mul3A : f32 to vector<16x1xf32>
    %mul3A_12 = arith.mulf %mul3A_11, %slice3A_8 : vector<16x1xf32>
    %add3A = arith.constant 9.99999997E-7 : f32
    %add3A_13 = vector.broadcast %add3A : f32 to vector<16x1xf32>
    %add3A_14 = arith.addf %mul3A_12, %add3A_13 : vector<16x1xf32>
    %add3A_15 = arith.addf %slice3A_9, %slice3A_10 : vector<16x1xf32>
    %add3A_16 = arith.constant 9.99999997E-7 : f32
    %add3A_17 = vector.broadcast %add3A_16 : f32 to vector<16x1xf32>
    %add3A_18 = arith.addf %add3A_15, %add3A_17 : vector<16x1xf32>
    %div3A = arith.divf %add3A_14, %add3A_18 : vector<16x1xf32>
    %reduce_sum3A_19 = vector.shape_cast %div3A : vector<16x1xf32> to vector<1x16x1xf32>
    %reduce_sum3A_20 = arith.constant dense<0.000000e+00> : vector<1xf32>
    %reduce_sum3A_21 = vector.multi_reduction <add>, %reduce_sum3A_19, %reduce_sum3A_20 [1, 2] : vector<1x16x1xf32> to vector<1xf32>
    %reduce_sum3A_22 = vector.shape_cast %reduce_sum3A_21 : vector<1xf32> to vector<1x1x1xf32>
    %reduce_sum3A_23 = vector.extract %reduce_sum3A_22[0, 0, 0] : f32 from vector<1x1x1xf32>
    %div3A_24 = arith.constant 1.600000e+01 : f32
    %div3A_25 = arith.divf %reduce_sum3A_23, %div3A_24 : f32
    %reduce_sum3A_26 = vector.shape_cast %slice3A_10 : vector<16x1xf32> to vector<1x16x1xf32>
    %reduce_sum3A_27 = arith.constant dense<0.000000e+00> : vector<1xf32>
    %reduce_sum3A_28 = vector.multi_reduction <add>, %reduce_sum3A_26, %reduce_sum3A_27 [1, 2] : vector<1x16x1xf32> to vector<1xf32>
    %reduce_sum3A_29 = vector.shape_cast %reduce_sum3A_28 : vector<1xf32> to vector<1x1x1xf32>
    %reduce_sum3A_30 = vector.extract %reduce_sum3A_29[0, 0, 0] : f32 from vector<1x1x1xf32>
    %get3A_31 = arith.constant 0 : index
    %get3A_32 = arith.constant 0 : index
    %get3A_33 = vector.load %arg1[%get3A_31, %get3A_32] : memref<32x32768xf32, #tpu.memory_space<vmem>>, vector<32x32768xf32>
    %reduce_sum3A_34 = arith.constant dense<0.000000e+00> : vector<32768xf32>
    %reduce_sum3A_35 = vector.multi_reduction <add>, %get3A_33, %reduce_sum3A_34 [0] : vector<32x32768xf32> to vector<32768xf32>
    %broadcast_in_dim3A = vector.shape_cast %reduce_sum3A_35 : vector<32768xf32> to vector<1x32768xf32>
    %reshape3A = vector.shape_cast %broadcast_in_dim3A : vector<1x32768xf32> to vector<256x128xf32>
    %iota3A = tpu.iota {dimensions = array<i32: 0>} : vector<128x8xi32>
    %iota3A_36 = tpu.iota {dimensions = array<i32: 1>} : vector<128x8xi32>
    %jit3A = arith.constant 16 : i32
    %div3A_37 = vector.broadcast %jit3A : i32 to vector<128x8xi32>
    %div3A_38 = arith.divsi %iota3A, %div3A_37 : vector<128x8xi32>
    %sign3A = arith.constant 0 : i32
    %sign3A_39 = vector.broadcast %sign3A : i32 to vector<128x8xi32>
    %sign3A_40 = arith.cmpi sgt, %iota3A, %sign3A_39 : vector<128x8xi32>
    %sign3A_41 = arith.extui %sign3A_40 : vector<128x8xi1> to vector<128x8xi32>
    %sign3A_42 = arith.constant 0 : i32
    %sign3A_43 = vector.broadcast %sign3A_42 : i32 to vector<128x8xi32>
    %sign3A_44 = arith.cmpi slt, %iota3A, %sign3A_43 : vector<128x8xi32>
    %sign3A_45 = arith.extui %sign3A_44 : vector<128x8xi1> to vector<128x8xi32>
    %sign3A_46 = arith.subi %sign3A_41, %sign3A_45 : vector<128x8xi32>
    %sign3A_47 = arith.constant 0 : i32
    %sign3A_48 = arith.cmpi sgt, %jit3A, %sign3A_47 : i32
    %sign3A_49 = arith.extui %sign3A_48 : i1 to i32
    %sign3A_50 = arith.constant 0 : i32
    %sign3A_51 = arith.cmpi slt, %jit3A, %sign3A_50 : i32
    %sign3A_52 = arith.extui %sign3A_51 : i1 to i32
    %sign3A_53 = arith.subi %sign3A_49, %sign3A_52 : i32
    %ne3A = vector.broadcast %sign3A_53 : i32 to vector<128x8xi32>
    %ne3A_54 = arith.cmpi ne, %sign3A_46, %ne3A : vector<128x8xi32>
    %rem3A = vector.broadcast %jit3A : i32 to vector<128x8xi32>
    %rem3A_55 = arith.remsi %iota3A, %rem3A : vector<128x8xi32>
    %ne3A_56 = arith.constant 0 : i32
    %ne3A_57 = vector.broadcast %ne3A_56 : i32 to vector<128x8xi32>
    %ne3A_58 = arith.cmpi ne, %rem3A_55, %ne3A_57 : vector<128x8xi32>
    %and3A = arith.andi %ne3A_54, %ne3A_58 : vector<128x8xi1>
    %sub3A = arith.constant 1 : i32
    %sub3A_59 = vector.broadcast %sub3A : i32 to vector<128x8xi32>
    %sub3A_60 = arith.subi %div3A_38, %sub3A_59 : vector<128x8xi32>
    %select_n3A = arith.select %and3A, %sub3A_60, %div3A_38 : vector<128x8xi1>, vector<128x8xi32>
    %eq3A = arith.cmpi eq, %select_n3A, %iota3A_36 : vector<128x8xi32>
    %convert_element_type3A = arith.extui %eq3A : vector<128x8xi1> to vector<128x8xi32>
    %convert_element_type3A_61 = arith.sitofp %convert_element_type3A : vector<128x8xi32> to vector<128x8xf32>
    %dot_general3A = arith.constant dense<0.000000e+00> : vector<256x8xf32>
    %dot_general3A_62 = tpu.matmul %reshape3A, %convert_element_type3A_61, %dot_general3A {dimension_numbers = #tpu.dot_dimension_numbers<[1], [0], [0], [1], [0, 0, 1, 1], [], []>, transpose_lhs_hint = false} : vector<256x128xf32>, vector<128x8xf32>, vector<256x8xf32> -> vector<256x8xf32>
    %slice3A_63 = vector.extract_strided_slice %dot_general3A_62 {offsets = [0, 0], sizes = [128, 8], strides = [1, 1]} : vector<256x8xf32> to vector<128x8xf32>
    %slice3A_64 = vector.extract_strided_slice %dot_general3A_62 {offsets = [128, 0], sizes = [128, 8], strides = [1, 1]} : vector<256x8xf32> to vector<128x8xf32>
    %reduce_sum3A_65 = vector.shape_cast %slice3A_64 : vector<128x8xf32> to vector<1x128x8xf32>
    %reduce_sum3A_66 = arith.constant dense<0.000000e+00> : vector<1xf32>
    %reduce_sum3A_67 = vector.multi_reduction <add>, %reduce_sum3A_65, %reduce_sum3A_66 [1, 2] : vector<1x128x8xf32> to vector<1xf32>
    %reduce_sum3A_68 = vector.shape_cast %reduce_sum3A_67 : vector<1xf32> to vector<1x1x1xf32>
    %reduce_sum3A_69 = vector.extract %reduce_sum3A_68[0, 0, 0] : f32 from vector<1x1x1xf32>
    %iota3A_70 = tpu.iota {dimensions = array<i32: 0>} : vector<8x8xi32>
    %iota3A_71 = tpu.iota {dimensions = array<i32: 1>} : vector<8x8xi32>
    %le3A = arith.cmpi sle, %iota3A_70, %iota3A_71 : vector<8x8xi32>
    %convert_element_type3A_72 = arith.extui %le3A : vector<8x8xi1> to vector<8x8xi32>
    %convert_element_type3A_73 = arith.sitofp %convert_element_type3A_72 : vector<8x8xi32> to vector<8x8xf32>
    %dot_general3A_74 = arith.constant dense<0.000000e+00> : vector<128x8xf32>
    %dot_general3A_75 = tpu.matmul %slice3A_64, %convert_element_type3A_73, %dot_general3A_74 {dimension_numbers = #tpu.dot_dimension_numbers<[1], [0], [0], [1], [0, 0, 1, 1], [], []>, transpose_lhs_hint = false} : vector<128x8xf32>, vector<8x8xf32>, vector<128x8xf32> -> vector<128x8xf32>
    %iota3A_76 = tpu.iota {dimensions = array<i32: 0>} : vector<128x128xi32>
    %iota3A_77 = tpu.iota {dimensions = array<i32: 1>} : vector<128x128xi32>
    %lt3A = arith.cmpi slt, %iota3A_77, %iota3A_76 : vector<128x128xi32>
    %convert_element_type3A_78 = arith.extui %lt3A : vector<128x128xi1> to vector<128x128xi32>
    %convert_element_type3A_79 = arith.sitofp %convert_element_type3A_78 : vector<128x128xi32> to vector<128x128xf32>
    %slice3A_80 = vector.extract_strided_slice %dot_general3A_75 {offsets = [0, 7], sizes = [128, 1], strides = [1, 1]} : vector<128x8xf32> to vector<128x1xf32>
    %dot_general3A_81 = arith.constant dense<0.000000e+00> : vector<128x1xf32>
    %dot_general3A_82 = tpu.matmul %convert_element_type3A_79, %slice3A_80, %dot_general3A_81 {dimension_numbers = #tpu.dot_dimension_numbers<[1], [0], [0], [1], [0, 0, 1, 1], [], []>, transpose_lhs_hint = false} : vector<128x128xf32>, vector<128x1xf32>, vector<128x1xf32> -> vector<128x1xf32>
    %add3A_83 = vector.broadcast %dot_general3A_82 : vector<128x1xf32> to vector<128x8xf32>
    %add3A_84 = arith.addf %dot_general3A_75, %add3A_83 : vector<128x8xf32>
    %sub3A_85 = vector.broadcast %reduce_sum3A_69 : f32 to vector<128x8xf32>
    %sub3A_86 = arith.subf %sub3A_85, %add3A_84 : vector<128x8xf32>
    %reduce_sum3A_87 = vector.shape_cast %slice3A_63 : vector<128x8xf32> to vector<1x128x8xf32>
    %reduce_sum3A_88 = arith.constant dense<0.000000e+00> : vector<1xf32>
    %reduce_sum3A_89 = vector.multi_reduction <add>, %reduce_sum3A_87, %reduce_sum3A_88 [1, 2] : vector<1x128x8xf32> to vector<1xf32>
    %reduce_sum3A_90 = vector.shape_cast %reduce_sum3A_89 : vector<1xf32> to vector<1x1x1xf32>
    %reduce_sum3A_91 = vector.extract %reduce_sum3A_90[0, 0, 0] : f32 from vector<1x1x1xf32>
    %iota3A_92 = tpu.iota {dimensions = array<i32: 0>} : vector<8x8xi32>
    %iota3A_93 = tpu.iota {dimensions = array<i32: 1>} : vector<8x8xi32>
    %le3A_94 = arith.cmpi sle, %iota3A_92, %iota3A_93 : vector<8x8xi32>
    %convert_element_type3A_95 = arith.extui %le3A_94 : vector<8x8xi1> to vector<8x8xi32>
    %convert_element_type3A_96 = arith.sitofp %convert_element_type3A_95 : vector<8x8xi32> to vector<8x8xf32>
    %dot_general3A_97 = arith.constant dense<0.000000e+00> : vector<128x8xf32>
    %dot_general3A_98 = tpu.matmul %slice3A_63, %convert_element_type3A_96, %dot_general3A_97 {dimension_numbers = #tpu.dot_dimension_numbers<[1], [0], [0], [1], [0, 0, 1, 1], [], []>, transpose_lhs_hint = false} : vector<128x8xf32>, vector<8x8xf32>, vector<128x8xf32> -> vector<128x8xf32>
    %iota3A_99 = tpu.iota {dimensions = array<i32: 0>} : vector<128x128xi32>
    %iota3A_100 = tpu.iota {dimensions = array<i32: 1>} : vector<128x128xi32>
    %lt3A_101 = arith.cmpi slt, %iota3A_100, %iota3A_99 : vector<128x128xi32>
    %convert_element_type3A_102 = arith.extui %lt3A_101 : vector<128x128xi1> to vector<128x128xi32>
    %convert_element_type3A_103 = arith.sitofp %convert_element_type3A_102 : vector<128x128xi32> to vector<128x128xf32>
    %slice3A_104 = vector.extract_strided_slice %dot_general3A_98 {offsets = [0, 7], sizes = [128, 1], strides = [1, 1]} : vector<128x8xf32> to vector<128x1xf32>
    %dot_general3A_105 = arith.constant dense<0.000000e+00> : vector<128x1xf32>
    %dot_general3A_106 = tpu.matmul %convert_element_type3A_103, %slice3A_104, %dot_general3A_105 {dimension_numbers = #tpu.dot_dimension_numbers<[1], [0], [0], [1], [0, 0, 1, 1], [], []>, transpose_lhs_hint = false} : vector<128x128xf32>, vector<128x1xf32>, vector<128x1xf32> -> vector<128x1xf32>
    %add3A_107 = vector.broadcast %dot_general3A_106 : vector<128x1xf32> to vector<128x8xf32>
    %add3A_108 = arith.addf %dot_general3A_98, %add3A_107 : vector<128x8xf32>
    %sub3A_109 = vector.broadcast %reduce_sum3A_91 : f32 to vector<128x8xf32>
    %sub3A_110 = arith.subf %sub3A_109, %add3A_108 : vector<128x8xf32>
    %mul3A_111 = arith.constant 5.000000e-01 : f32
    %mul3A_112 = vector.broadcast %mul3A_111 : f32 to vector<128x8xf32>
    %mul3A_113 = arith.mulf %mul3A_112, %slice3A_64 : vector<128x8xf32>
    %add3A_114 = arith.addf %sub3A_86, %mul3A_113 : vector<128x8xf32>
    %mul3A_115 = arith.constant 5.000000e-01 : f32
    %mul3A_116 = vector.broadcast %mul3A_115 : f32 to vector<128x8xf32>
    %mul3A_117 = arith.mulf %mul3A_116, %slice3A_63 : vector<128x8xf32>
    %add3A_118 = arith.addf %sub3A_110, %mul3A_117 : vector<128x8xf32>
    %sub3A_119 = vector.broadcast %reduce_sum3A_30 : f32 to vector<128x8xf32>
    %sub3A_120 = arith.subf %sub3A_119, %add3A_114 : vector<128x8xf32>
    %add3A_121 = vector.broadcast %reduce_sum3A_30 : f32 to vector<128x8xf32>
    %add3A_122 = arith.addf %add3A_121, %add3A_118 : vector<128x8xf32>
    %div3A_123 = arith.divf %sub3A_120, %add3A_122 : vector<128x8xf32>
    %sub3A_124 = arith.constant 1.000000e+00 : f32
    %sub3A_125 = vector.broadcast %sub3A_124 : f32 to vector<128x8xf32>
    %sub3A_126 = arith.subf %sub3A_125, %div3A_123 : vector<128x8xf32>
    %reduce_sum3A_127 = vector.shape_cast %sub3A_126 : vector<128x8xf32> to vector<1x128x8xf32>
    %reduce_sum3A_128 = arith.constant dense<0.000000e+00> : vector<1xf32>
    %reduce_sum3A_129 = vector.multi_reduction <add>, %reduce_sum3A_127, %reduce_sum3A_128 [1, 2] : vector<1x128x8xf32> to vector<1xf32>
    %reduce_sum3A_130 = vector.shape_cast %reduce_sum3A_129 : vector<1xf32> to vector<1x1x1xf32>
    %reduce_sum3A_131 = vector.extract %reduce_sum3A_130[0, 0, 0] : f32 from vector<1x1x1xf32>
    %mul3A_132 = arith.constant 7.812500e-03 : f32
    %mul3A_133 = arith.mulf %mul3A_132, %reduce_sum3A_131 : f32
    %div3A_134 = arith.constant 0x4A800000 : f32
    %div3A_135 = arith.divf %reduce_sum3A_7, %div3A_134 : f32
    %sub3A_136 = arith.constant 1.000000e+00 : f32
    %sub3A_137 = arith.subf %sub3A_136, %div3A_25 : f32
    %add3A_138 = arith.addf %div3A_135, %sub3A_137 : f32
    %add3A_139 = arith.addf %add3A_138, %mul3A_133 : f32
    %reshape3A_140 = vector.broadcast %add3A_139 : f32 to vector<1x1xf32>
    %swap3A = arith.constant 0 : index
    %swap3A_141 = arith.constant 0 : index
    %swap3A_142 = vector.load %arg2[%swap3A, %swap3A_141] : memref<1x1xf32, #tpu.memory_space<vmem>>, vector<1x1xf32>
    tpu.vector_store %arg2[%swap3A, %swap3A_141], %reshape3A_140 {strides = array<i32>} : memref<1x1xf32, #tpu.memory_space<vmem>>, vector<1x1xf32>,
    return
  }
}

</mosaic_0001>

<sc_bundles>
// kernel: kernel.5.cloned.1.call-start
scs
__scs_entry_jumppad:
0x0: {  	(pc) =	sbr.rel $0x88, $3  }
0x1: {  	(tag) =	ssettag $0x0;
	lr =	simm.s32 $0x1  }
0x2: {  	[smem:$0x3F9F] =	sst lr;
	_ =	strace $0xD0000000  }
0x3: {  	_ = 	snop  }
0x4: {  	_ = 	snop  }
0x5: {  	_ = 	snop  }
0x6: {  	_ = 	snop  }
0x7: {  	_ = 	snop  }
__scs_overlays_trampoline_lowered:
0x8: {  	[smem:$0x3FAE] =	sst s0  }
0x9: {  	[smem:$0x3FAF] =	sst s1  }
0xa: {  	[smem:$0x3FB0] =	sst s2  }
0xb: {  	[smem:$0x3FB1] =	sst s3  }
0xc: {  	[smem:$0x3FB2] =	sst s4  }
0xd: {  	[smem:$0x3FB3] =	sst s5  }
0xe: {  	[smem:$0x3FB4] =	sst s6  }
0xf: {  	[smem:$0x3FB5] =	sst s7  }
0x10: {  	[smem:$0x3FB6] =	sst s8  }
0x11: {  	[smem:$0x3FB7] =	sst s9;
	s0 =	simm.s32 @!p0 $0x0  }
0x12: {  	s1 =	sld [smem:$0x3F9D];
	s0 =	simm.s32 @p0 $0x1  }
0x13: {  	[smem:$0x3FB8] =	sst s0;
	s0 =	simm.s32 @!p1 $0x0  }
0x14: {  	s2 =	sld [smem:$0x3F9C];
	s0 =	simm.s32 @p1 $0x1  }
0x15: {  	[smem:$0x3FB9] =	sst s0;
	s0 =	simm.s32 @!p2 $0x0  }
0x16: {  	s3 =	sld [smem:$0x3FDB];
	s0 =	simm.s32 @p2 $0x1  }
0x17: {  	s4 =	simm.s32 $0x1BF5;
	[smem:$0x3FBB] =	sst s0  }
0x18: {  	s0 =	sld [smem:$0x3F9E];
	_ =	swait.ge [sflag:s4], $0x0  }
0x19: {  	s7 =	sld [smem:$0x3F9F]  }
0x1a: {  	s8 =	sadd.s32 $0xFFFFE003, lr  }
0x1b: {  	s9 =	sadd.s32 $0xFFFFFEF7, lr;
	s5 =	simm.s32 $0xFFFFFFFF;
	p2 =	slt.u32 s8, $0xFFFFF086  }
0x1c: {  	p1 =	slt.u32 s9, $0xF7A;
	s5 =	simm.s32 @!p2 $0x0  }
0x1d: {  	s5 =	simm.s32 @p1 $0x1;
	p0 =	seq.s32 s7, s2  }
0x1e: {  	s7 =	smul.u32 @!p0 $0xF7A, s2;
	p2 =	seq.s32 @!p0 s5, $0x0  }
0x1f: {  	s9 =	smul.u32 $0xF7A, s1;
	s8 =	simm.s32 @!p0 $0x1BF5;
	p2 =	por !p2, p0  }
0x20: {  	[sflag:s8] =	ssyncset.s32 @!p0 $0xFFFFF086;
	s6 =	sadd.s32 @!p0 s3, s7;
	s7 =	simm.s32 @!p0 $0x108  }
0x21: {  	s3 =	sadd.s32 s3, s9;
	s6 =	sadd.s32 @!p0 $0x88, s6;
	s7 =	simm.s32 @p2 $0x1082  }
0x22: {  	[simem:s7], [sflag:s8] =	dma.local @!p0 [hbm:s6], $0xF7A  }
0x23: {  	s9 =	sor.u32 $0xD0000000, s2;
	s6 =	simm.s32 $0x108;
	_ =	swait.ge @!p0 [sflag:s8], $0x0  }
0x24: {  	s3 =	sadd.s32 $0x88, s3;
	s6 =	simm.s32 @!p1 $0x1082;
	[sflag:s4] =	ssyncset.s32 $0xFFFFF086  }
0x25: {  	[simem:s6], [sflag:s4] =	dma.local [hbm:s3], $0xF7A  }
0x26: {  	[smem:$0x3F9F] =	sst s1;
	(tag) =	ssettag s2;
	_ =	strace s9  }
0x27: {  	s1 =	sld [smem:$0x3FAF]  }
0x28: {  	s2 =	sld [smem:$0x3FB0]  }
0x29: {  	s4 =	sld [smem:$0x3FB2]  }
0x2a: {  	p0 =	seq.s32 s5, $0x0;
	s5 =	sld [smem:$0x3FB3]  }
0x2b: {  	s6 =	sld [smem:$0x3FB4]  }
0x2c: {  	s7 =	sld [smem:$0x3FB5]  }
0x2d: {  	s3 =	simm.s32 $0x108;
	s8 =	sld [smem:$0x3FB6]  }
0x2e: {  	s3 =	simm.s32 @!p0 $0x1082;
	s9 =	sld [smem:$0x3FB7]  }
0x2f: {  	lr =	sadd.s32 s0, s3;
	s0 =	sld [smem:$0x3FAE]  }
0x30: {  	s3 =	sld [smem:$0x3FB1]  }
0x31: {  	[smem:$0x3FBA] =	sst s10  }
0x32: {  	s10 =	sld [smem:$0x3FB8];
	_ =	sdelay $0x3  }
0x33: {  	p0 =	seq.s32 s10, $0x1;
	s10 =	sld [smem:$0x3FBA];
	_ =	sdelay $0x3  }
0x34: {  	[smem:$0x3FBA] =	sst s10  }
0x35: {  	s10 =	sld [smem:$0x3FB9];
	_ =	sdelay $0x3  }
0x36: {  	p1 =	seq.s32 s10, $0x1;
	s10 =	sld [smem:$0x3FBA];
	_ =	sdelay $0x3  }
0x37: {  	[smem:$0x3FBA] =	sst s10  }
0x38: {  	s10 =	sld [smem:$0x3FBB]  }
0x39: {  	_ = 	snop;
	(pc) =	sbr.ind lr, $3  }
0x3a: {  	_ = 	snop  }
0x3b: {  	_ = 	snop  }
0x3c: {  	p2 =	seq.s32 s10, $0x1;
	s10 =	sld [smem:$0x3FBA]  }
0x3d: {  	_ =	shalt  }
0x3e: {  	_ =	shalt  }
0x3f: {  	_ =	shalt  }
0x40: {  	_ =	shalt  }
0x41: {  	_ =	shalt  }
0x42: {  	_ =	shalt  }
0x43: {  	_ =	shalt  }
0x44: {  	_ =	shalt  }
0x45: {  	_ =	shalt  }
0x46: {  	_ =	shalt  }
0x47: {  	_ =	shalt  }
0x48: {  	_ =	shalt  }
0x49: {  	_ =	shalt  }
0x4a: {  	_ =	shalt  }
0x4b: {  	_ =	shalt  }
0x4c: {  	_ =	shalt  }
0x4d: {  	_ =	shalt  }
0x4e: {  	_ =	shalt  }
0x4f: {  	_ =	shalt  }
0x50: {  	_ =	shalt  }
0x51: {  	_ =	shalt  }
0x52: {  	_ =	shalt  }
0x53: {  	_ =	shalt  }
0x54: {  	_ =	shalt  }
0x55: {  	_ =	shalt  }
0x56: {  	_ =	shalt  }
0x57: {  	_ =	shalt  }
0x58: {  	_ =	shalt  }
0x59: {  	_ =	shalt  }
0x5a: {  	_ =	shalt  }
0x5b: {  	_ =	shalt  }
0x5c: {  	_ =	shalt  }
0x5d: {  	_ =	shalt  }
0x5e: {  	_ =	shalt  }
0x5f: {  	_ =	shalt  }
0x60: {  	_ =	shalt  }
0x61: {  	_ =	shalt  }
0x62: {  	_ =	shalt  }
0x63: {  	_ =	shalt  }
0x64: {  	_ =	shalt  }
0x65: {  	_ =	shalt  }
0x66: {  	_ =	shalt  }
0x67: {  	_ =	shalt  }
0x68: {  	_ =	shalt  }
0x69: {  	_ =	shalt  }
0x6a: {  	_ =	shalt  }
0x6b: {  	_ =	shalt  }
0x6c: {  	_ =	shalt  }
0x6d: {  	_ =	shalt  }
0x6e: {  	_ =	shalt  }
0x6f: {  	_ =	shalt  }
0x70: {  	_ =	shalt  }
0x71: {  	_ =	shalt  }
0x72: {  	_ =	shalt  }
0x73: {  	_ =	shalt  }
0x74: {  	_ =	shalt  }
0x75: {  	_ =	shalt  }
0x76: {  	_ =	shalt  }
0x77: {  	_ =	shalt  }
0x78: {  	_ =	shalt  }
0x79: {  	_ =	shalt  }
0x7a: {  	_ =	shalt  }
0x7b: {  	_ =	shalt  }
0x7c: {  	_ =	shalt  }
0x7d: {  	_ =	shalt  }
0x7e: {  	_ =	shalt  }
0x7f: {  	_ =	shalt  }
0x80: {  	_ =	shalt  }
0x81: {  	_ =	shalt  }
0x82: {  	_ =	shalt  }
0x83: {  	_ =	shalt  }
0x84: {  	_ =	shalt  }
0x85: {  	_ =	shalt  }
0x86: {  	_ =	shalt  }
0x87: {  	_ =	shalt  }
.Lfunc_end0:
.L_simem_size_0:
called_computation_lowered:
.L_overlay_start_0:
0x88: {  	s2 =	sld [smem:$0x3FD9]  }
0x89: {  	s3 =	sld [smem:$0x3FFE];
	_ =	sdelay $0x1  }
0x8a: {  	s1 =	srdreg.scid  }
0x8b: {  	s0 =	sand.u32 $0x1, s1  }
0x8c: {  	s17 =	sshll.u32 s0, $0xA;
	s2 =	sadd.s32 s3, s2  }
0x8d: {  	s2 =	sadd.s32 s2, s17  }
0x8e: {  	[smem:$0x3FC6] =	sst s2  }
0x8f: {  	_ = 	snop  }
0x90: {  	s2 =	sld [smem:$0x3FC9]  }
0x91: {  	s18 =	sld [smem:$0x3FC8];
	(tm) =	ssettm $0x1  }
0x92: {  	s4 =	sld [smem:$0x3FFB];
	_ =	sdelay $0x3  }
0x93: {  	_ =	strace s4  }
0x94: {  	s4 =	sld [smem:$0x3FFC];
	_ =	sdelay $0x3  }
0x95: {  	_ =	strace s4  }
0x96: {  	s4 =	sld [smem:$0x3FFD];
	_ =	sdelay $0x3  }
0x97: {  	_ =	strace s4  }
0x98: {  	_ =	strace $0x8FFFFFFF  }
0x99: {  	s19 =	sld [smem:$0x3FDB];
	_ =	sdelay $0x1  }
0x9a: {  	s5 =	simm.s32 $_scs_section_size  }
0x9b: {  	s6 =	simm.s32 $_size__tile_overlayer_lowered;
	s7 =	simm.s32 $_tile_overlayer_lowered  }
0x9c: {  	s22 =	simm.s32 $0x1BFF;
	s21 =	sshll.u32 s7, $0x1;
	s4 =	sadd.s32 s5, s19  }
0x9d: {  	s8 =	simm.s32 $0x0;
	s20 =	sshll.u32 s6, $0x1;
	s6 =	sadd.s32 s21, s4  }
0x9e: {  	[timem:s8], [sflag:s22] =	dma.local [hbm:s6], s20  }
0x9f: {  	_ =	swait.ge [sflag:s22], s20  }
0xa0: {  	s5 =	ssub.s32 $0x0, s20;
	[sflag:s22] =	ssyncset.done $0x0  }
0xa1: {  	[sflag:s22] =	ssyncadd.s32 s5;
	_ =	sdelay $0x1  }
0xa2: {  	s23 =	simm.s32 $0x1B8B  }
0xa3: {  	_ =	swait.ge [sflag:s23], $0x1  }
0xa4: {  	[sflag:s23] =	ssyncset.done $0x0  }
0xa5: {  	s25 =	simm.s32 $0x1B8E;
	s24 =	sld [smem:$0x3FFE];
	[sflag:s23] =	ssyncadd.s32 $0xFFFFFFFF  }
0xa6: {  	s26 =	simm.s32 $execute0_lowered;
	[smem:$0x3FD2] =	sst s25  }
0xa7: {  	s6 =	sshll.u32 s26, $0x1;
	_ =	strace $0x80000046;
	[dreg:$0x1] =	wrdreg $0xFFFFFFFF  }
0xa8: {  	s28 =	simm.s32 $_size_execute0_lowered;
	s4 =	sadd.s32 s4, s6;
	[dreg:$0x0] =	wrdreg $0x0  }
0xa9: {  	s6 =	sshll.u32 s28, $0x1;
	[dreg:$0x2] =	wrdreg s4  }
0xaa: {  	[dreg:$0x3] =	wrdreg s6  }
0xab: {  	[dreg:$0x4] =	wrdreg $0xC0  }
0xac: {  	_ =	task [dreg:s8], $0x5FFFF  }
0xad: {  	[dreg:$0x1] =	wrdreg $0xFFFFFFFF  }
0xae: {  	[dreg:$0x0] =	wrdreg $0x60  }
0xaf: {  	[dreg:$0x2] =	wrdreg s2  }
0xb0: {  	[dreg:$0x3] =	wrdreg s18  }
0xb1: {  	[dreg:$0x4] =	wrdreg s24  }
0xb2: {  	[dreg:$0x5] =	wrdreg $0x9  }
0xb3: {  	_ =	task.clear_ibuf [dreg:s8], $0x6FFFF;
	_ =	strace $0x90000046  }
0xb4: {  	s29 =	simm.s32 $0x9;
	_ =	strace $0x80000048  }
0xb5: {  	_ =	swait.ge [sflag:s29], $0x1  }
0xb6: {  	[sflag:s29] =	ssyncadd.s32 $0xFFFFFFFF  }
0xb7: {  	_ =	strace $0x90000048  }
0xb8: {  	_ =	sfence  }
0xb9: {  	s30 =	sld [smem:$0x0];
	_ =	sdelay $0x2  }
0xba: {  	s31 =	sshll.u32 s1, $0xD;
	s1 =	sshrl.u32 s1, $0x2  }
0xbb: {  	s3 =	sand.u32 $0x4000, s31;
	s1 =	sadd.s32 s1, s30  }
0xbc: {  	s0 =	sor.u32 s3, s0;
	s1 =	sshll.u32 s1, $0x11  }
0xbd: {  	s0 =	sor.u32 s1, s0  }
0xbe: {  	s0 =	sadd.s32 $0x8F2B, s0  }
0xbf: {  	[sflag:s0] =	ssyncadd.remote.s32 $0x1  }
0xc0: {  	_ =	sfence.sel $0xFFFF  }
0xc1: {  	[dreg:$0x0] =	wrdreg $0xFFFFFFFF;
	(pc) =	sbr.abs _section_cstart, $3  }
0xc2: {  	[dreg:$0x1] =	wrdreg $0xFFFFFFFF  }
0xc3: {  	_ =	task.clear_ibuf [dreg:s8], $0x2FFFF;
	_ =	strace $0x9FFFFFFF  }
0xc4: {  	(tm) =	ssettm $0x7FFFFFFF  }
0xc5: {  	_ =	shalt  }
tec
execute0_lowered:
.L_overlay_start_1:
0x0: {  	(tag) =	ssettag $0x1  }
0x1: {  	s1 =	rddreg [dreg:$0x0]  }
0x2: {  	s2 =	rddreg [dreg:$0x1]  }
0x3: {  	s0 =	rddreg [dreg:$0x2];
	s4 =	simm.s32 $0x0;
	s3 =	srdreg.scid  }
0x4: {  	s7 =	stileid.u32;
	s15 =	simm.s32 $0xA000;
	s16 =	simm.s32 $0xB000  }
0x5: {  	s17 =	simm.s32 $0x1;
	s18 =	simm.s32 $0x2;
	s19 =	simm.s32 $0x3  }
0x6: {  	s20 =	simm.s32 $0x4;
	s22 =	simm.s32 $0x400;
	s23 =	simm.s32 $0x5  }
0x7: {  	s24 =	simm.s32 $0x0;
	s25 =	simm.s32 $0x0;
	[smem:$0x7FF] =	sst s4  }
0x8: {  	s3 =	sand.u32 $0x1, s3;
	s5 =	sshll.u32 s7, $0xD;
	s7 =	sshll.u32 s7, $0x1  }
0x9: {  	_ =	strace $0x80000047;
	s6 =	ssub.s32 $0x2, s3;
	s5 =	sand.u32 $0x18000, s5  }
0xa: {  	s3 =	sor.u32 s3, s7;
	s8 =	sshrl.u32 s6, $0x1;
	s0 =	sadd.s32 s5, s0  }
.Ltmp0:
0xb: {  	s10 =	sshll.u32 s3, $0xE;
	s3 =	sshll.u32 s3, $0x4;
	(pc) =	sbr.rel .LBB2_1-.Ltmp0, $4  }
0xc: {  	s12 =	ssub.s32 s6, s8;
	s5 =	sadd.s32 s1, s10;
	s31 =	sor.u32 $0x200, s10  }
0xd: {  	s6 =	sadd.s32 s2, s10;
	s3 =	sand.u32 $0x70, s3;
	s9 =	sor.u32 $0x400, s10  }
0xe: {  	s10 =	sor.u32 $0x600, s10;
	s7 =	sadd.s32 s1, s31;
	s0 =	sadd.s32 s3, s0  }
0xf: {  	v0 =	vimm.f32 $0.0e+00;
	v1 =	vimm.f32 $1.000000000e+00;
	v2 =	vlaneseq.u32;
	s8 =	sadd.s32 s2, s31;
	s12 =	smax.u32 s12, $0x1;
	s11 =	sadd.s32 $0x800, s0  }
.LBB2_58:
0x10: {  	s24 =	sadd.s32 $0x1, s24  }
0x11: {  	p0 =	sne.s32 s24, s12  }
.Ltmp1:
0x12: {  	s0 =	simm.s32 $0x80;
	(pc) =	sbr.rel @!p0 .LBB2_59-.Ltmp1, $4  }
0x13: {  	[hbm4b:s11+s0] =	stream.strided.scatter [tilespmem:s4], [sflag:$0x5], $0x8000, s22, s0, $0x38;
	[tilespmem:$0xC000] =	vst v63  }
0x14: {  	_ =	swait.ge [sflag:s23], $0x8000  }
0x15: {  	[sflag:s23] =	ssyncset.done $0x0  }
0x16: {  	[sflag:s23] =	ssyncadd.s32 $0xFFFF8000  }
.LBB2_1:
0x17: {  	s0 =	simm.s32 $0x8000  }
0x18: {  	[tilespmem:s0], [sflag:$0x1] =	stream.linear.gather [hbm4b:s5+s4], $0x1000, $0x38;
	[tilespmem:$0xC000] =	vst v63  }
0x19: {  	s31 =	simm.s32 $0x9000  }
0x1a: {  	[tilespmem:s31], [sflag:$0x2] =	stream.linear.gather [hbm4b:s6+s4], $0x1000, $0x38;
	[tilespmem:$0xC000] =	vst v63  }
0x1b: {  	_ = 	snop  }
0x1c: {  	[tilespmem:s15], [sflag:$0x3] =	stream.linear.gather [hbm4b:s7+s4], $0x1000, $0x38;
	[tilespmem:$0xC000] =	vst v63  }
0x1d: {  	s0 =	simm.s32 $0x40  }
0x1e: {  	[tilespmem:s16], [sflag:$0x4] =	stream.linear.gather [hbm4b:s8+s4], $0x1000, $0x38;
	[tilespmem:$0xC000] =	vst v63  }
0x1f: {  	[tilespmem:s0+$0xFFFFFFC0] =	vst v0  }
0x20: {  	[tilespmem:s0+$0x30] =	vst v0  }
0x21: {  	[tilespmem:s0+$0x20] =	vst v0  }
0x22: {  	[tilespmem:s0+$0x10] =	vst v0  }
0x23: {  	[tilespmem:s0+$0x0] =	vst v0  }
0x24: {  	[tilespmem:s0+$0xFFFFFFF0] =	vst v0  }
0x25: {  	s3 =	simm.s32 $0x0;
	[tilespmem:s0+$0xFFFFFFE0] =	vst v0  }
.LBB2_2:
0x26: {  	s3 =	sadd.s32 $0x8, s3;
	[tilespmem:s0+$0xFFFFFFD0] =	vst v0;
	s0 =	sadd.s32 $0x80, s0  }
0x27: {  	[tilespmem:s0+$0xFFFFFFC0] =	vst v0;
	p0 =	slt.u32 s3, $0x7F8  }
0x28: {  	[tilespmem:s0+$0x30] =	vst v0  }
.Ltmp2:
0x29: {  	[tilespmem:s0+$0x20] =	vst v0;
	(pc) =	sbr.rel @p0 .LBB2_2-.Ltmp2, $4  }
0x2a: {  	[tilespmem:s0+$0x10] =	vst v0  }
0x2b: {  	[tilespmem:s0+$0x0] =	vst v0  }
0x2c: {  	[tilespmem:s0+$0xFFFFFFF0] =	vst v0  }
0x2d: {  	[tilespmem:s0+$0xFFFFFFE0] =	vst v0  }
0x2e: {  	[tilespmem:s0+$0xFFFFFFD0] =	vst v0;
	s26 =	simm.s32 $0x0  }
.LBB2_4:
0x2f: {  	_ =	swait.ge [sflag:s17], $0x1000  }
0x30: {  	[sflag:s17] =	ssyncset.done $0x0  }
0x31: {  	[sflag:s17] =	ssyncadd.s32 $0xFFFFF000  }
0x32: {  	_ =	swait.ge [sflag:s18], $0x1000  }
0x33: {  	s0 =	sand.u32 $0x40, s25;
	s3 =	sand.u32 $0xC00, s25;
	[sflag:s18] =	ssyncset.done $0x0  }
0x34: {  	s0 =	sor.u32 s0, s3;
	[sflag:s18] =	ssyncadd.s32 $0xFFFFF000  }
0x35: {  	v3 =	vld [tilespmem:s0+$0x8030]  }
0x36: {  	v4 =	vld [tilespmem:s0+$0x9030]  }
0x37: {  	v5 =	vld [tilespmem:s0+$0x8000]  }
0x38: {  	v6 =	vld [tilespmem:s0+$0x8010]  }
0x39: {  	v9 =	vld [tilespmem:s0+$0x9000]  }
0x3a: {  	v7 =	vld [tilespmem:s0+$0x8020]  }
0x3b: {  	v8 =	vsub.f32 $0.0e+00, v3;
	vm0 =	vgt.f32 v4, $5.000000000e-01;
	v4 =	vld [tilespmem:s0+$0x9010];
	_ =	sdelay $0x1  }
0x3c: {  	v10 =	vsub.f32 $0.0e+00, v5;
	v3 =	vsel vm0, v3, v8  }
0x3d: {  	s21 =	simm.s32 $0x200;
	s31 =	simm.s32 $0x40;
	v14 =	vsel vm0, $0x44800000, v0;
	v8 =	vld [tilespmem:s0+$0x9020];
	vm0 =	vgt.f32 v9, $5.000000000e-01;
	v3 =	vsub.f32 $1.000000000e+00, v3  }
0x3e: {  	s3 =	sand.u32 $0x40, s31;
	v12 =	vsub.f32 $0.0e+00, v6;
	v13 =	vsub.f32 $0.0e+00, v7;
	s0 =	sand.u32 $0xC00, s21;
	v5 =	vsel vm0, v5, v10  }
0x3f: {  	s0 =	sor.u32 s3, s0;
	v5 =	vsub.f32 $1.000000000e+00, v5;
	v11 =	vmul.f32 $1.280000000e+02, v3;
	vm1 =	vgt.f32 v4, $5.000000000e-01  }
0x40: {  	v9 =	vadd.f32 $1.023000000e+03, v14;
	v58 =	vld [tilespmem:s0+$0x9030];
	v6 =	vsel vm1, v6, v12;
	v10 =	vsel vm1, $0x44800000, v0  }
0x41: {  	v59 =	vld [tilespmem:s0+$0x8000];
	vm1 =	vgt.f32 v3, $0.0e+00;
	vm5 =	vgt.f32 v5, $0.0e+00;
	v4 =	vadd.f32 v11, v14  }
0x42: {  	vm2 =	vgt.f32 v8, $5.000000000e-01;
	v6 =	vsub.f32 $1.000000000e+00, v6;
	v8 =	vsel vm0, $0x44800000, v0  }
0x43: {  	v7 =	vsel vm2, v7, v13;
	v57 =	vsel vm2, $0x44800000, v0;
	v4 =	vmin.f32 v4, v9  }
0x44: {  	v3 =	vld [tilespmem:s0+$0x8030];
	v7 =	vsub.f32 $1.000000000e+00, v7;
	v9 =	vmul.f32 $1.280000000e+02, v5;
	v11 =	vmul.f32 $1.280000000e+02, v6  }
0x45: {  	v13 =	vadd.f32 $1.023000000e+03, v57;
	vm2 =	vgt.f32 v6, $0.0e+00;
	v4 =	vtrunc.f32 v4  }
0x46: {  	v6 =	vld [tilespmem:s0+$0x9000];
	vm0 =	vgt.f32 v58, $5.000000000e-01;
	v60 =	vsub.f32 $0.0e+00, v59;
	v4 =	vcvt.f32.s32 v4  }
0x47: {  	v56 =	vmul.f32 $1.280000000e+02, v7;
	v9 =	vadd.f32 v9, v8;
	v8 =	vadd.f32 $1.023000000e+03, v8  }
0x48: {  	v16 =	vld [tilespmem:s0+$0x8010];
	v11 =	vadd.f32 v11, v10;
	v10 =	vadd.f32 $1.023000000e+03, v10;
	v4 =	vshll.u32 v4, $0x4  }
0x49: {  	v8 =	vmin.f32 v9, v8;
	v9 =	vsub.f32 $0.0e+00, v3;
	v15 =	vor.u32 v2, v4  }
0x4a: {  	v4 =	vadd.f32 v56, v57;
	v5 =	vtrunc.f32 v8;
	v8 =	vmin.f32 v11, v10;
	v10 =	vld [tilespmem:s0+$0x9010]  }
0x4b: {  	vm6 =	vgt.f32 v6, $5.000000000e-01;
	v8 =	vtrunc.f32 v8;
	v5 =	vcvt.f32.s32 v5  }
0x4c: {  	v11 =	vld [tilespmem:s0+$0x8020];
	v3 =	vsel vm0, v3, v9;
	v4 =	vmin.f32 v4, v13;
	v8 =	vcvt.f32.s32 v8  }
0x4d: {  	v9 =	vsub.f32 $0.0e+00, v16;
	v3 =	vsub.f32 $1.000000000e+00, v3;
	v4 =	vtrunc.f32 v4  }
0x4e: {  	v61 =	vld [tilespmem:s0+$0x9020];
	v5 =	vshll.u32 v5, $0x4;
	v4 =	vcvt.f32.s32 v4;
	v6 =	vshll.u32 v8, $0x4  }
0x4f: {  	v62 =	vor.u32 v2, v5;
	vm3 =	vgt.f32 v10, $5.000000000e-01;
	v10 =	vmul.f32 $1.280000000e+02, v3  }
0x50: {  	v63 =	vor.u32 v2, v6;
	v6 =	vsel vm0, $0x44800000, v0;
	vm0 =	vgt.f32 v7, $0.0e+00  }
0x51: {  	v5 =	vsel vm3, v16, v9;
	v9 =	vsub.f32 $0.0e+00, v11;
	v4 =	vshll.u32 v4, $0x4  }
0x52: {  	v10 =	vadd.f32 v10, v6;
	v6 =	vadd.f32 $1.023000000e+03, v6;
	v4 =	vor.u32 v2, v4  }
0x53: {  	vm4 =	vgt.f32 v61, $5.000000000e-01;
	v8 =	vsel vm6, v59, v60  }
0x54: {  	[tilespmem:v15+s25+$0x0] =	vst.idx.add.f32.msk vm1, v1;
	v7 =	vsub.f32 $1.000000000e+00, v8;
	v8 =	vsel vm4, v11, v9;
	v9 =	vmin.f32 v10, v6  }
0x55: {  	s29 =	simm.s32 $0x4;
	v6 =	vsub.f32 $1.000000000e+00, v5;
	v5 =	vsub.f32 $1.000000000e+00, v8;
	[tilespmem:v62+s25+$0x0] =	vst.idx.add.f32.msk vm5, v1;
	v9 =	vtrunc.f32 v9  }
0x56: {  	s30 =	simm.s32 $0x80;
	s28 =	simm.s32 $0x0;
	s0 =	simm.s32 $0x400;
	v8 =	vsel vm6, $0x44800000, v0;
	v10 =	vmul.f32 $1.280000000e+02, v7;
	[tilespmem:v63+s25+$0x0] =	vst.idx.add.f32.msk vm2, v1;
	v9 =	vcvt.f32.s32 v9  }
.LBB2_5:
0x57: {  	s3 =	sand.u32 $0x40, s30;
	s13 =	sand.u32 $0xC00, s0;
	s29 =	sadd.s32 $0x4, s29;
	v11 =	vsel vm3, $0x44800000, v0;
	v12 =	vmul.f32 $1.280000000e+02, v6;
	v13 =	vmul.f32 $1.280000000e+02, v5;
	[tilespmem:v4+s28+$0x0] =	vst.idx.add.f32.msk vm0, v1  }
0x58: {  	v4 =	vsel vm4, $0x44800000, v0;
	vm3 =	vgt.f32 v3, $0.0e+00;
	s3 =	sor.u32 s3, s13;
	p0 =	slt.u32 s29, $0x1C;
	v3 =	vshll.u32 v9, $0x4  }
0x59: {  	v10 =	vadd.f32 v10, v8;
	v9 =	vld [tilespmem:s3+$0x8030];
	v12 =	vadd.f32 v12, v11;
	v3 =	vor.u32 v2, v3  }
0x5a: {  	vm2 =	vgt.f32 v7, $0.0e+00;
	v7 =	vadd.f32 $1.023000000e+03, v8;
	v8 =	vadd.f32 v13, v4;
	v14 =	vld [tilespmem:s3+$0x9030]  }
0x5b: {  	vm1 =	vgt.f32 v6, $0.0e+00;
	v6 =	vadd.f32 $1.023000000e+03, v11;
	v4 =	vadd.f32 $1.023000000e+03, v4;
	v13 =	vld [tilespmem:s3+$0x8000]  }
0x5c: {  	vm0 =	vgt.f32 v5, $0.0e+00;
	v7 =	vmin.f32 v10, v7;
	v11 =	vld [tilespmem:s3+$0x8010]  }
0x5d: {  	s28 =	simm.s32 $0x0;
	v7 =	vtrunc.f32 v7;
	v6 =	vmin.f32 v12, v6;
	v4 =	vmin.f32 v8, v4;
	v5 =	vld [tilespmem:s3+$0x8020]  }
0x5e: {  	v6 =	vtrunc.f32 v6;
	v4 =	vtrunc.f32 v4;
	v8 =	vsub.f32 $0.0e+00, v9;
	[tilespmem:v3+s28+$0x0] =	vst.idx.add.f32.msk vm3, v1  }
0x5f: {  	v7 =	vcvt.f32.s32 v7;
	v6 =	vcvt.f32.s32 v6;
	v10 =	vld [tilespmem:s3+$0x9000];
	vm3 =	vgt.f32 v14, $5.000000000e-01  }
0x60: {  	v4 =	vcvt.f32.s32 v4;
	v12 =	vsub.f32 $0.0e+00, v13;
	v14 =	vld [tilespmem:s3+$0x9010];
	v3 =	vsel vm3, v9, v8  }
0x61: {  	v7 =	vshll.u32 v7, $0x4;
	v8 =	vsub.f32 $0.0e+00, v11;
	v9 =	vld [tilespmem:s3+$0x9020];
	v3 =	vsub.f32 $1.000000000e+00, v3  }
0x62: {  	v6 =	vshll.u32 v6, $0x4;
	v4 =	vshll.u32 v4, $0x4;
	v15 =	vsub.f32 $0.0e+00, v5  }
0x63: {  	v17 =	vor.u32 v2, v7;
	v18 =	vor.u32 v2, v6;
	v16 =	vmul.f32 $1.280000000e+02, v3  }
0x64: {  	v6 =	vsel vm3, $0x44800000, v0;
	v4 =	vor.u32 v2, v4;
	vm5 =	vgt.f32 v10, $5.000000000e-01  }
.Ltmp3:
0x65: {  	vm3 =	vgt.f32 v14, $5.000000000e-01;
	v10 =	vadd.f32 v16, v6;
	v6 =	vadd.f32 $1.023000000e+03, v6;
	(pc) =	sbr.rel @p0 .LBB2_5-.Ltmp3, $4  }
0x66: {  	v7 =	vsel vm5, v13, v12;
	v8 =	vsel vm3, v11, v8;
	vm4 =	vgt.f32 v9, $5.000000000e-01  }
0x67: {  	v7 =	vsub.f32 $1.000000000e+00, v7;
	v5 =	vsel vm4, v5, v15;
	v9 =	vmin.f32 v10, v6  }
0x68: {  	v6 =	vsub.f32 $1.000000000e+00, v8;
	v5 =	vsub.f32 $1.000000000e+00, v5;
	v9 =	vtrunc.f32 v9;
	[tilespmem:v17+s28+$0x0] =	vst.idx.add.f32.msk vm2, v1  }
0x69: {  	s0 =	sadd.s32 $0x200, s0;
	s30 =	sadd.s32 $0x40, s30;
	v8 =	vsel vm5, $0x44800000, v0;
	v10 =	vmul.f32 $1.280000000e+02, v7;
	v9 =	vcvt.f32.s32 v9;
	[tilespmem:v18+s28+$0x0] =	vst.idx.add.f32.msk vm1, v1  }
0x6a: {  	v11 =	vsel vm3, $0x44800000, v0;
	v12 =	vmul.f32 $1.280000000e+02, v6;
	v13 =	vmul.f32 $1.280000000e+02, v5  }
0x6b: {  	v14 =	vsel vm4, $0x44800000, v0;
	v10 =	vadd.f32 v10, v8;
	v8 =	vadd.f32 $1.023000000e+03, v8  }
0x6c: {  	vm1 =	vgt.f32 v3, $0.0e+00;
	v3 =	vadd.f32 v12, v11;
	v11 =	vadd.f32 $1.023000000e+03, v11  }
0x6d: {  	v52 =	vadd.f32 $1.023000000e+03, v14;
	v51 =	vadd.f32 v13, v14;
	v8 =	vmin.f32 v10, v8  }
0x6e: {  	vm2 =	vgt.f32 v7, $0.0e+00;
	v8 =	vtrunc.f32 v8;
	v3 =	vmin.f32 v3, v11  }
0x6f: {  	v10 =	vmin.f32 v51, v52;
	v3 =	vtrunc.f32 v3;
	v8 =	vcvt.f32.s32 v8  }
0x70: {  	v9 =	vshll.u32 v9, $0x4;
	v10 =	vtrunc.f32 v10;
	v3 =	vcvt.f32.s32 v3  }
0x71: {  	v9 =	vor.u32 v2, v9;
	v7 =	vcvt.f32.s32 v10;
	v8 =	vshll.u32 v8, $0x4  }
0x72: {  	vm3 =	vgt.f32 v6, $0.0e+00;
	v3 =	vshll.u32 v3, $0x4;
	v6 =	vor.u32 v2, v8  }
0x73: {  	vm4 =	vgt.f32 v5, $0.0e+00;
	v5 =	vshll.u32 v7, $0x4;
	v3 =	vor.u32 v2, v3  }
0x74: {  	v5 =	vor.u32 v2, v5  }
0x75: {  	[tilespmem:v4+s28+$0x0] =	vst.idx.add.f32.msk vm0, v1  }
0x76: {  	[tilespmem:v9+s28+$0x0] =	vst.idx.add.f32.msk vm1, v1  }
0x77: {  	[tilespmem:v6+s28+$0x0] =	vst.idx.add.f32.msk vm2, v1  }
0x78: {  	s0 =	sand.u32 $0x40, s28;
	s3 =	sand.u32 $0xC00, s28;
	[tilespmem:v3+s28+$0x0] =	vst.idx.add.f32.msk vm3, v1  }
0x79: {  	s30 =	sor.u32 s0, s3;
	[tilespmem:v5+s28+$0x0] =	vst.idx.add.f32.msk vm4, v1  }
0x7a: {  	v3 =	vld [tilespmem:s30+$0x80B0]  }
0x7b: {  	v4 =	vld [tilespmem:s30+$0x90B0]  }
0x7c: {  	v5 =	vld [tilespmem:s30+$0x8080]  }
0x7d: {  	s21 =	simm.s32 $0x200;
	s31 =	simm.s32 $0x40;
	v6 =	vld [tilespmem:s30+$0x8090]  }
0x7e: {  	s3 =	sand.u32 $0x40, s31;
	s0 =	sand.u32 $0xC00, s21;
	v7 =	vld [tilespmem:s30+$0x80A0]  }
0x7f: {  	s29 =	sor.u32 s3, s0;
	v9 =	vld [tilespmem:s30+$0x9080]  }
0x80: {  	v59 =	vld [tilespmem:s29+$0x8080]  }
0x81: {  	vm0 =	vgt.f32 v4, $5.000000000e-01;
	v4 =	vld [tilespmem:s30+$0x9090]  }
0x82: {  	v8 =	vsub.f32 $0.0e+00, v3  }
0x83: {  	v10 =	vsub.f32 $0.0e+00, v5;
	v53 =	vsub.f32 $0.0e+00, v6  }
0x84: {  	v55 =	vsel vm0, $0x44800000, v0;
	v3 =	vsel vm0, v3, v8;
	v8 =	vld [tilespmem:s30+$0x90A0];
	vm0 =	vgt.f32 v9, $5.000000000e-01  }
0x85: {  	v58 =	vld [tilespmem:s29+$0x90B0];
	v54 =	vsub.f32 $0.0e+00, v7;
	v3 =	vsub.f32 $1.000000000e+00, v3;
	v5 =	vsel vm0, v5, v10  }
0x86: {  	v60 =	vsub.f32 $0.0e+00, v59;
	v5 =	vsub.f32 $1.000000000e+00, v5;
	vm1 =	vgt.f32 v4, $5.000000000e-01  }
0x87: {  	v9 =	vadd.f32 $1.023000000e+03, v55;
	v11 =	vmul.f32 $1.280000000e+02, v3;
	v6 =	vsel vm1, v6, v53  }
0x88: {  	v10 =	vsel vm1, $0x44800000, v0;
	vm1 =	vgt.f32 v3, $0.0e+00;
	vm5 =	vgt.f32 v5, $0.0e+00  }
0x89: {  	v4 =	vadd.f32 v11, v55;
	vm2 =	vgt.f32 v8, $5.000000000e-01;
	v6 =	vsub.f32 $1.000000000e+00, v6  }
0x8a: {  	v8 =	vsel vm0, $0x44800000, v0;
	vm0 =	vgt.f32 v58, $5.000000000e-01;
	v7 =	vsel vm2, v7, v54  }
0x8b: {  	v3 =	vld [tilespmem:s29+$0x80B0];
	v57 =	vsel vm2, $0x44800000, v0;
	v4 =	vmin.f32 v4, v9;
	v9 =	vmul.f32 $1.280000000e+02, v5  }
0x8c: {  	v7 =	vsub.f32 $1.000000000e+00, v7;
	v11 =	vmul.f32 $1.280000000e+02, v6;
	v4 =	vtrunc.f32 v4  }
0x8d: {  	v13 =	vadd.f32 $1.023000000e+03, v57;
	vm2 =	vgt.f32 v6, $0.0e+00;
	v6 =	vld [tilespmem:s29+$0x9080];
	v4 =	vcvt.f32.s32 v4  }
0x8e: {  	v56 =	vmul.f32 $1.280000000e+02, v7;
	v9 =	vadd.f32 v9, v8;
	v8 =	vadd.f32 $1.023000000e+03, v8  }
0x8f: {  	v16 =	vld [tilespmem:s29+$0x8090];
	v11 =	vadd.f32 v11, v10;
	v10 =	vadd.f32 $1.023000000e+03, v10;
	v4 =	vshll.u32 v4, $0x4  }
0x90: {  	v8 =	vmin.f32 v9, v8;
	v9 =	vsub.f32 $0.0e+00, v3;
	v15 =	vor.u32 v2, v4  }
0x91: {  	v4 =	vadd.f32 v56, v57;
	v5 =	vtrunc.f32 v8;
	v8 =	vmin.f32 v11, v10;
	v10 =	vld [tilespmem:s29+$0x9090]  }
0x92: {  	vm6 =	vgt.f32 v6, $5.000000000e-01;
	v8 =	vtrunc.f32 v8;
	v5 =	vcvt.f32.s32 v5  }
0x93: {  	v11 =	vld [tilespmem:s29+$0x80A0];
	v3 =	vsel vm0, v3, v9;
	v4 =	vmin.f32 v4, v13;
	v8 =	vcvt.f32.s32 v8  }
0x94: {  	v9 =	vsub.f32 $0.0e+00, v16;
	v3 =	vsub.f32 $1.000000000e+00, v3;
	v4 =	vtrunc.f32 v4  }
0x95: {  	v61 =	vld [tilespmem:s29+$0x90A0];
	v5 =	vshll.u32 v5, $0x4;
	v4 =	vcvt.f32.s32 v4;
	v6 =	vshll.u32 v8, $0x4  }
0x96: {  	v62 =	vor.u32 v2, v5;
	vm3 =	vgt.f32 v10, $5.000000000e-01;
	v10 =	vmul.f32 $1.280000000e+02, v3  }
0x97: {  	v63 =	vor.u32 v2, v6;
	v6 =	vsel vm0, $0x44800000, v0;
	vm0 =	vgt.f32 v7, $0.0e+00  }
0x98: {  	v5 =	vsel vm3, v16, v9;
	v9 =	vsub.f32 $0.0e+00, v11;
	v4 =	vshll.u32 v4, $0x4  }
0x99: {  	v10 =	vadd.f32 v10, v6;
	v6 =	vadd.f32 $1.023000000e+03, v6;
	v4 =	vor.u32 v2, v4  }
0x9a: {  	vm4 =	vgt.f32 v61, $5.000000000e-01;
	v8 =	vsel vm6, v59, v60  }
0x9b: {  	[tilespmem:v15+s28+$0x0] =	vst.idx.add.f32.msk vm1, v1;
	v7 =	vsub.f32 $1.000000000e+00, v8;
	v8 =	vsel vm4, v11, v9;
	v9 =	vmin.f32 v10, v6  }
0x9c: {  	v6 =	vsub.f32 $1.000000000e+00, v5;
	v5 =	vsub.f32 $1.000000000e+00, v8;
	[tilespmem:v62+s28+$0x0] =	vst.idx.add.f32.msk vm5, v1;
	v9 =	vtrunc.f32 v9  }
0x9d: {  	s13 =	simm.s32 $0x80;
	s0 =	simm.s32 $0x4;
	s3 =	simm.s32 $0x400;
	v8 =	vsel vm6, $0x44800000, v0;
	v10 =	vmul.f32 $1.280000000e+02, v7;
	[tilespmem:v63+s28+$0x0] =	vst.idx.add.f32.msk vm2, v1;
	v9 =	vcvt.f32.s32 v9  }
.LBB2_7:
0x9e: {  	s31 =	sand.u32 $0x40, s13;
	s14 =	sand.u32 $0xC00, s3;
	s0 =	sadd.s32 $0x4, s0;
	v11 =	vsel vm3, $0x44800000, v0;
	v12 =	vmul.f32 $1.280000000e+02, v6;
	v13 =	vmul.f32 $1.280000000e+02, v5;
	[tilespmem:v4+s28+$0x0] =	vst.idx.add.f32.msk vm0, v1  }
0x9f: {  	v4 =	vsel vm4, $0x44800000, v0;
	vm3 =	vgt.f32 v3, $0.0e+00;
	s14 =	sor.u32 s31, s14;
	p0 =	slt.u32 s0, $0x1C;
	v3 =	vshll.u32 v9, $0x4  }
0xa0: {  	v10 =	vadd.f32 v10, v8;
	v9 =	vld [tilespmem:s14+$0x80B0];
	v12 =	vadd.f32 v12, v11;
	v3 =	vor.u32 v2, v3  }
0xa1: {  	vm2 =	vgt.f32 v7, $0.0e+00;
	v7 =	vadd.f32 $1.023000000e+03, v8;
	v8 =	vadd.f32 v13, v4;
	v14 =	vld [tilespmem:s14+$0x90B0]  }
0xa2: {  	vm1 =	vgt.f32 v6, $0.0e+00;
	v6 =	vadd.f32 $1.023000000e+03, v11;
	v4 =	vadd.f32 $1.023000000e+03, v4;
	v13 =	vld [tilespmem:s14+$0x8080]  }
0xa3: {  	vm0 =	vgt.f32 v5, $0.0e+00;
	v7 =	vmin.f32 v10, v7;
	v11 =	vld [tilespmem:s14+$0x8090]  }
0xa4: {  	v7 =	vtrunc.f32 v7;
	v6 =	vmin.f32 v12, v6;
	v4 =	vmin.f32 v8, v4;
	v5 =	vld [tilespmem:s14+$0x80A0]  }
0xa5: {  	v6 =	vtrunc.f32 v6;
	v4 =	vtrunc.f32 v4;
	v8 =	vsub.f32 $0.0e+00, v9;
	[tilespmem:v3+s28+$0x0] =	vst.idx.add.f32.msk vm3, v1  }
0xa6: {  	v7 =	vcvt.f32.s32 v7;
	v6 =	vcvt.f32.s32 v6;
	v10 =	vld [tilespmem:s14+$0x9080];
	vm3 =	vgt.f32 v14, $5.000000000e-01  }
0xa7: {  	v4 =	vcvt.f32.s32 v4;
	v12 =	vsub.f32 $0.0e+00, v13;
	v14 =	vld [tilespmem:s14+$0x9090];
	v3 =	vsel vm3, v9, v8  }
0xa8: {  	v7 =	vshll.u32 v7, $0x4;
	v8 =	vsub.f32 $0.0e+00, v11;
	v9 =	vld [tilespmem:s14+$0x90A0];
	v3 =	vsub.f32 $1.000000000e+00, v3  }
0xa9: {  	v6 =	vshll.u32 v6, $0x4;
	v4 =	vshll.u32 v4, $0x4;
	v15 =	vsub.f32 $0.0e+00, v5  }
0xaa: {  	v17 =	vor.u32 v2, v7;
	v18 =	vor.u32 v2, v6;
	v16 =	vmul.f32 $1.280000000e+02, v3  }
0xab: {  	v6 =	vsel vm3, $0x44800000, v0;
	v4 =	vor.u32 v2, v4;
	vm5 =	vgt.f32 v10, $5.000000000e-01  }
.Ltmp4:
0xac: {  	vm3 =	vgt.f32 v14, $5.000000000e-01;
	v10 =	vadd.f32 v16, v6;
	v6 =	vadd.f32 $1.023000000e+03, v6;
	(pc) =	sbr.rel @p0 .LBB2_7-.Ltmp4, $4  }
0xad: {  	v7 =	vsel vm5, v13, v12;
	v8 =	vsel vm3, v11, v8;
	vm4 =	vgt.f32 v9, $5.000000000e-01  }
0xae: {  	v7 =	vsub.f32 $1.000000000e+00, v7;
	v5 =	vsel vm4, v5, v15;
	v9 =	vmin.f32 v10, v6  }
0xaf: {  	v6 =	vsub.f32 $1.000000000e+00, v8;
	v5 =	vsub.f32 $1.000000000e+00, v5;
	v9 =	vtrunc.f32 v9;
	[tilespmem:v17+s28+$0x0] =	vst.idx.add.f32.msk vm2, v1  }
0xb0: {  	s3 =	sadd.s32 $0x200, s3;
	s13 =	sadd.s32 $0x40, s13;
	v8 =	vsel vm5, $0x44800000, v0;
	v10 =	vmul.f32 $1.280000000e+02, v7;
	v9 =	vcvt.f32.s32 v9;
	[tilespmem:v18+s28+$0x0] =	vst.idx.add.f32.msk vm1, v1  }
0xb1: {  	v11 =	vsel vm3, $0x44800000, v0;
	v12 =	vmul.f32 $1.280000000e+02, v6;
	v13 =	vmul.f32 $1.280000000e+02, v5  }
0xb2: {  	vm1 =	vgt.f32 v3, $0.0e+00;
	v3 =	vadd.f32 v10, v8;
	v8 =	vadd.f32 $1.023000000e+03, v8  }
0xb3: {  	v10 =	vsel vm4, $0x44800000, v0;
	v12 =	vadd.f32 v12, v11;
	v11 =	vadd.f32 $1.023000000e+03, v11  }
0xb4: {  	v13 =	vadd.f32 v13, v10;
	v10 =	vadd.f32 $1.023000000e+03, v10;
	v3 =	vmin.f32 v3, v8  }
0xb5: {  	v8 =	vshll.u32 v9, $0x4;
	v3 =	vtrunc.f32 v3;
	v9 =	vmin.f32 v12, v11  }
0xb6: {  	v10 =	vmin.f32 v13, v10;
	v9 =	vtrunc.f32 v9;
	v3 =	vcvt.f32.s32 v3  }
0xb7: {  	vm2 =	vgt.f32 v7, $0.0e+00;
	v10 =	vtrunc.f32 v10;
	v9 =	vcvt.f32.s32 v9  }
0xb8: {  	v8 =	vor.u32 v2, v8;
	v7 =	vcvt.f32.s32 v10;
	v3 =	vshll.u32 v3, $0x4  }
0xb9: {  	vm3 =	vgt.f32 v6, $0.0e+00;
	v6 =	vshll.u32 v9, $0x4;
	v3 =	vor.u32 v2, v3  }
0xba: {  	vm15 =	vgt.f32 v5, $0.0e+00;
	v5 =	vshll.u32 v7, $0x4;
	v6 =	vor.u32 v2, v6  }
0xbb: {  	v5 =	vor.u32 v2, v5  }
0xbc: {  	[tilespmem:v4+s28+$0x0] =	vst.idx.add.f32.msk vm0, v1  }
0xbd: {  	[tilespmem:v8+s28+$0x0] =	vst.idx.add.f32.msk vm1, v1  }
0xbe: {  	[tilespmem:v3+s28+$0x0] =	vst.idx.add.f32.msk vm2, v1  }
0xbf: {  	[tilespmem:v6+s28+$0x0] =	vst.idx.add.f32.msk vm3, v1  }
0xc0: {  	[tilespmem:v5+s28+$0x0] =	vst.idx.add.f32.msk vm15, v1  }
0xc1: {  	v3 =	vld [tilespmem:s30+$0x8130]  }
0xc2: {  	v4 =	vld [tilespmem:s30+$0x9130];
	_ =	sdelay $0x1  }
0xc3: {  	v5 =	vld [tilespmem:s30+$0x8100]  }
0xc4: {  	v6 =	vld [tilespmem:s30+$0x8110]  }
0xc5: {  	v7 =	vld [tilespmem:s30+$0x8120];
	v8 =	vsub.f32 $0.0e+00, v3  }
0xc6: {  	v9 =	vld [tilespmem:s30+$0x9100];
	vm0 =	vgt.f32 v4, $5.000000000e-01  }
0xc7: {  	v10 =	vld [tilespmem:s30+$0x9110];
	v3 =	vsel vm0, v3, v8  }
0xc8: {  	v8 =	vld [tilespmem:s30+$0x9120];
	v4 =	vsub.f32 $1.000000000e+00, v3;
	_ =	sdelay $0x1  }
0xc9: {  	v11 =	vsub.f32 $0.0e+00, v6;
	v63 =	vsub.f32 $0.0e+00, v7;
	v62 =	vmul.f32 $1.280000000e+02, v4  }
0xca: {  	p1 =	por $0x1, $0x1;
	vm3 =	vgt.f32 v9, $5.000000000e-01;
	v9 =	vsel vm0, $0x44800000, v0;
	v3 =	vsub.f32 $0.0e+00, v5  }
.Ltmp5:
0xcb: {  	vm1 =	vgt.f32 v10, $5.000000000e-01;
	v10 =	vadd.f32 v62, v9;
	v9 =	vadd.f32 $1.023000000e+03, v9;
	(pc) =	sbr.rel @!p1 .LBB2_9-.Ltmp5, $4  }
0xcc: {  	v6 =	vsel vm1, v6, v11;
	v3 =	vsel vm3, v5, v3;
	vm2 =	vgt.f32 v8, $5.000000000e-01  }
0xcd: {  	v5 =	vsub.f32 $1.000000000e+00, v3;
	v3 =	vsel vm2, v7, v63;
	v7 =	vmin.f32 v10, v9  }
0xce: {  	v6 =	vsub.f32 $1.000000000e+00, v6;
	v8 =	vsel vm3, $0x44800000, v0;
	v7 =	vtrunc.f32 v7  }
0xcf: {  	p0 =	por $0x0, $0x0;
	v3 =	vsub.f32 $1.000000000e+00, v3;
	v10 =	vmul.f32 $1.280000000e+02, v5;
	v9 =	vcvt.f32.s32 v7  }
0xd0: {  	vm3 =	vgt.f32 v4, $0.0e+00;
	v4 =	vld [tilespmem:s29+$0x8130]  }
0xd1: {  	v7 =	vsel vm1, $0x44800000, v0;
	v14 =	vld [tilespmem:s29+$0x9130]  }
0xd2: {  	v11 =	vmul.f32 $1.280000000e+02, v6;
	v13 =	vsel vm2, $0x44800000, v0;
	v15 =	vld [tilespmem:s29+$0x8100];
	vm4 =	vgt.f32 v6, $0.0e+00  }
0xd3: {  	v6 =	vld [tilespmem:s29+$0x9100];
	v12 =	vmul.f32 $1.280000000e+02, v3;
	v10 =	vadd.f32 v10, v8;
	v8 =	vadd.f32 $1.023000000e+03, v8  }
0xd4: {  	v58 =	vld [tilespmem:s29+$0x8120];
	v9 =	vshll.u32 v9, $0x4;
	v11 =	vadd.f32 v11, v7;
	v7 =	vadd.f32 $1.023000000e+03, v7  }
0xd5: {  	v12 =	vadd.f32 v12, v13;
	v13 =	vadd.f32 $1.023000000e+03, v13;
	v8 =	vmin.f32 v10, v8  }
0xd6: {  	vm5 =	vgt.f32 v5, $0.0e+00;
	v60 =	vld [tilespmem:s29+$0x9120];
	v9 =	vor.u32 v2, v9;
	v5 =	vtrunc.f32 v8  }
0xd7: {  	v16 =	vld [tilespmem:s29+$0x8110];
	v7 =	vmin.f32 v11, v7;
	v8 =	vmin.f32 v12, v13;
	v10 =	vsub.f32 $0.0e+00, v4  }
0xd8: {  	v7 =	vtrunc.f32 v7;
	vm0 =	vgt.f32 v14, $5.000000000e-01;
	v5 =	vcvt.f32.s32 v5  }
0xd9: {  	v59 =	vsub.f32 $0.0e+00, v15;
	vm6 =	vgt.f32 v6, $5.000000000e-01;
	v62 =	vsub.f32 $0.0e+00, v58  }
0xda: {  	v8 =	vtrunc.f32 v8;
	v7 =	vcvt.f32.s32 v7;
	v4 =	vsel vm0, v4, v10  }
0xdb: {  	v11 =	vld [tilespmem:s29+$0x9110];
	vm2 =	vgt.f32 v60, $5.000000000e-01;
	v8 =	vcvt.f32.s32 v8;
	v4 =	vsub.f32 $1.000000000e+00, v4  }
0xdc: {  	v10 =	vsub.f32 $0.0e+00, v16;
	v5 =	vshll.u32 v5, $0x4;
	v6 =	vshll.u32 v7, $0x4  }
0xdd: {  	v61 =	vor.u32 v2, v5;
	v5 =	vsel vm0, $0x44800000, v0;
	v7 =	vmul.f32 $1.280000000e+02, v4  }
0xde: {  	p3 =	por $0x1, $0x1;
	vm0 =	vgt.f32 v3, $0.0e+00;
	v63 =	vor.u32 v2, v6;
	v6 =	vshll.u32 v8, $0x4  }
.Ltmp6:
0xdf: {  	v17 =	vadd.f32 $1.023000000e+03, v5;
	v8 =	vadd.f32 v7, v5;
	v7 =	vor.u32 v2, v6;
	(pc) =	sbr.rel @!p3 .LBB2_12-.Ltmp6, $4  }
0xe0: {  	s28 =	simm.s32 $0x0;
	v3 =	vsel vm2, v58, v62;
	vm1 =	vgt.f32 v11, $5.000000000e-01;
	v11 =	vsel vm6, v15, v59  }
0xe1: {  	[tilespmem:v9+s28+$0x0] =	vst.idx.add.f32.msk vm3, v1;
	v10 =	vsel vm1, v16, v10;
	v5 =	vsub.f32 $1.000000000e+00, v11;
	v8 =	vmin.f32 v8, v17  }
0xe2: {  	s0 =	simm.s32 $0x400;
	v3 =	vsub.f32 $1.000000000e+00, v3;
	v6 =	vsub.f32 $1.000000000e+00, v10;
	[tilespmem:v61+s28+$0x0] =	vst.idx.add.f32.msk vm5, v1;
	v9 =	vtrunc.f32 v8  }
0xe3: {  	s3 =	simm.s32 $0x80;
	p2 =	por $0x1, $0x1;
	s29 =	simm.s32 $0x4;
	v10 =	vmul.f32 $1.280000000e+02, v5;
	[tilespmem:v63+s28+$0x0] =	vst.idx.add.f32.msk vm4, v1;
	v8 =	vsel vm6, $0x44800000, v0;
	v9 =	vcvt.f32.s32 v9  }
.LBB2_11:
0xe4: {  	s13 =	sand.u32 $0x40, s3;
	s14 =	sand.u32 $0xC00, s0;
	s29 =	sadd.s32 $0x4, s29;
	v11 =	vsel vm1, $0x44800000, v0;
	v12 =	vmul.f32 $1.280000000e+02, v6;
	v13 =	vmul.f32 $1.280000000e+02, v3;
	[tilespmem:v7+s28+$0x0] =	vst.idx.add.f32.msk vm0, v1  }
0xe5: {  	v7 =	vsel vm2, $0x44800000, v0;
	vm1 =	vgt.f32 v4, $0.0e+00;
	s13 =	sor.u32 s13, s14;
	p3 =	slt.u32 s29, $0x1C;
	v4 =	vshll.u32 v9, $0x4  }
0xe6: {  	v10 =	vadd.f32 v10, v8;
	v9 =	vld [tilespmem:s13+$0x8130];
	v12 =	vadd.f32 v12, v11;
	v4 =	vor.u32 v2, v4  }
0xe7: {  	vm4 =	vgt.f32 v5, $0.0e+00;
	v5 =	vadd.f32 $1.023000000e+03, v8;
	v8 =	vadd.f32 v13, v7;
	v14 =	vld [tilespmem:s13+$0x9130]  }
0xe8: {  	vm3 =	vgt.f32 v6, $0.0e+00;
	v6 =	vadd.f32 $1.023000000e+03, v11;
	v7 =	vadd.f32 $1.023000000e+03, v7;
	v13 =	vld [tilespmem:s13+$0x8100]  }
0xe9: {  	vm0 =	vgt.f32 v3, $0.0e+00;
	v5 =	vmin.f32 v10, v5;
	v11 =	vld [tilespmem:s13+$0x8110]  }
0xea: {  	v5 =	vtrunc.f32 v5;
	v6 =	vmin.f32 v12, v6;
	v7 =	vmin.f32 v8, v7;
	v3 =	vld [tilespmem:s13+$0x8120]  }
0xeb: {  	v6 =	vtrunc.f32 v6;
	v7 =	vtrunc.f32 v7;
	v8 =	vsub.f32 $0.0e+00, v9;
	[tilespmem:v4+s28+$0x0] =	vst.idx.add.f32.msk vm1, v1  }
0xec: {  	v5 =	vcvt.f32.s32 v5;
	v6 =	vcvt.f32.s32 v6;
	v10 =	vld [tilespmem:s13+$0x9100];
	vm1 =	vgt.f32 v14, $5.000000000e-01  }
0xed: {  	v7 =	vcvt.f32.s32 v7;
	v12 =	vsub.f32 $0.0e+00, v13;
	v14 =	vld [tilespmem:s13+$0x9110];
	v4 =	vsel vm1, v9, v8  }
0xee: {  	v5 =	vshll.u32 v5, $0x4;
	v8 =	vsub.f32 $0.0e+00, v11;
	v9 =	vld [tilespmem:s13+$0x9120];
	v4 =	vsub.f32 $1.000000000e+00, v4  }
0xef: {  	v6 =	vshll.u32 v6, $0x4;
	v7 =	vshll.u32 v7, $0x4;
	v15 =	vsub.f32 $0.0e+00, v3  }
0xf0: {  	v17 =	vor.u32 v2, v5;
	v18 =	vor.u32 v2, v6;
	v16 =	vmul.f32 $1.280000000e+02, v4  }
0xf1: {  	v5 =	vsel vm1, $0x44800000, v0;
	v7 =	vor.u32 v2, v7;
	vm5 =	vgt.f32 v10, $5.000000000e-01  }
.Ltmp7:
0xf2: {  	v10 =	vadd.f32 $1.023000000e+03, v5;
	vm1 =	vgt.f32 v14, $5.000000000e-01;
	v6 =	vadd.f32 v16, v5;
	(pc) =	sbr.rel @p3 .LBB2_11-.Ltmp7, $4  }
0xf3: {  	v5 =	vsel vm5, v13, v12;
	v8 =	vsel vm1, v11, v8;
	vm2 =	vgt.f32 v9, $5.000000000e-01  }
0xf4: {  	v5 =	vsub.f32 $1.000000000e+00, v5;
	v3 =	vsel vm2, v3, v15;
	v9 =	vmin.f32 v6, v10  }
0xf5: {  	v6 =	vsub.f32 $1.000000000e+00, v8;
	v3 =	vsub.f32 $1.000000000e+00, v3;
	v9 =	vtrunc.f32 v9;
	[tilespmem:v17+s28+$0x0] =	vst.idx.add.f32.msk vm4, v1  }
0xf6: {  	s0 =	sadd.s32 $0x200, s0;
	s3 =	sadd.s32 $0x40, s3;
	v8 =	vsel vm5, $0x44800000, v0;
	v10 =	vmul.f32 $1.280000000e+02, v5;
	v9 =	vcvt.f32.s32 v9;
	[tilespmem:v18+s28+$0x0] =	vst.idx.add.f32.msk vm3, v1  }
.LBB2_12:
0xf7: {  	v11 =	vsel vm1, $0x44800000, v0;
	v12 =	vmul.f32 $1.280000000e+02, v6;
	v13 =	vmul.f32 $1.280000000e+02, v3  }
0xf8: {  	vm1 =	vgt.f32 v4, $0.0e+00;
	v4 =	vadd.f32 v10, v8;
	v8 =	vadd.f32 $1.023000000e+03, v8  }
0xf9: {  	v10 =	vsel vm2, $0x44800000, v0;
	v12 =	vadd.f32 v12, v11;
	v11 =	vadd.f32 $1.023000000e+03, v11  }
0xfa: {  	v13 =	vadd.f32 v13, v10;
	v10 =	vadd.f32 $1.023000000e+03, v10;
	v4 =	vmin.f32 v4, v8  }
0xfb: {  	v8 =	vshll.u32 v9, $0x4;
	v4 =	vtrunc.f32 v4;
	v9 =	vmin.f32 v12, v11  }
0xfc: {  	v10 =	vmin.f32 v13, v10;
	v9 =	vtrunc.f32 v9;
	v4 =	vcvt.f32.s32 v4  }
0xfd: {  	vm2 =	vgt.f32 v5, $0.0e+00;
	v10 =	vtrunc.f32 v10;
	v9 =	vcvt.f32.s32 v9  }
0xfe: {  	v8 =	vor.u32 v2, v8;
	v5 =	vcvt.f32.s32 v10;
	v4 =	vshll.u32 v4, $0x4  }
0xff: {  	vm3 =	vgt.f32 v6, $0.0e+00;
	v6 =	vshll.u32 v9, $0x4;
	v4 =	vor.u32 v2, v4  }
0x100: {  	vm4 =	vgt.f32 v3, $0.0e+00;
	v3 =	vshll.u32 v5, $0x4;
	v5 =	vor.u32 v2, v6  }
0x101: {  	v3 =	vor.u32 v2, v3  }
0x102: {  	[tilespmem:v7+s28+$0x0] =	vst.idx.add.f32.msk @p2 vm0, v1;
	s30 =	simm.s32 $0x0  }
0x103: {  	[tilespmem:v8+s30+$0x0] =	vst.idx.add.f32.msk vm1, v1  }
0x104: {  	s0 =	sand.u32 $0xFFFFFC00, s30;
	[tilespmem:v4+s30+$0x0] =	vst.idx.add.f32.msk vm2, v1  }
0x105: {  	s0 =	sadd.s32 $0x0, s0;
	[tilespmem:v5+s30+$0x0] =	vst.idx.add.f32.msk vm3, v1  }
0x106: {  	s3 =	sor.u32 $0x1B0, s0;
	[tilespmem:v3+s30+$0x0] =	vst.idx.add.f32.msk vm4, v1  }
0x107: {  	v3 =	vld [tilespmem:s3+$0x8000]  }
0x108: {  	v4 =	vld [tilespmem:s3+$0x9000]  }
0x109: {  	s31 =	sor.u32 $0x180, s0  }
0x10a: {  	s13 =	sor.u32 $0x190, s0;
	v5 =	vld [tilespmem:s31+$0x8000]  }
0x10b: {  	s0 =	sor.u32 $0x1A0, s0;
	v6 =	vld [tilespmem:s13+$0x8000]  }
0x10c: {  	v7 =	vld [tilespmem:s0+$0x8000];
	v8 =	vsub.f32 $0.0e+00, v3  }
0x10d: {  	v9 =	vld [tilespmem:s31+$0x9000];
	vm0 =	vgt.f32 v4, $5.000000000e-01  }
0x10e: {  	v4 =	vld [tilespmem:s13+$0x9000];
	v3 =	vsel vm0, v3, v8  }
0x10f: {  	v8 =	vld [tilespmem:s0+$0x9000];
	v3 =	vsub.f32 $1.000000000e+00, v3;
	_ =	sdelay $0x1  }
0x110: {  	v10 =	vsub.f32 $0.0e+00, v5;
	v11 =	vsub.f32 $0.0e+00, v6;
	v62 =	vmul.f32 $1.280000000e+02, v3  }
.Ltmp8:
0x111: {  	v63 =	vsub.f32 $0.0e+00, v7;
	vm4 =	vgt.f32 v9, $5.000000000e-01;
	v9 =	vsel vm0, $0x44800000, v0;
	(pc) =	sbr.rel @!p1 .LBB2_13-.Ltmp8, $4  }
0x112: {  	vm2 =	vgt.f32 v4, $5.000000000e-01;
	v4 =	vadd.f32 v62, v9;
	v9 =	vadd.f32 $1.023000000e+03, v9  }
0x113: {  	v5 =	vsel vm4, v5, v10;
	v10 =	vsel vm2, v6, v11;
	vm3 =	vgt.f32 v8, $5.000000000e-01  }
0x114: {  	v6 =	vsub.f32 $1.000000000e+00, v5;
	v7 =	vsel vm3, v7, v63;
	v8 =	vmin.f32 v4, v9  }
0x115: {  	s28 =	simm.s32 $0x200;
	v5 =	vsub.f32 $1.000000000e+00, v10;
	v4 =	vsub.f32 $1.000000000e+00, v7;
	v9 =	vtrunc.f32 v8  }
0x116: {  	s0 =	sand.u32 $0xFFFFFC00, s28;
	v7 =	vsel vm4, $0x44800000, v0  }
0x117: {  	v8 =	vmul.f32 $1.280000000e+02, v6;
	v9 =	vcvt.f32.s32 v9;
	v10 =	vsel vm2, $0x44800000, v0;
	s0 =	sadd.s32 $0x40, s0  }
0x118: {  	v13 =	vsel vm3, $0x44800000, v0;
	vm5 =	vgt.f32 v3, $0.0e+00;
	vm6 =	vgt.f32 v6, $0.0e+00;
	s3 =	sor.u32 $0x1B0, s0  }
0x119: {  	v11 =	vmul.f32 $1.280000000e+02, v5;
	v12 =	vmul.f32 $1.280000000e+02, v4;
	v6 =	vadd.f32 $1.023000000e+03, v10;
	v3 =	vld [tilespmem:s3+$0x8000]  }
0x11a: {  	vm0 =	vgt.f32 v5, $0.0e+00;
	s13 =	sor.u32 $0x180, s0;
	v8 =	vadd.f32 v8, v7;
	v7 =	vadd.f32 $1.023000000e+03, v7;
	v14 =	vld [tilespmem:s3+$0x9000]  }
0x11b: {  	vm1 =	vgt.f32 v4, $0.0e+00;
	v9 =	vshll.u32 v9, $0x4;
	v11 =	vadd.f32 v11, v10;
	v15 =	vld [tilespmem:s13+$0x8000]  }
0x11c: {  	s21 =	sor.u32 $0x190, s0;
	v12 =	vadd.f32 v12, v13;
	v10 =	vadd.f32 $1.023000000e+03, v13;
	v4 =	vld [tilespmem:s13+$0x9000];
	v5 =	vmin.f32 v8, v7  }
0x11d: {  	v9 =	vor.u32 v2, v9;
	v8 =	vld [tilespmem:s21+$0x9000];
	v5 =	vtrunc.f32 v5  }
0x11e: {  	v6 =	vmin.f32 v11, v6;
	v7 =	vmin.f32 v12, v10;
	v10 =	vsub.f32 $0.0e+00, v3  }
0x11f: {  	v58 =	vld [tilespmem:s21+$0x8000];
	v6 =	vtrunc.f32 v6;
	v7 =	vtrunc.f32 v7;
	vm3 =	vgt.f32 v14, $5.000000000e-01  }
0x120: {  	s0 =	sor.u32 $0x1A0, s0;
	v5 =	vcvt.f32.s32 v5;
	v6 =	vcvt.f32.s32 v6;
	v3 =	vsel vm3, v3, v10  }
0x121: {  	v11 =	vld [tilespmem:s0+$0x8000];
	v7 =	vcvt.f32.s32 v7;
	v59 =	vsub.f32 $0.0e+00, v15;
	v3 =	vsub.f32 $1.000000000e+00, v3  }
0x122: {  	v60 =	vld [tilespmem:s0+$0x9000];
	vm4 =	vgt.f32 v4, $5.000000000e-01;
	v4 =	vshll.u32 v5, $0x4;
	vm2 =	vgt.f32 v8, $5.000000000e-01  }
0x123: {  	v61 =	vor.u32 v2, v4;
	v6 =	vshll.u32 v6, $0x4;
	v8 =	vmul.f32 $1.280000000e+02, v3  }
0x124: {  	p1 =	por $0x1, $0x1;
	v62 =	vsel vm3, $0x44800000, v0;
	v7 =	vshll.u32 v7, $0x4;
	v10 =	vsub.f32 $0.0e+00, v58  }
.Ltmp9:
0x125: {  	v13 =	vadd.f32 $1.023000000e+03, v62;
	v63 =	vadd.f32 v8, v62;
	v8 =	vor.u32 v2, v6;
	(pc) =	sbr.rel @!p1 .LBB2_16-.Ltmp9, $4  }
0x126: {  	v7 =	vor.u32 v2, v7;
	v4 =	vsel vm2, v58, v10;
	v10 =	vsub.f32 $0.0e+00, v11  }
0x127: {  	v5 =	vsel vm4, v15, v59;
	vm3 =	vgt.f32 v60, $5.000000000e-01  }
0x128: {  	s29 =	simm.s32 $0x4;
	[tilespmem:v9+s30+$0x0] =	vst.idx.add.f32.msk vm5, v1;
	v9 =	vsel vm3, v11, v10;
	v6 =	vsub.f32 $1.000000000e+00, v5;
	v10 =	vmin.f32 v63, v13  }
0x129: {  	s31 =	simm.s32 $0x400;
	p0 =	por $0x1, $0x1;
	s0 =	simm.s32 $0x40;
	[tilespmem:v61+s30+$0x0] =	vst.idx.add.f32.msk vm6, v1;
	v5 =	vsub.f32 $1.000000000e+00, v4;
	v4 =	vsub.f32 $1.000000000e+00, v9;
	v9 =	vtrunc.f32 v10  }
.LBB2_15:
0x12a: {  	s3 =	sand.u32 $0xFFFFFC00, s31;
	s29 =	sadd.s32 $0x4, s29;
	v10 =	vsel vm4, $0x44800000, v0;
	v11 =	vmul.f32 $1.280000000e+02, v6;
	v9 =	vcvt.f32.s32 v9;
	s0 =	sadd.s32 $0x40, s0;
	[tilespmem:v8+s30+$0x0] =	vst.idx.add.f32.msk vm0, v1  }
0x12b: {  	v8 =	vsel vm2, $0x44800000, v0;
	s3 =	sadd.s32 s3, s0;
	p1 =	slt.u32 s29, $0x1C;
	v12 =	vmul.f32 $1.280000000e+02, v5;
	v13 =	vmul.f32 $1.280000000e+02, v4;
	[tilespmem:v7+s30+$0x0] =	vst.idx.add.f32.msk vm1, v1  }
0x12c: {  	vm2 =	vgt.f32 v3, $0.0e+00;
	v7 =	vsel vm3, $0x44800000, v0;
	s13 =	sor.u32 $0x180, s3;
	s14 =	sor.u32 $0x190, s3;
	s21 =	sor.u32 $0x1B0, s3;
	v3 =	vshll.u32 v9, $0x4  }
0x12d: {  	s3 =	sor.u32 $0x1A0, s3;
	v11 =	vadd.f32 v11, v10;
	v9 =	vld [tilespmem:s21+$0x8000];
	v12 =	vadd.f32 v12, v8;
	v3 =	vor.u32 v2, v3  }
0x12e: {  	vm5 =	vgt.f32 v6, $0.0e+00;
	v6 =	vadd.f32 $1.023000000e+03, v10;
	v10 =	vadd.f32 v13, v7;
	v14 =	vld [tilespmem:s21+$0x9000]  }
0x12f: {  	vm0 =	vgt.f32 v5, $0.0e+00;
	v5 =	vadd.f32 $1.023000000e+03, v8;
	v7 =	vadd.f32 $1.023000000e+03, v7;
	v13 =	vld [tilespmem:s13+$0x8000]  }
0x130: {  	vm1 =	vgt.f32 v4, $0.0e+00;
	v6 =	vmin.f32 v11, v6;
	v15 =	vld [tilespmem:s14+$0x8000]  }
0x131: {  	v6 =	vtrunc.f32 v6;
	v5 =	vmin.f32 v12, v5;
	v7 =	vmin.f32 v10, v7;
	v4 =	vld [tilespmem:s3+$0x8000]  }
0x132: {  	v5 =	vtrunc.f32 v5;
	v7 =	vtrunc.f32 v7;
	v8 =	vsub.f32 $0.0e+00, v9;
	[tilespmem:v3+s30+$0x0] =	vst.idx.add.f32.msk vm2, v1  }
0x133: {  	v6 =	vcvt.f32.s32 v6;
	v5 =	vcvt.f32.s32 v5;
	v10 =	vld [tilespmem:s13+$0x9000];
	vm2 =	vgt.f32 v14, $5.000000000e-01  }
0x134: {  	v7 =	vcvt.f32.s32 v7;
	v11 =	vsub.f32 $0.0e+00, v13;
	v12 =	vld [tilespmem:s14+$0x9000];
	v3 =	vsel vm2, v9, v8  }
0x135: {  	v6 =	vshll.u32 v6, $0x4;
	v9 =	vsub.f32 $0.0e+00, v15;
	v14 =	vld [tilespmem:s3+$0x9000];
	v3 =	vsub.f32 $1.000000000e+00, v3  }
0x136: {  	v5 =	vshll.u32 v5, $0x4;
	v7 =	vshll.u32 v7, $0x4;
	v16 =	vsub.f32 $0.0e+00, v4  }
0x137: {  	v18 =	vor.u32 v2, v6;
	v8 =	vor.u32 v2, v5;
	v17 =	vmul.f32 $1.280000000e+02, v3  }
.Ltmp10:
0x138: {  	v5 =	vsel vm2, $0x44800000, v0;
	v7 =	vor.u32 v2, v7;
	vm4 =	vgt.f32 v10, $5.000000000e-01;
	(pc) =	sbr.rel @p1 .LBB2_15-.Ltmp10, $4  }
0x139: {  	vm2 =	vgt.f32 v12, $5.000000000e-01;
	v10 =	vadd.f32 v17, v5;
	v5 =	vadd.f32 $1.023000000e+03, v5  }
0x13a: {  	v6 =	vsel vm4, v13, v11;
	v9 =	vsel vm2, v15, v9;
	vm3 =	vgt.f32 v14, $5.000000000e-01  }
0x13b: {  	v6 =	vsub.f32 $1.000000000e+00, v6;
	v4 =	vsel vm3, v4, v16;
	v10 =	vmin.f32 v10, v5  }
0x13c: {  	s31 =	sadd.s32 $0x200, s31;
	v5 =	vsub.f32 $1.000000000e+00, v9;
	v4 =	vsub.f32 $1.000000000e+00, v4;
	v9 =	vtrunc.f32 v10;
	[tilespmem:v18+s30+$0x0] =	vst.idx.add.f32.msk vm5, v1  }
.LBB2_16:
0x13d: {  	v10 =	vmul.f32 $1.280000000e+02, v6  }
0x13e: {  	v11 =	vsel vm4, $0x44800000, v0;
	v12 =	vmul.f32 $1.280000000e+02, v5  }
0x13f: {  	v13 =	vsel vm2, $0x44800000, v0;
	v10 =	vadd.f32 v10, v11;
	v11 =	vadd.f32 $1.023000000e+03, v11  }
0x140: {  	v9 =	vcvt.f32.s32 v9;
	v14 =	vmul.f32 $1.280000000e+02, v4;
	v12 =	vadd.f32 v12, v13  }
0x141: {  	v13 =	vadd.f32 $1.023000000e+03, v13;
	v10 =	vmin.f32 v10, v11;
	v11 =	vsel vm3, $0x44800000, v0  }
0x142: {  	vm2 =	vgt.f32 v3, $0.0e+00;
	v61 =	vadd.f32 v14, v11;
	v11 =	vadd.f32 $1.023000000e+03, v11  }
0x143: {  	v3 =	vshll.u32 v9, $0x4;
	v12 =	vmin.f32 v12, v13;
	v9 =	vtrunc.f32 v10  }
0x144: {  	v9 =	vcvt.f32.s32 v9;
	v10 =	vmin.f32 v61, v11;
	v11 =	vtrunc.f32 v12  }
0x145: {  	v3 =	vor.u32 v2, v3;
	v10 =	vtrunc.f32 v10;
	v11 =	vcvt.f32.s32 v11  }
0x146: {  	vm3 =	vgt.f32 v6, $0.0e+00;
	v9 =	vshll.u32 v9, $0x4;
	v6 =	vcvt.f32.s32 v10  }
0x147: {  	vm4 =	vgt.f32 v5, $0.0e+00;
	v9 =	vor.u32 v2, v9;
	v5 =	vshll.u32 v11, $0x4  }
0x148: {  	vm5 =	vgt.f32 v4, $0.0e+00;
	v4 =	vshll.u32 v6, $0x4;
	v5 =	vor.u32 v2, v5  }
0x149: {  	[tilespmem:v8+s30+$0x0] =	vst.idx.add.f32.msk @p0 vm0, v1;
	v4 =	vor.u32 v2, v4  }
0x14a: {  	[tilespmem:v7+s30+$0x0] =	vst.idx.add.f32.msk @p0 vm1, v1;
	p0 =	por $0x0, $0x0;
	s0 =	simm.s32 $0x1  }
0x14b: {  	s0 =	simm.s32 @!p0 $0x0;
	[tilespmem:v3+s30+$0x0] =	vst.idx.add.f32.msk vm2, v1  }
0x14c: {  	s29 =	sshll.u32 s0, $0x6;
	[tilespmem:v9+s30+$0x0] =	vst.idx.add.f32.msk vm3, v1  }
0x14d: {  	s0 =	sadd.s32 $0x0, s29;
	[tilespmem:v5+s30+$0x0] =	vst.idx.add.f32.msk vm4, v1  }
0x14e: {  	s3 =	sor.u32 $0x230, s0;
	[tilespmem:v4+s30+$0x0] =	vst.idx.add.f32.msk vm5, v1  }
0x14f: {  	v3 =	vld [tilespmem:s3+$0x8000]  }
0x150: {  	v4 =	vld [tilespmem:s3+$0x9000]  }
0x151: {  	s31 =	sor.u32 $0x200, s0  }
0x152: {  	s13 =	sor.u32 $0x210, s0;
	v5 =	vld [tilespmem:s31+$0x8000]  }
0x153: {  	s0 =	sor.u32 $0x220, s0;
	v6 =	vld [tilespmem:s13+$0x8000]  }
0x154: {  	v7 =	vld [tilespmem:s0+$0x8000];
	v8 =	vsub.f32 $0.0e+00, v3  }
0x155: {  	v9 =	vld [tilespmem:s31+$0x9000];
	vm0 =	vgt.f32 v4, $5.000000000e-01  }
0x156: {  	v10 =	vld [tilespmem:s0+$0x9000];
	v3 =	vsel vm0, v3, v8  }
0x157: {  	v4 =	vld [tilespmem:s13+$0x9000];
	v3 =	vsub.f32 $1.000000000e+00, v3  }
0x158: {  	p2 =	por $0x1, $0x1  }
.Ltmp11:
0x159: {  	v11 =	vsub.f32 $0.0e+00, v6;
	v63 =	vsub.f32 $0.0e+00, v7;
	v62 =	vmul.f32 $1.280000000e+02, v3;
	(pc) =	sbr.rel @!p2 .LBB2_17-.Ltmp11, $4  }
0x15a: {  	vm4 =	vgt.f32 v9, $5.000000000e-01;
	v9 =	vsel vm0, $0x44800000, v0;
	v8 =	vsub.f32 $0.0e+00, v5  }
0x15b: {  	vm5 =	vgt.f32 v10, $5.000000000e-01;
	v12 =	vadd.f32 v62, v9;
	v9 =	vadd.f32 $1.023000000e+03, v9  }
0x15c: {  	v10 =	vsel vm5, v7, v63;
	vm3 =	vgt.f32 v4, $5.000000000e-01;
	v4 =	vsel vm4, v5, v8  }
0x15d: {  	p1 =	por !p0, !p0;
	v8 =	vsel vm3, v6, v11;
	v4 =	vsub.f32 $1.000000000e+00, v4;
	v9 =	vmin.f32 v12, v9  }
0x15e: {  	s0 =	simm.s32 $0x1  }
0x15f: {  	s0 =	simm.s32 @!p1 $0x0  }
0x160: {  	v5 =	vsub.f32 $1.000000000e+00, v8;
	v6 =	vsub.f32 $1.000000000e+00, v10;
	v7 =	vtrunc.f32 v9;
	s0 =	sshll.u32 s0, $0x6  }
0x161: {  	v8 =	vsel vm4, $0x44800000, v0;
	v10 =	vsel vm3, $0x44800000, v0;
	v13 =	vsel vm5, $0x44800000, v0;
	s0 =	sadd.s32 $0x200, s0  }
0x162: {  	vm6 =	vgt.f32 v3, $0.0e+00;
	v9 =	vmul.f32 $1.280000000e+02, v4;
	v7 =	vcvt.f32.s32 v7;
	s3 =	sor.u32 $0x230, s0  }
0x163: {  	vm0 =	vgt.f32 v4, $0.0e+00;
	v4 =	vadd.f32 $1.023000000e+03, v10;
	v11 =	vmul.f32 $1.280000000e+02, v5;
	v3 =	vld [tilespmem:s3+$0x8000]  }
0x164: {  	v12 =	vmul.f32 $1.280000000e+02, v6;
	v7 =	vshll.u32 v7, $0x4;
	v9 =	vadd.f32 v9, v8;
	s13 =	sor.u32 $0x200, s0;
	v14 =	vld [tilespmem:s3+$0x9000]  }
0x165: {  	v11 =	vadd.f32 v11, v10;
	s31 =	sor.u32 $0x210, s0;
	v15 =	vor.u32 v2, v7;
	v7 =	vadd.f32 $1.023000000e+03, v8;
	v59 =	vld [tilespmem:s13+$0x8000]  }
0x166: {  	v8 =	vadd.f32 v12, v13;
	v10 =	vadd.f32 $1.023000000e+03, v13;
	v60 =	vld [tilespmem:s31+$0x8000]  }
0x167: {  	vm1 =	vgt.f32 v5, $0.0e+00;
	vm2 =	vgt.f32 v6, $0.0e+00;
	v6 =	vld [tilespmem:s13+$0x9000];
	v5 =	vmin.f32 v9, v7  }
0x168: {  	s0 =	sor.u32 $0x220, s0;
	v4 =	vmin.f32 v11, v4;
	v7 =	vmin.f32 v8, v10;
	v8 =	vld [tilespmem:s31+$0x9000];
	v5 =	vtrunc.f32 v5  }
0x169: {  	v9 =	vld [tilespmem:s0+$0x8000];
	v4 =	vtrunc.f32 v4;
	v7 =	vtrunc.f32 v7;
	v10 =	vsub.f32 $0.0e+00, v3  }
0x16a: {  	v5 =	vcvt.f32.s32 v5;
	v4 =	vcvt.f32.s32 v4;
	vm5 =	vgt.f32 v14, $5.000000000e-01  }
0x16b: {  	v7 =	vcvt.f32.s32 v7;
	v11 =	vsub.f32 $0.0e+00, v59;
	v3 =	vsel vm5, v3, v10  }
0x16c: {  	v61 =	vld [tilespmem:s0+$0x9000];
	vm4 =	vgt.f32 v6, $5.000000000e-01;
	v5 =	vshll.u32 v5, $0x4;
	v3 =	vsub.f32 $1.000000000e+00, v3  }
0x16d: {  	p5 =	por $0x1, $0x1;
	v4 =	vshll.u32 v4, $0x4;
	vm3 =	vgt.f32 v8, $5.000000000e-01;
	v10 =	vsub.f32 $0.0e+00, v60  }
.Ltmp12:
0x16e: {  	v62 =	vsub.f32 $0.0e+00, v9;
	v63 =	vsel vm5, $0x44800000, v0;
	v6 =	vmul.f32 $1.280000000e+02, v3;
	(pc) =	sbr.rel @!p5 .LBB2_20-.Ltmp12, $4  }
0x16f: {  	v8 =	vsel vm3, v60, v10;
	v10 =	vshll.u32 v7, $0x4;
	v7 =	vor.u32 v2, v5  }
0x170: {  	v13 =	vadd.f32 $1.023000000e+03, v63;
	v16 =	vadd.f32 v6, v63;
	v6 =	vor.u32 v2, v4  }
0x171: {  	s30 =	simm.s32 $0x0;
	v11 =	vsel vm4, v59, v11;
	vm5 =	vgt.f32 v61, $5.000000000e-01;
	v5 =	vor.u32 v2, v10  }
0x172: {  	p4 =	por !p1, !p1;
	p3 =	por $0x1, $0x1;
	s0 =	simm.s32 $0x4;
	[tilespmem:v15+s30+$0x0] =	vst.idx.add.f32.msk vm6, v1;
	v10 =	vsel vm5, v9, v62;
	v4 =	vsub.f32 $1.000000000e+00, v11;
	v9 =	vmin.f32 v16, v13  }
.LBB2_19:
0x173: {  	s3 =	simm.s32 $0x1  }
0x174: {  	s0 =	sadd.s32 $0x4, s0;
	v8 =	vsub.f32 $1.000000000e+00, v8;
	v10 =	vsub.f32 $1.000000000e+00, v10;
	v9 =	vtrunc.f32 v9;
	[tilespmem:v7+s30+$0x0] =	vst.idx.add.f32.msk vm0, v1;
	s3 =	simm.s32 @!p4 $0x0  }
0x175: {  	v7 =	vsel vm4, $0x44800000, v0;
	s28 =	sadd.s32 $0x200, s28;
	p5 =	slt.u32 s0, $0x1C;
	v11 =	vmul.f32 $1.280000000e+02, v4;
	v9 =	vcvt.f32.s32 v9;
	s3 =	sshll.u32 s3, $0x6;
	[tilespmem:v6+s30+$0x0] =	vst.idx.add.f32.msk vm1, v1  }
0x176: {  	v6 =	vsel vm3, $0x44800000, v0;
	v12 =	vmul.f32 $1.280000000e+02, v8;
	v13 =	vmul.f32 $1.280000000e+02, v10;
	s3 =	sadd.s32 s3, s28;
	[tilespmem:v5+s30+$0x0] =	vst.idx.add.f32.msk vm2, v1  }
0x177: {  	vm3 =	vgt.f32 v3, $0.0e+00;
	v5 =	vsel vm5, $0x44800000, v0;
	v3 =	vshll.u32 v9, $0x4;
	s13 =	sor.u32 $0x200, s3;
	s14 =	sor.u32 $0x210, s3;
	s21 =	sor.u32 $0x230, s3  }
0x178: {  	v11 =	vadd.f32 v11, v7;
	s3 =	sor.u32 $0x220, s3;
	v12 =	vadd.f32 v12, v6;
	v3 =	vor.u32 v2, v3;
	v9 =	vld [tilespmem:s21+$0x8000]  }
0x179: {  	vm0 =	vgt.f32 v4, $0.0e+00;
	v4 =	vadd.f32 $1.023000000e+03, v7;
	v7 =	vadd.f32 v13, v5;
	v14 =	vld [tilespmem:s21+$0x9000]  }
0x17a: {  	vm1 =	vgt.f32 v8, $0.0e+00;
	v6 =	vadd.f32 $1.023000000e+03, v6;
	v5 =	vadd.f32 $1.023000000e+03, v5;
	v13 =	vld [tilespmem:s13+$0x8000]  }
0x17b: {  	vm2 =	vgt.f32 v10, $0.0e+00;
	v4 =	vmin.f32 v11, v4;
	v8 =	vld [tilespmem:s14+$0x8000]  }
0x17c: {  	v4 =	vtrunc.f32 v4;
	v6 =	vmin.f32 v12, v6;
	v5 =	vmin.f32 v7, v5;
	v10 =	vld [tilespmem:s3+$0x8000]  }
0x17d: {  	v6 =	vtrunc.f32 v6;
	v5 =	vtrunc.f32 v5;
	v7 =	vsub.f32 $0.0e+00, v9;
	[tilespmem:v3+s30+$0x0] =	vst.idx.add.f32.msk vm3, v1  }
0x17e: {  	v4 =	vcvt.f32.s32 v4;
	v6 =	vcvt.f32.s32 v6;
	v11 =	vld [tilespmem:s13+$0x9000];
	vm3 =	vgt.f32 v14, $5.000000000e-01  }
0x17f: {  	v5 =	vcvt.f32.s32 v5;
	v12 =	vsub.f32 $0.0e+00, v13;
	v14 =	vld [tilespmem:s14+$0x9000];
	v3 =	vsel vm3, v9, v7  }
0x180: {  	v4 =	vshll.u32 v4, $0x4;
	v9 =	vsub.f32 $0.0e+00, v8;
	v15 =	vld [tilespmem:s3+$0x9000];
	v3 =	vsub.f32 $1.000000000e+00, v3  }
0x181: {  	v6 =	vshll.u32 v6, $0x4;
	v5 =	vshll.u32 v5, $0x4;
	v16 =	vsub.f32 $0.0e+00, v10  }
.Ltmp13:
0x182: {  	v6 =	vor.u32 v2, v6;
	v7 =	vor.u32 v2, v4;
	v17 =	vmul.f32 $1.280000000e+02, v3;
	(pc) =	sbr.rel @p5 .LBB2_19-.Ltmp13, $4  }
0x183: {  	v5 =	vor.u32 v2, v5;
	v4 =	vsel vm3, $0x44800000, v0;
	vm4 =	vgt.f32 v11, $5.000000000e-01  }
0x184: {  	vm3 =	vgt.f32 v14, $5.000000000e-01;
	v11 =	vadd.f32 v17, v4;
	v14 =	vadd.f32 $1.023000000e+03, v4  }
0x185: {  	v4 =	vsel vm4, v13, v12;
	v8 =	vsel vm3, v8, v9;
	vm5 =	vgt.f32 v15, $5.000000000e-01  }
0x186: {  	p4 =	por !p4, !p4;
	v4 =	vsub.f32 $1.000000000e+00, v4;
	v10 =	vsel vm5, v10, v16;
	v9 =	vmin.f32 v11, v14  }
.LBB2_20:
0x187: {  	v8 =	vsub.f32 $1.000000000e+00, v8;
	v10 =	vsub.f32 $1.000000000e+00, v10;
	v13 =	vsel vm4, $0x44800000, v0  }
0x188: {  	v14 =	vsel vm3, $0x44800000, v0;
	v16 =	vsel vm5, $0x44800000, v0;
	v11 =	vmul.f32 $1.280000000e+02, v4  }
0x189: {  	v9 =	vtrunc.f32 v9;
	vm3 =	vgt.f32 v3, $0.0e+00;
	v12 =	vmul.f32 $1.280000000e+02, v8  }
0x18a: {  	v15 =	vmul.f32 $1.280000000e+02, v10;
	v11 =	vadd.f32 v11, v13;
	v13 =	vadd.f32 $1.023000000e+03, v13  }
0x18b: {  	v9 =	vcvt.f32.s32 v9;
	v12 =	vadd.f32 v12, v14;
	v14 =	vadd.f32 $1.023000000e+03, v14  }
0x18c: {  	v15 =	vadd.f32 v15, v16;
	v16 =	vadd.f32 $1.023000000e+03, v16;
	v11 =	vmin.f32 v11, v13  }
0x18d: {  	vm4 =	vgt.f32 v4, $0.0e+00;
	v12 =	vmin.f32 v12, v14;
	v3 =	vtrunc.f32 v11  }
0x18e: {  	v60 =	vmin.f32 v15, v16;
	v11 =	vtrunc.f32 v12;
	v3 =	vcvt.f32.s32 v3  }
0x18f: {  	v9 =	vshll.u32 v9, $0x4;
	v61 =	vtrunc.f32 v60;
	v11 =	vcvt.f32.s32 v11  }
0x190: {  	v9 =	vor.u32 v2, v9;
	v4 =	vcvt.f32.s32 v61;
	v3 =	vshll.u32 v3, $0x4  }
0x191: {  	vm5 =	vgt.f32 v8, $0.0e+00;
	v8 =	vshll.u32 v11, $0x4;
	v3 =	vor.u32 v2, v3  }
0x192: {  	[tilespmem:v7+s30+$0x0] =	vst.idx.add.f32.msk @p3 vm0, v1;
	vm0 =	vgt.f32 v10, $0.0e+00;
	v4 =	vshll.u32 v4, $0x4;
	v7 =	vor.u32 v2, v8  }
0x193: {  	[tilespmem:v6+s30+$0x0] =	vst.idx.add.f32.msk @p3 vm1, v1;
	v4 =	vor.u32 v2, v4  }
0x194: {  	[tilespmem:v5+s30+$0x0] =	vst.idx.add.f32.msk @p3 vm2, v1;
	s28 =	simm.s32 $0x0  }
0x195: {  	[tilespmem:v9+s28+$0x0] =	vst.idx.add.f32.msk vm3, v1  }
0x196: {  	[tilespmem:v3+s28+$0x0] =	vst.idx.add.f32.msk vm4, v1  }
0x197: {  	s0 =	sadd.s32 $0x0, s29;
	[tilespmem:v7+s28+$0x0] =	vst.idx.add.f32.msk vm5, v1  }
0x198: {  	s3 =	sor.u32 $0x2B0, s0;
	[tilespmem:v4+s28+$0x0] =	vst.idx.add.f32.msk vm0, v1  }
0x199: {  	v3 =	vld [tilespmem:s3+$0x8000]  }
0x19a: {  	v4 =	vld [tilespmem:s3+$0x9000]  }
0x19b: {  	s31 =	sor.u32 $0x280, s0  }
0x19c: {  	s13 =	sor.u32 $0x290, s0;
	v5 =	vld [tilespmem:s31+$0x8000]  }
0x19d: {  	s0 =	sor.u32 $0x2A0, s0;
	v6 =	vld [tilespmem:s13+$0x8000]  }
0x19e: {  	v7 =	vld [tilespmem:s0+$0x8000];
	v8 =	vsub.f32 $0.0e+00, v3  }
0x19f: {  	v9 =	vld [tilespmem:s31+$0x9000];
	vm0 =	vgt.f32 v4, $5.000000000e-01  }
0x1a0: {  	v10 =	vld [tilespmem:s0+$0x9000];
	v3 =	vsel vm0, v3, v8  }
0x1a1: {  	v4 =	vld [tilespmem:s13+$0x9000];
	v3 =	vsub.f32 $1.000000000e+00, v3;
	_ =	sdelay $0x1  }
.Ltmp14:
0x1a2: {  	v11 =	vsub.f32 $0.0e+00, v6;
	v63 =	vsub.f32 $0.0e+00, v7;
	v62 =	vmul.f32 $1.280000000e+02, v3;
	(pc) =	sbr.rel @!p2 .LBB2_21-.Ltmp14, $4  }
0x1a3: {  	vm4 =	vgt.f32 v9, $5.000000000e-01;
	v9 =	vsel vm0, $0x44800000, v0;
	v8 =	vsub.f32 $0.0e+00, v5  }
0x1a4: {  	vm5 =	vgt.f32 v10, $5.000000000e-01;
	v12 =	vadd.f32 v62, v9;
	v9 =	vadd.f32 $1.023000000e+03, v9  }
0x1a5: {  	v10 =	vsel vm5, v7, v63;
	vm3 =	vgt.f32 v4, $5.000000000e-01;
	v4 =	vsel vm4, v5, v8  }
0x1a6: {  	v8 =	vsel vm3, v6, v11;
	v4 =	vsub.f32 $1.000000000e+00, v4;
	v9 =	vmin.f32 v12, v9  }
0x1a7: {  	s0 =	simm.s32 $0x1  }
0x1a8: {  	s0 =	simm.s32 @!p1 $0x0  }
0x1a9: {  	v5 =	vsub.f32 $1.000000000e+00, v8;
	v6 =	vsub.f32 $1.000000000e+00, v10;
	v7 =	vtrunc.f32 v9;
	s0 =	sshll.u32 s0, $0x6  }
0x1aa: {  	v8 =	vsel vm4, $0x44800000, v0;
	v10 =	vsel vm3, $0x44800000, v0;
	v13 =	vsel vm5, $0x44800000, v0;
	s0 =	sadd.s32 $0x200, s0  }
0x1ab: {  	vm6 =	vgt.f32 v3, $0.0e+00;
	v9 =	vmul.f32 $1.280000000e+02, v4;
	v7 =	vcvt.f32.s32 v7;
	s3 =	sor.u32 $0x2B0, s0  }
0x1ac: {  	vm1 =	vgt.f32 v4, $0.0e+00;
	v4 =	vadd.f32 $1.023000000e+03, v10;
	v11 =	vmul.f32 $1.280000000e+02, v5;
	v3 =	vld [tilespmem:s3+$0x8000]  }
0x1ad: {  	v12 =	vmul.f32 $1.280000000e+02, v6;
	v7 =	vshll.u32 v7, $0x4;
	v9 =	vadd.f32 v9, v8;
	s13 =	sor.u32 $0x280, s0;
	v14 =	vld [tilespmem:s3+$0x9000]  }
0x1ae: {  	v11 =	vadd.f32 v11, v10;
	s31 =	sor.u32 $0x290, s0;
	v15 =	vor.u32 v2, v7;
	v7 =	vadd.f32 $1.023000000e+03, v8;
	v59 =	vld [tilespmem:s13+$0x8000]  }
0x1af: {  	v8 =	vadd.f32 v12, v13;
	v10 =	vadd.f32 $1.023000000e+03, v13;
	v60 =	vld [tilespmem:s31+$0x8000]  }
0x1b0: {  	vm0 =	vgt.f32 v5, $0.0e+00;
	vm2 =	vgt.f32 v6, $0.0e+00;
	v6 =	vld [tilespmem:s13+$0x9000];
	v5 =	vmin.f32 v9, v7  }
0x1b1: {  	s0 =	sor.u32 $0x2A0, s0;
	v4 =	vmin.f32 v11, v4;
	v7 =	vmin.f32 v8, v10;
	v8 =	vld [tilespmem:s31+$0x9000];
	v5 =	vtrunc.f32 v5  }
0x1b2: {  	v9 =	vld [tilespmem:s0+$0x8000];
	v4 =	vtrunc.f32 v4;
	v7 =	vtrunc.f32 v7;
	v10 =	vsub.f32 $0.0e+00, v3  }
0x1b3: {  	v5 =	vcvt.f32.s32 v5;
	v4 =	vcvt.f32.s32 v4;
	vm5 =	vgt.f32 v14, $5.000000000e-01  }
0x1b4: {  	v7 =	vcvt.f32.s32 v7;
	v11 =	vsub.f32 $0.0e+00, v59;
	v3 =	vsel vm5, v3, v10  }
0x1b5: {  	v61 =	vld [tilespmem:s0+$0x9000];
	vm4 =	vgt.f32 v6, $5.000000000e-01;
	v5 =	vshll.u32 v5, $0x4;
	v3 =	vsub.f32 $1.000000000e+00, v3  }
0x1b6: {  	p2 =	por $0x1, $0x1;
	v4 =	vshll.u32 v4, $0x4;
	vm3 =	vgt.f32 v8, $5.000000000e-01;
	v10 =	vsub.f32 $0.0e+00, v60  }
.Ltmp15:
0x1b7: {  	v62 =	vsub.f32 $0.0e+00, v9;
	v63 =	vsel vm5, $0x44800000, v0;
	v6 =	vmul.f32 $1.280000000e+02, v3;
	(pc) =	sbr.rel @!p2 .LBB2_24-.Ltmp15, $4  }
0x1b8: {  	v8 =	vsel vm3, v60, v10;
	v10 =	vshll.u32 v7, $0x4;
	v7 =	vor.u32 v2, v5  }
0x1b9: {  	v13 =	vadd.f32 $1.023000000e+03, v63;
	v16 =	vadd.f32 v6, v63;
	v6 =	vor.u32 v2, v4  }
0x1ba: {  	s29 =	simm.s32 $0x4;
	v11 =	vsel vm4, v59, v11;
	vm5 =	vgt.f32 v61, $5.000000000e-01;
	v5 =	vor.u32 v2, v10  }
0x1bb: {  	p0 =	por $0x1, $0x1;
	p1 =	por !p1, !p1;
	s0 =	simm.s32 $0x200;
	[tilespmem:v15+s28+$0x0] =	vst.idx.add.f32.msk vm6, v1;
	v10 =	vsel vm5, v9, v62;
	v4 =	vsub.f32 $1.000000000e+00, v11;
	v9 =	vmin.f32 v16, v13  }
.LBB2_23:
0x1bc: {  	s3 =	simm.s32 $0x1  }
0x1bd: {  	s29 =	sadd.s32 $0x4, s29;
	v8 =	vsub.f32 $1.000000000e+00, v8;
	v10 =	vsub.f32 $1.000000000e+00, v10;
	v9 =	vtrunc.f32 v9;
	[tilespmem:v7+s28+$0x0] =	vst.idx.add.f32.msk vm1, v1;
	s3 =	simm.s32 @!p1 $0x0  }
0x1be: {  	v7 =	vsel vm4, $0x44800000, v0;
	s0 =	sadd.s32 $0x200, s0;
	p2 =	slt.u32 s29, $0x1C;
	v11 =	vmul.f32 $1.280000000e+02, v4;
	v9 =	vcvt.f32.s32 v9;
	s3 =	sshll.u32 s3, $0x6;
	[tilespmem:v6+s28+$0x0] =	vst.idx.add.f32.msk vm0, v1  }
0x1bf: {  	v6 =	vsel vm3, $0x44800000, v0;
	v12 =	vmul.f32 $1.280000000e+02, v8;
	v13 =	vmul.f32 $1.280000000e+02, v10;
	s3 =	sadd.s32 s3, s0;
	[tilespmem:v5+s28+$0x0] =	vst.idx.add.f32.msk vm2, v1  }
0x1c0: {  	vm3 =	vgt.f32 v3, $0.0e+00;
	v5 =	vsel vm5, $0x44800000, v0;
	v3 =	vshll.u32 v9, $0x4;
	s13 =	sor.u32 $0x280, s3;
	s14 =	sor.u32 $0x290, s3;
	s21 =	sor.u32 $0x2B0, s3  }
0x1c1: {  	v11 =	vadd.f32 v11, v7;
	s3 =	sor.u32 $0x2A0, s3;
	v12 =	vadd.f32 v12, v6;
	v3 =	vor.u32 v2, v3;
	v9 =	vld [tilespmem:s21+$0x8000]  }
0x1c2: {  	vm1 =	vgt.f32 v4, $0.0e+00;
	v4 =	vadd.f32 $1.023000000e+03, v7;
	v7 =	vadd.f32 v13, v5;
	v14 =	vld [tilespmem:s21+$0x9000]  }
0x1c3: {  	vm0 =	vgt.f32 v8, $0.0e+00;
	v6 =	vadd.f32 $1.023000000e+03, v6;
	v5 =	vadd.f32 $1.023000000e+03, v5;
	v13 =	vld [tilespmem:s13+$0x8000]  }
0x1c4: {  	vm2 =	vgt.f32 v10, $0.0e+00;
	v4 =	vmin.f32 v11, v4;
	v8 =	vld [tilespmem:s14+$0x8000]  }
0x1c5: {  	v4 =	vtrunc.f32 v4;
	v6 =	vmin.f32 v12, v6;
	v5 =	vmin.f32 v7, v5;
	v10 =	vld [tilespmem:s3+$0x8000]  }
0x1c6: {  	v6 =	vtrunc.f32 v6;
	v5 =	vtrunc.f32 v5;
	v7 =	vsub.f32 $0.0e+00, v9;
	[tilespmem:v3+s28+$0x0] =	vst.idx.add.f32.msk vm3, v1  }
0x1c7: {  	v4 =	vcvt.f32.s32 v4;
	v6 =	vcvt.f32.s32 v6;
	v11 =	vld [tilespmem:s13+$0x9000];
	vm3 =	vgt.f32 v14, $5.000000000e-01  }
0x1c8: {  	v5 =	vcvt.f32.s32 v5;
	v12 =	vsub.f32 $0.0e+00, v13;
	v14 =	vld [tilespmem:s14+$0x9000];
	v3 =	vsel vm3, v9, v7  }
0x1c9: {  	v4 =	vshll.u32 v4, $0x4;
	v9 =	vsub.f32 $0.0e+00, v8;
	v15 =	vld [tilespmem:s3+$0x9000];
	v3 =	vsub.f32 $1.000000000e+00, v3  }
0x1ca: {  	v6 =	vshll.u32 v6, $0x4;
	v5 =	vshll.u32 v5, $0x4;
	v16 =	vsub.f32 $0.0e+00, v10  }
.Ltmp16:
0x1cb: {  	v6 =	vor.u32 v2, v6;
	v7 =	vor.u32 v2, v4;
	v17 =	vmul.f32 $1.280000000e+02, v3;
	(pc) =	sbr.rel @p2 .LBB2_23-.Ltmp16, $4  }
0x1cc: {  	v5 =	vor.u32 v2, v5;
	v4 =	vsel vm3, $0x44800000, v0;
	vm4 =	vgt.f32 v11, $5.000000000e-01  }
0x1cd: {  	vm3 =	vgt.f32 v14, $5.000000000e-01;
	v11 =	vadd.f32 v17, v4;
	v14 =	vadd.f32 $1.023000000e+03, v4  }
0x1ce: {  	v4 =	vsel vm4, v13, v12;
	v8 =	vsel vm3, v8, v9;
	vm5 =	vgt.f32 v15, $5.000000000e-01  }
0x1cf: {  	p1 =	por !p1, !p1;
	v4 =	vsub.f32 $1.000000000e+00, v4;
	v10 =	vsel vm5, v10, v16;
	v9 =	vmin.f32 v11, v14  }
.LBB2_24:
0x1d0: {  	v8 =	vsub.f32 $1.000000000e+00, v8;
	v10 =	vsub.f32 $1.000000000e+00, v10;
	v13 =	vsel vm4, $0x44800000, v0  }
0x1d1: {  	v14 =	vsel vm3, $0x44800000, v0;
	v16 =	vsel vm5, $0x44800000, v0;
	v11 =	vmul.f32 $1.280000000e+02, v4  }
0x1d2: {  	v9 =	vtrunc.f32 v9;
	vm3 =	vgt.f32 v3, $0.0e+00;
	v12 =	vmul.f32 $1.280000000e+02, v8  }
0x1d3: {  	v15 =	vmul.f32 $1.280000000e+02, v10;
	v11 =	vadd.f32 v11, v13;
	v13 =	vadd.f32 $1.023000000e+03, v13  }
0x1d4: {  	v9 =	vcvt.f32.s32 v9;
	v12 =	vadd.f32 v12, v14;
	v14 =	vadd.f32 $1.023000000e+03, v14  }
0x1d5: {  	v15 =	vadd.f32 v15, v16;
	v16 =	vadd.f32 $1.023000000e+03, v16;
	v11 =	vmin.f32 v11, v13  }
0x1d6: {  	vm4 =	vgt.f32 v4, $0.0e+00;
	v12 =	vmin.f32 v12, v14;
	v3 =	vtrunc.f32 v11  }
0x1d7: {  	v60 =	vmin.f32 v15, v16;
	v11 =	vtrunc.f32 v12;
	v3 =	vcvt.f32.s32 v3  }
0x1d8: {  	v9 =	vshll.u32 v9, $0x4;
	v61 =	vtrunc.f32 v60;
	v11 =	vcvt.f32.s32 v11  }
0x1d9: {  	v9 =	vor.u32 v2, v9;
	v4 =	vcvt.f32.s32 v61;
	v3 =	vshll.u32 v3, $0x4  }
0x1da: {  	vm5 =	vgt.f32 v8, $0.0e+00;
	v8 =	vshll.u32 v11, $0x4;
	v3 =	vor.u32 v2, v3  }
0x1db: {  	[tilespmem:v7+s28+$0x0] =	vst.idx.add.f32.msk @p0 vm1, v1;
	vm1 =	vgt.f32 v10, $0.0e+00;
	v4 =	vshll.u32 v4, $0x4;
	v7 =	vor.u32 v2, v8  }
0x1dc: {  	[tilespmem:v6+s28+$0x0] =	vst.idx.add.f32.msk @p0 vm0, v1;
	v4 =	vor.u32 v2, v4  }
0x1dd: {  	[tilespmem:v5+s28+$0x0] =	vst.idx.add.f32.msk @p0 vm2, v1;
	p1 =	por $0x0, $0x0;
	s0 =	simm.s32 $0x1  }
0x1de: {  	s0 =	simm.s32 @!p1 $0x0;
	[tilespmem:v9+s28+$0x0] =	vst.idx.add.f32.msk vm3, v1  }
0x1df: {  	s0 =	sshll.u32 s0, $0x6;
	[tilespmem:v3+s28+$0x0] =	vst.idx.add.f32.msk vm4, v1  }
0x1e0: {  	s0 =	sadd.s32 $0x0, s0;
	[tilespmem:v7+s28+$0x0] =	vst.idx.add.f32.msk vm5, v1  }
0x1e1: {  	s3 =	sor.u32 $0x330, s0;
	[tilespmem:v4+s28+$0x0] =	vst.idx.add.f32.msk vm1, v1  }
0x1e2: {  	v3 =	vld [tilespmem:s3+$0x8000]  }
0x1e3: {  	v4 =	vld [tilespmem:s3+$0x9000]  }
0x1e4: {  	s31 =	sor.u32 $0x300, s0  }
0x1e5: {  	s13 =	sor.u32 $0x310, s0;
	v5 =	vld [tilespmem:s31+$0x8000]  }
0x1e6: {  	s0 =	sor.u32 $0x320, s0;
	v6 =	vld [tilespmem:s13+$0x8000]  }
0x1e7: {  	v7 =	vld [tilespmem:s0+$0x8000];
	v8 =	vsub.f32 $0.0e+00, v3  }
0x1e8: {  	v9 =	vld [tilespmem:s31+$0x9000];
	vm0 =	vgt.f32 v4, $5.000000000e-01  }
0x1e9: {  	v10 =	vld [tilespmem:s0+$0x9000];
	v3 =	vsel vm0, v3, v8  }
0x1ea: {  	v4 =	vld [tilespmem:s13+$0x9000];
	v3 =	vsub.f32 $1.000000000e+00, v3  }
0x1eb: {  	p0 =	por $0x1, $0x1  }
.Ltmp17:
0x1ec: {  	v11 =	vsub.f32 $0.0e+00, v6;
	v63 =	vsub.f32 $0.0e+00, v7;
	v62 =	vmul.f32 $1.280000000e+02, v3;
	(pc) =	sbr.rel @!p0 .LBB2_25-.Ltmp17, $4  }
0x1ed: {  	vm4 =	vgt.f32 v9, $5.000000000e-01;
	v9 =	vsel vm0, $0x44800000, v0;
	v8 =	vsub.f32 $0.0e+00, v5  }
0x1ee: {  	vm5 =	vgt.f32 v10, $5.000000000e-01;
	v12 =	vadd.f32 v62, v9;
	v9 =	vadd.f32 $1.023000000e+03, v9  }
0x1ef: {  	v10 =	vsel vm5, v7, v63;
	vm3 =	vgt.f32 v4, $5.000000000e-01;
	v4 =	vsel vm4, v5, v8  }
0x1f0: {  	p2 =	por !p1, !p1;
	s28 =	simm.s32 $0x0;
	v8 =	vsel vm3, v6, v11;
	v4 =	vsub.f32 $1.000000000e+00, v4;
	v9 =	vmin.f32 v12, v9  }
0x1f1: {  	s0 =	simm.s32 $0x1  }
0x1f2: {  	s0 =	simm.s32 @!p2 $0x0  }
0x1f3: {  	v5 =	vsub.f32 $1.000000000e+00, v8;
	v6 =	vsub.f32 $1.000000000e+00, v10;
	v7 =	vtrunc.f32 v9;
	s0 =	sshll.u32 s0, $0x6  }
0x1f4: {  	v8 =	vsel vm4, $0x44800000, v0;
	v10 =	vsel vm3, $0x44800000, v0;
	v13 =	vsel vm5, $0x44800000, v0;
	s0 =	sadd.s32 $0x200, s0  }
0x1f5: {  	vm6 =	vgt.f32 v3, $0.0e+00;
	v9 =	vmul.f32 $1.280000000e+02, v4;
	v7 =	vcvt.f32.s32 v7;
	s3 =	sor.u32 $0x330, s0  }
0x1f6: {  	vm0 =	vgt.f32 v4, $0.0e+00;
	v4 =	vadd.f32 $1.023000000e+03, v10;
	v11 =	vmul.f32 $1.280000000e+02, v5;
	v3 =	vld [tilespmem:s3+$0x8000]  }
0x1f7: {  	v12 =	vmul.f32 $1.280000000e+02, v6;
	v7 =	vshll.u32 v7, $0x4;
	v9 =	vadd.f32 v9, v8;
	s13 =	sor.u32 $0x300, s0;
	v14 =	vld [tilespmem:s3+$0x9000]  }
0x1f8: {  	v11 =	vadd.f32 v11, v10;
	s31 =	sor.u32 $0x310, s0;
	v15 =	vor.u32 v2, v7;
	v7 =	vadd.f32 $1.023000000e+03, v8;
	v59 =	vld [tilespmem:s13+$0x8000]  }
0x1f9: {  	v8 =	vadd.f32 v12, v13;
	v10 =	vadd.f32 $1.023000000e+03, v13;
	v60 =	vld [tilespmem:s31+$0x8000]  }
0x1fa: {  	vm1 =	vgt.f32 v5, $0.0e+00;
	vm2 =	vgt.f32 v6, $0.0e+00;
	v6 =	vld [tilespmem:s13+$0x9000];
	v5 =	vmin.f32 v9, v7  }
0x1fb: {  	s0 =	sor.u32 $0x320, s0;
	v4 =	vmin.f32 v11, v4;
	v7 =	vmin.f32 v8, v10;
	v8 =	vld [tilespmem:s31+$0x9000];
	v5 =	vtrunc.f32 v5  }
0x1fc: {  	v9 =	vld [tilespmem:s0+$0x8000];
	v4 =	vtrunc.f32 v4;
	v7 =	vtrunc.f32 v7;
	v10 =	vsub.f32 $0.0e+00, v3  }
0x1fd: {  	v5 =	vcvt.f32.s32 v5;
	v4 =	vcvt.f32.s32 v4;
	vm5 =	vgt.f32 v14, $5.000000000e-01  }
0x1fe: {  	v7 =	vcvt.f32.s32 v7;
	v11 =	vsub.f32 $0.0e+00, v59;
	v3 =	vsel vm5, v3, v10  }
0x1ff: {  	v61 =	vld [tilespmem:s0+$0x9000];
	vm4 =	vgt.f32 v6, $5.000000000e-01;
	v5 =	vshll.u32 v5, $0x4;
	v3 =	vsub.f32 $1.000000000e+00, v3  }
0x200: {  	p3 =	por $0x1, $0x1;
	v4 =	vshll.u32 v4, $0x4;
	vm3 =	vgt.f32 v8, $5.000000000e-01;
	v10 =	vsub.f32 $0.0e+00, v60  }
.Ltmp18:
0x201: {  	v62 =	vsub.f32 $0.0e+00, v9;
	v63 =	vsel vm5, $0x44800000, v0;
	v6 =	vmul.f32 $1.280000000e+02, v3;
	(pc) =	sbr.rel @!p3 .LBB2_28-.Ltmp18, $4  }
0x202: {  	v8 =	vsel vm3, v60, v10;
	v10 =	vshll.u32 v7, $0x4;
	v7 =	vor.u32 v2, v5  }
0x203: {  	v13 =	vadd.f32 $1.023000000e+03, v63;
	v16 =	vadd.f32 v6, v63;
	v6 =	vor.u32 v2, v4  }
0x204: {  	s30 =	simm.s32 $0x4;
	s29 =	simm.s32 $0x0;
	v11 =	vsel vm4, v59, v11;
	vm5 =	vgt.f32 v61, $5.000000000e-01;
	v5 =	vor.u32 v2, v10  }
0x205: {  	p1 =	por $0x1, $0x1;
	p2 =	por !p2, !p2;
	s0 =	simm.s32 $0x200;
	[tilespmem:v15+s29+$0x0] =	vst.idx.add.f32.msk vm6, v1;
	v10 =	vsel vm5, v9, v62;
	v4 =	vsub.f32 $1.000000000e+00, v11;
	v9 =	vmin.f32 v16, v13  }
.LBB2_27:
0x206: {  	s3 =	simm.s32 $0x1  }
0x207: {  	s30 =	sadd.s32 $0x4, s30;
	v8 =	vsub.f32 $1.000000000e+00, v8;
	v10 =	vsub.f32 $1.000000000e+00, v10;
	v9 =	vtrunc.f32 v9;
	[tilespmem:v7+s29+$0x0] =	vst.idx.add.f32.msk vm0, v1;
	s3 =	simm.s32 @!p2 $0x0  }
0x208: {  	v7 =	vsel vm4, $0x44800000, v0;
	s0 =	sadd.s32 $0x200, s0;
	p3 =	slt.u32 s30, $0x1C;
	v11 =	vmul.f32 $1.280000000e+02, v4;
	v9 =	vcvt.f32.s32 v9;
	s3 =	sshll.u32 s3, $0x6;
	[tilespmem:v6+s29+$0x0] =	vst.idx.add.f32.msk vm1, v1  }
0x209: {  	v6 =	vsel vm3, $0x44800000, v0;
	v12 =	vmul.f32 $1.280000000e+02, v8;
	v13 =	vmul.f32 $1.280000000e+02, v10;
	s3 =	sadd.s32 s3, s0;
	[tilespmem:v5+s29+$0x0] =	vst.idx.add.f32.msk vm2, v1  }
0x20a: {  	vm3 =	vgt.f32 v3, $0.0e+00;
	v5 =	vsel vm5, $0x44800000, v0;
	v3 =	vshll.u32 v9, $0x4;
	s13 =	sor.u32 $0x300, s3;
	s14 =	sor.u32 $0x310, s3;
	s21 =	sor.u32 $0x330, s3  }
0x20b: {  	v11 =	vadd.f32 v11, v7;
	s3 =	sor.u32 $0x320, s3;
	v12 =	vadd.f32 v12, v6;
	v3 =	vor.u32 v2, v3;
	v9 =	vld [tilespmem:s21+$0x8000]  }
0x20c: {  	vm0 =	vgt.f32 v4, $0.0e+00;
	v4 =	vadd.f32 $1.023000000e+03, v7;
	v7 =	vadd.f32 v13, v5;
	v14 =	vld [tilespmem:s21+$0x9000]  }
0x20d: {  	vm1 =	vgt.f32 v8, $0.0e+00;
	v6 =	vadd.f32 $1.023000000e+03, v6;
	v5 =	vadd.f32 $1.023000000e+03, v5;
	v13 =	vld [tilespmem:s13+$0x8000]  }
0x20e: {  	vm2 =	vgt.f32 v10, $0.0e+00;
	v4 =	vmin.f32 v11, v4;
	v8 =	vld [tilespmem:s14+$0x8000]  }
0x20f: {  	v4 =	vtrunc.f32 v4;
	v6 =	vmin.f32 v12, v6;
	v5 =	vmin.f32 v7, v5;
	v10 =	vld [tilespmem:s3+$0x8000]  }
0x210: {  	v6 =	vtrunc.f32 v6;
	v5 =	vtrunc.f32 v5;
	v7 =	vsub.f32 $0.0e+00, v9;
	[tilespmem:v3+s29+$0x0] =	vst.idx.add.f32.msk vm3, v1  }
0x211: {  	v4 =	vcvt.f32.s32 v4;
	v6 =	vcvt.f32.s32 v6;
	v11 =	vld [tilespmem:s13+$0x9000];
	vm3 =	vgt.f32 v14, $5.000000000e-01  }
0x212: {  	v5 =	vcvt.f32.s32 v5;
	v12 =	vsub.f32 $0.0e+00, v13;
	v14 =	vld [tilespmem:s14+$0x9000];
	v3 =	vsel vm3, v9, v7  }
0x213: {  	v4 =	vshll.u32 v4, $0x4;
	v9 =	vsub.f32 $0.0e+00, v8;
	v15 =	vld [tilespmem:s3+$0x9000];
	v3 =	vsub.f32 $1.000000000e+00, v3  }
0x214: {  	v6 =	vshll.u32 v6, $0x4;
	v5 =	vshll.u32 v5, $0x4;
	v16 =	vsub.f32 $0.0e+00, v10  }
.Ltmp19:
0x215: {  	v6 =	vor.u32 v2, v6;
	v7 =	vor.u32 v2, v4;
	v17 =	vmul.f32 $1.280000000e+02, v3;
	(pc) =	sbr.rel @p3 .LBB2_27-.Ltmp19, $4  }
0x216: {  	v5 =	vor.u32 v2, v5;
	v4 =	vsel vm3, $0x44800000, v0;
	vm4 =	vgt.f32 v11, $5.000000000e-01  }
0x217: {  	vm3 =	vgt.f32 v14, $5.000000000e-01;
	v11 =	vadd.f32 v17, v4;
	v14 =	vadd.f32 $1.023000000e+03, v4  }
0x218: {  	v4 =	vsel vm4, v13, v12;
	v8 =	vsel vm3, v8, v9;
	vm5 =	vgt.f32 v15, $5.000000000e-01  }
0x219: {  	p2 =	por !p2, !p2;
	v4 =	vsub.f32 $1.000000000e+00, v4;
	v10 =	vsel vm5, v10, v16;
	v9 =	vmin.f32 v11, v14  }
.LBB2_28:
0x21a: {  	v8 =	vsub.f32 $1.000000000e+00, v8;
	v10 =	vsub.f32 $1.000000000e+00, v10;
	v13 =	vsel vm4, $0x44800000, v0  }
0x21b: {  	v14 =	vsel vm3, $0x44800000, v0;
	v16 =	vsel vm5, $0x44800000, v0;
	v11 =	vmul.f32 $1.280000000e+02, v4  }
0x21c: {  	v9 =	vtrunc.f32 v9;
	vm3 =	vgt.f32 v3, $0.0e+00;
	v12 =	vmul.f32 $1.280000000e+02, v8  }
0x21d: {  	v15 =	vmul.f32 $1.280000000e+02, v10;
	v11 =	vadd.f32 v11, v13;
	v13 =	vadd.f32 $1.023000000e+03, v13  }
0x21e: {  	v9 =	vcvt.f32.s32 v9;
	v12 =	vadd.f32 v12, v14;
	v14 =	vadd.f32 $1.023000000e+03, v14  }
0x21f: {  	v15 =	vadd.f32 v15, v16;
	v16 =	vadd.f32 $1.023000000e+03, v16;
	v11 =	vmin.f32 v11, v13  }
0x220: {  	vm4 =	vgt.f32 v4, $0.0e+00;
	v12 =	vmin.f32 v12, v14;
	v3 =	vtrunc.f32 v11  }
0x221: {  	v13 =	vmin.f32 v15, v16;
	v11 =	vtrunc.f32 v12;
	v3 =	vcvt.f32.s32 v3  }
0x222: {  	v9 =	vshll.u32 v9, $0x4;
	v12 =	vtrunc.f32 v13;
	v11 =	vcvt.f32.s32 v11  }
0x223: {  	v9 =	vor.u32 v2, v9;
	v4 =	vcvt.f32.s32 v12;
	v3 =	vshll.u32 v3, $0x4  }
0x224: {  	vm5 =	vgt.f32 v8, $0.0e+00;
	v8 =	vshll.u32 v11, $0x4;
	v3 =	vor.u32 v2, v3  }
0x225: {  	[tilespmem:v7+s29+$0x0] =	vst.idx.add.f32.msk @p1 vm0, v1;
	vm0 =	vgt.f32 v10, $0.0e+00;
	v4 =	vshll.u32 v4, $0x4;
	v7 =	vor.u32 v2, v8  }
0x226: {  	[tilespmem:v6+s29+$0x0] =	vst.idx.add.f32.msk @p1 vm1, v1;
	v4 =	vor.u32 v2, v4  }
0x227: {  	[tilespmem:v5+s29+$0x0] =	vst.idx.add.f32.msk @p1 vm2, v1;
	s29 =	simm.s32 $0x0  }
0x228: {  	[tilespmem:v9+s29+$0x0] =	vst.idx.add.f32.msk vm3, v1  }
0x229: {  	[tilespmem:v3+s29+$0x0] =	vst.idx.add.f32.msk vm4, v1  }
0x22a: {  	[tilespmem:v7+s29+$0x0] =	vst.idx.add.f32.msk vm5, v1  }
0x22b: {  	s0 =	sor.u32 $0x3B0, s29;
	[tilespmem:v4+s29+$0x0] =	vst.idx.add.f32.msk vm0, v1  }
0x22c: {  	v3 =	vld [tilespmem:s0+$0x8000]  }
0x22d: {  	v4 =	vld [tilespmem:s0+$0x9000]  }
0x22e: {  	s31 =	sor.u32 $0x380, s29  }
0x22f: {  	s3 =	sor.u32 $0x390, s29;
	v5 =	vld [tilespmem:s31+$0x8000]  }
0x230: {  	s13 =	sor.u32 $0x3A0, s29;
	v6 =	vld [tilespmem:s3+$0x8000]  }
0x231: {  	v7 =	vld [tilespmem:s13+$0x8000];
	v8 =	vsub.f32 $0.0e+00, v3  }
0x232: {  	v9 =	vld [tilespmem:s31+$0x9000];
	vm0 =	vgt.f32 v4, $5.000000000e-01  }
0x233: {  	v4 =	vld [tilespmem:s3+$0x9000];
	v3 =	vsel vm0, v3, v8  }
0x234: {  	v8 =	vld [tilespmem:s13+$0x9000];
	v3 =	vsub.f32 $1.000000000e+00, v3;
	_ =	sdelay $0x1  }
0x235: {  	v10 =	vsub.f32 $0.0e+00, v5;
	v11 =	vsub.f32 $0.0e+00, v6;
	v12 =	vmul.f32 $1.280000000e+02, v3  }
0x236: {  	v13 =	vsub.f32 $0.0e+00, v7;
	vm1 =	vgt.f32 v9, $5.000000000e-01;
	v9 =	vsel vm0, $0x44800000, v0  }
0x237: {  	vm0 =	vgt.f32 v4, $5.000000000e-01;
	v4 =	vadd.f32 v12, v9;
	v9 =	vadd.f32 $1.023000000e+03, v9  }
.Ltmp20:
0x238: {  	v5 =	vsel vm1, v5, v10;
	v10 =	vsel vm0, v6, v11;
	vm3 =	vgt.f32 v8, $5.000000000e-01;
	(pc) =	sbr.rel @!p0 .LBB2_30-.Ltmp20, $4  }
0x239: {  	v6 =	vsub.f32 $1.000000000e+00, v5;
	v7 =	vsel vm3, v7, v13;
	v8 =	vmin.f32 v4, v9  }
0x23a: {  	v5 =	vsub.f32 $1.000000000e+00, v10;
	v4 =	vsub.f32 $1.000000000e+00, v7;
	v8 =	vtrunc.f32 v8  }
0x23b: {  	v11 =	vmul.f32 $1.280000000e+02, v6;
	v7 =	vsel vm1, $0x44800000, v0;
	v10 =	vcvt.f32.s32 v8  }
0x23c: {  	s0 =	simm.s32 $0x240;
	v12 =	vmul.f32 $1.280000000e+02, v5;
	v8 =	vsel vm0, $0x44800000, v0;
	v9 =	vmul.f32 $1.280000000e+02, v4  }
.LBB2_29:
0x23d: {  	s3 =	sor.u32 $0x390, s0;
	s13 =	sor.u32 $0x3B0, s0;
	s28 =	sadd.s32 $0x4, s28;
	v13 =	vsel vm3, $0x44800000, v0;
	vm3 =	vgt.f32 v3, $0.0e+00;
	v3 =	vshll.u32 v10, $0x4  }
0x23e: {  	s14 =	sor.u32 $0x380, s0;
	s21 =	sor.u32 $0x3A0, s0;
	v11 =	vadd.f32 v11, v7;
	v10 =	vld [tilespmem:s13+$0x8000];
	p0 =	slt.u32 s28, $0x1C;
	v12 =	vadd.f32 v12, v8;
	v3 =	vor.u32 v2, v3  }
0x23f: {  	vm0 =	vgt.f32 v6, $0.0e+00;
	v6 =	vadd.f32 $1.023000000e+03, v7;
	v7 =	vadd.f32 v9, v13;
	v14 =	vld [tilespmem:s13+$0x9000]  }
0x240: {  	vm1 =	vgt.f32 v5, $0.0e+00;
	v5 =	vadd.f32 $1.023000000e+03, v8;
	v8 =	vadd.f32 $1.023000000e+03, v13;
	v9 =	vld [tilespmem:s14+$0x8000]  }
0x241: {  	vm2 =	vgt.f32 v4, $0.0e+00;
	v6 =	vmin.f32 v11, v6;
	v13 =	vld [tilespmem:s3+$0x8000]  }
0x242: {  	v6 =	vtrunc.f32 v6;
	v5 =	vmin.f32 v12, v5;
	v7 =	vmin.f32 v7, v8;
	v4 =	vld [tilespmem:s21+$0x8000]  }
0x243: {  	v5 =	vtrunc.f32 v5;
	v7 =	vtrunc.f32 v7;
	v8 =	vsub.f32 $0.0e+00, v10;
	[tilespmem:v3+s4+$0x0] =	vst.idx.add.f32.msk vm3, v1  }
0x244: {  	v6 =	vcvt.f32.s32 v6;
	v5 =	vcvt.f32.s32 v5;
	v11 =	vld [tilespmem:s14+$0x9000];
	vm3 =	vgt.f32 v14, $5.000000000e-01  }
0x245: {  	v7 =	vcvt.f32.s32 v7;
	v12 =	vsub.f32 $0.0e+00, v9;
	v14 =	vld [tilespmem:s3+$0x9000];
	v3 =	vsel vm3, v10, v8  }
0x246: {  	v6 =	vshll.u32 v6, $0x4;
	v8 =	vsub.f32 $0.0e+00, v13;
	v10 =	vld [tilespmem:s21+$0x9000];
	v3 =	vsub.f32 $1.000000000e+00, v3  }
0x247: {  	v5 =	vshll.u32 v5, $0x4;
	v7 =	vshll.u32 v7, $0x4;
	v15 =	vsub.f32 $0.0e+00, v4  }
0x248: {  	v17 =	vor.u32 v2, v6;
	v18 =	vor.u32 v2, v5;
	v16 =	vmul.f32 $1.280000000e+02, v3  }
0x249: {  	v5 =	vsel vm3, $0x44800000, v0;
	v19 =	vor.u32 v2, v7;
	vm4 =	vgt.f32 v11, $5.000000000e-01  }
0x24a: {  	vm5 =	vgt.f32 v14, $5.000000000e-01;
	v7 =	vadd.f32 v16, v5;
	v5 =	vadd.f32 $1.023000000e+03, v5  }
.Ltmp21:
0x24b: {  	v6 =	vsel vm4, v9, v12;
	v8 =	vsel vm5, v13, v8;
	vm3 =	vgt.f32 v10, $5.000000000e-01;
	(pc) =	sbr.rel @p0 .LBB2_29-.Ltmp21, $4  }
0x24c: {  	v6 =	vsub.f32 $1.000000000e+00, v6;
	v4 =	vsel vm3, v4, v15;
	v7 =	vmin.f32 v7, v5  }
0x24d: {  	v5 =	vsub.f32 $1.000000000e+00, v8;
	v4 =	vsub.f32 $1.000000000e+00, v4;
	v8 =	vtrunc.f32 v7;
	[tilespmem:v17+s4+$0x0] =	vst.idx.add.f32.msk vm0, v1  }
0x24e: {  	v7 =	vsel vm4, $0x44800000, v0;
	v11 =	vmul.f32 $1.280000000e+02, v6;
	v10 =	vcvt.f32.s32 v8;
	[tilespmem:v18+s4+$0x0] =	vst.idx.add.f32.msk vm1, v1  }
0x24f: {  	s0 =	sadd.s32 $0x240, s0;
	v8 =	vsel vm5, $0x44800000, v0;
	v12 =	vmul.f32 $1.280000000e+02, v5;
	v9 =	vmul.f32 $1.280000000e+02, v4;
	[tilespmem:v19+s4+$0x0] =	vst.idx.add.f32.msk vm2, v1  }
.LBB2_30:
0x250: {  	v13 =	vsel vm3, $0x44800000, v0;
	v11 =	vadd.f32 v11, v7;
	v7 =	vadd.f32 $1.023000000e+03, v7  }
0x251: {  	vm0 =	vgt.f32 v3, $0.0e+00;
	v3 =	vadd.f32 v12, v8;
	v8 =	vadd.f32 $1.023000000e+03, v8  }
0x252: {  	v9 =	vadd.f32 v9, v13;
	v53 =	vadd.f32 $1.023000000e+03, v13;
	v7 =	vmin.f32 v11, v7  }
0x253: {  	v10 =	vshll.u32 v10, $0x4;
	v7 =	vtrunc.f32 v7;
	v3 =	vmin.f32 v3, v8  }
0x254: {  	v8 =	vmin.f32 v9, v53;
	v3 =	vtrunc.f32 v3;
	v7 =	vcvt.f32.s32 v7  }
0x255: {  	vm1 =	vgt.f32 v6, $0.0e+00;
	v8 =	vtrunc.f32 v8;
	v3 =	vcvt.f32.s32 v3  }
0x256: {  	v9 =	vor.u32 v2, v10;
	v6 =	vcvt.f32.s32 v8;
	v7 =	vshll.u32 v7, $0x4  }
0x257: {  	vm2 =	vgt.f32 v5, $0.0e+00;
	v3 =	vshll.u32 v3, $0x4;
	v5 =	vor.u32 v2, v7  }
0x258: {  	vm3 =	vgt.f32 v4, $0.0e+00;
	v4 =	vshll.u32 v6, $0x4;
	v3 =	vor.u32 v2, v3  }
0x259: {  	v4 =	vor.u32 v2, v4;
	_ =	sdelay $0x1  }
0x25a: {  	[tilespmem:v9+s4+$0x0] =	vst.idx.add.f32.msk vm0, v1  }
0x25b: {  	s28 =	sshll.u32 s26, $0xA;
	p0 =	seq.s32 s26, $0xF;
	[tilespmem:v5+s4+$0x0] =	vst.idx.add.f32.msk vm1, v1  }
0x25c: {  	s0 =	sadd.s32 @!p0 s28, s9;
	[tilespmem:v3+s4+$0x0] =	vst.idx.add.f32.msk vm2, v1  }
0x25d: {  	s13 =	simm.s32 @!p0 $0x0;
	s14 =	simm.s32 @!p0 $0x8000;
	s3 =	sadd.s32 @!p0 s1, s0;
	[tilespmem:v4+s4+$0x0] =	vst.idx.add.f32.msk vm3, v1  }
0x25e: {  	[tilespmem:s14], [sflag:$0x1] =	stream.linear.gather @!p0 [hbm4b:s3+s13], $0x1000, $0x38;
	[tilespmem:$0xC000] =	vst v63  }
0x25f: {  	s0 =	sadd.s32 @!p0 s2, s0;
	s3 =	simm.s32 @!p0 $0x9000  }
0x260: {  	[tilespmem:s3], [sflag:$0x2] =	stream.linear.gather @!p0 [hbm4b:s0+s13], $0x1000, $0x38;
	[tilespmem:$0xC000] =	vst v63  }
0x261: {  	_ =	swait.ge [sflag:s19], $0x1000  }
0x262: {  	[sflag:s19] =	ssyncset.done $0x0  }
0x263: {  	[sflag:s19] =	ssyncadd.s32 $0xFFFFF000  }
0x264: {  	_ =	swait.ge [sflag:s20], $0x1000  }
0x265: {  	s3 =	sand.u32 $0x40, s29;
	s13 =	sand.u32 $0xC00, s29;
	[sflag:s20] =	ssyncset.done $0x0  }
0x266: {  	s31 =	sor.u32 s3, s13;
	[sflag:s20] =	ssyncadd.s32 $0xFFFFF000  }
0x267: {  	v3 =	vld [tilespmem:s31+$0xA030]  }
0x268: {  	v4 =	vld [tilespmem:s31+$0xB030]  }
0x269: {  	v5 =	vld [tilespmem:s31+$0xA000]  }
0x26a: {  	s21 =	simm.s32 $0x40;
	s14 =	simm.s32 $0x200;
	v6 =	vld [tilespmem:s31+$0xA010]  }
0x26b: {  	s0 =	sand.u32 $0xC00, s14;
	s3 =	sand.u32 $0x40, s21;
	v7 =	vld [tilespmem:s31+$0xA020]  }
0x26c: {  	s30 =	sor.u32 s3, s0;
	v9 =	vld [tilespmem:s31+$0xB000]  }
0x26d: {  	v59 =	vld [tilespmem:s30+$0xA000]  }
0x26e: {  	vm0 =	vgt.f32 v4, $5.000000000e-01;
	v4 =	vld [tilespmem:s31+$0xB010]  }
0x26f: {  	v8 =	vsub.f32 $0.0e+00, v3  }
0x270: {  	v10 =	vsub.f32 $0.0e+00, v5;
	v54 =	vsub.f32 $0.0e+00, v6  }
0x271: {  	v14 =	vsel vm0, $0x44800000, v0;
	v3 =	vsel vm0, v3, v8;
	v8 =	vld [tilespmem:s31+$0xB020];
	vm0 =	vgt.f32 v9, $5.000000000e-01  }
0x272: {  	v58 =	vld [tilespmem:s30+$0xB030];
	v55 =	vsub.f32 $0.0e+00, v7;
	v3 =	vsub.f32 $1.000000000e+00, v3;
	v5 =	vsel vm0, v5, v10  }
0x273: {  	v60 =	vsub.f32 $0.0e+00, v59;
	v5 =	vsub.f32 $1.000000000e+00, v5;
	vm1 =	vgt.f32 v4, $5.000000000e-01  }
0x274: {  	v9 =	vadd.f32 $1.023000000e+03, v14;
	v11 =	vmul.f32 $1.280000000e+02, v3;
	v6 =	vsel vm1, v6, v54  }
0x275: {  	v10 =	vsel vm1, $0x44800000, v0;
	vm1 =	vgt.f32 v3, $0.0e+00;
	vm5 =	vgt.f32 v5, $0.0e+00  }
0x276: {  	v4 =	vadd.f32 v11, v14;
	vm2 =	vgt.f32 v8, $5.000000000e-01;
	v6 =	vsub.f32 $1.000000000e+00, v6  }
0x277: {  	v8 =	vsel vm0, $0x44800000, v0;
	vm0 =	vgt.f32 v58, $5.000000000e-01;
	v7 =	vsel vm2, v7, v55  }
0x278: {  	v3 =	vld [tilespmem:s30+$0xA030];
	v57 =	vsel vm2, $0x44800000, v0;
	v4 =	vmin.f32 v4, v9;
	v9 =	vmul.f32 $1.280000000e+02, v5  }
0x279: {  	v7 =	vsub.f32 $1.000000000e+00, v7;
	v11 =	vmul.f32 $1.280000000e+02, v6;
	v4 =	vtrunc.f32 v4  }
0x27a: {  	v13 =	vadd.f32 $1.023000000e+03, v57;
	vm2 =	vgt.f32 v6, $0.0e+00;
	v6 =	vld [tilespmem:s30+$0xB000];
	v4 =	vcvt.f32.s32 v4  }
0x27b: {  	v56 =	vmul.f32 $1.280000000e+02, v7;
	v9 =	vadd.f32 v9, v8;
	v8 =	vadd.f32 $1.023000000e+03, v8  }
0x27c: {  	v16 =	vld [tilespmem:s30+$0xA010];
	v11 =	vadd.f32 v11, v10;
	v10 =	vadd.f32 $1.023000000e+03, v10;
	v4 =	vshll.u32 v4, $0x4  }
0x27d: {  	v8 =	vmin.f32 v9, v8;
	v9 =	vsub.f32 $0.0e+00, v3;
	v15 =	vor.u32 v2, v4  }
0x27e: {  	v4 =	vadd.f32 v56, v57;
	v5 =	vtrunc.f32 v8;
	v8 =	vmin.f32 v11, v10;
	v10 =	vld [tilespmem:s30+$0xB010]  }
0x27f: {  	vm6 =	vgt.f32 v6, $5.000000000e-01;
	v8 =	vtrunc.f32 v8;
	v5 =	vcvt.f32.s32 v5  }
0x280: {  	v11 =	vld [tilespmem:s30+$0xA020];
	v3 =	vsel vm0, v3, v9;
	v4 =	vmin.f32 v4, v13;
	v8 =	vcvt.f32.s32 v8  }
0x281: {  	v9 =	vsub.f32 $0.0e+00, v16;
	v3 =	vsub.f32 $1.000000000e+00, v3;
	v4 =	vtrunc.f32 v4  }
0x282: {  	v61 =	vld [tilespmem:s30+$0xB020];
	v5 =	vshll.u32 v5, $0x4;
	v4 =	vcvt.f32.s32 v4;
	v6 =	vshll.u32 v8, $0x4  }
0x283: {  	v62 =	vor.u32 v2, v5;
	vm3 =	vgt.f32 v10, $5.000000000e-01;
	v10 =	vmul.f32 $1.280000000e+02, v3  }
0x284: {  	v63 =	vor.u32 v2, v6;
	v6 =	vsel vm0, $0x44800000, v0;
	vm0 =	vgt.f32 v7, $0.0e+00  }
0x285: {  	v5 =	vsel vm3, v16, v9;
	v9 =	vsub.f32 $0.0e+00, v11;
	v4 =	vshll.u32 v4, $0x4  }
0x286: {  	v10 =	vadd.f32 v10, v6;
	v6 =	vadd.f32 $1.023000000e+03, v6;
	v4 =	vor.u32 v2, v4  }
0x287: {  	vm4 =	vgt.f32 v61, $5.000000000e-01;
	v8 =	vsel vm6, v59, v60  }
0x288: {  	[tilespmem:v15+s29+$0x0] =	vst.idx.add.f32.msk vm1, v1;
	v7 =	vsub.f32 $1.000000000e+00, v8;
	v8 =	vsel vm4, v11, v9;
	v9 =	vmin.f32 v10, v6  }
0x289: {  	v6 =	vsub.f32 $1.000000000e+00, v5;
	v5 =	vsub.f32 $1.000000000e+00, v8;
	[tilespmem:v62+s29+$0x0] =	vst.idx.add.f32.msk vm5, v1;
	v9 =	vtrunc.f32 v9  }
0x28a: {  	s13 =	simm.s32 $0x80;
	s0 =	simm.s32 $0x4;
	s3 =	simm.s32 $0x400;
	v8 =	vsel vm6, $0x44800000, v0;
	v10 =	vmul.f32 $1.280000000e+02, v7;
	[tilespmem:v63+s29+$0x0] =	vst.idx.add.f32.msk vm2, v1;
	v9 =	vcvt.f32.s32 v9  }
.LBB2_31:
0x28b: {  	s14 =	sand.u32 $0x40, s13;
	s21 =	sand.u32 $0xC00, s3;
	s0 =	sadd.s32 $0x4, s0;
	v11 =	vsel vm3, $0x44800000, v0;
	v12 =	vmul.f32 $1.280000000e+02, v6;
	v13 =	vmul.f32 $1.280000000e+02, v5;
	[tilespmem:v4+s29+$0x0] =	vst.idx.add.f32.msk vm0, v1  }
0x28c: {  	v4 =	vsel vm4, $0x44800000, v0;
	vm3 =	vgt.f32 v3, $0.0e+00;
	s14 =	sor.u32 s14, s21;
	p1 =	slt.u32 s0, $0x1C;
	v3 =	vshll.u32 v9, $0x4  }
0x28d: {  	v10 =	vadd.f32 v10, v8;
	v9 =	vld [tilespmem:s14+$0xA030];
	v12 =	vadd.f32 v12, v11;
	v3 =	vor.u32 v2, v3  }
0x28e: {  	vm2 =	vgt.f32 v7, $0.0e+00;
	v7 =	vadd.f32 $1.023000000e+03, v8;
	v8 =	vadd.f32 v13, v4;
	v14 =	vld [tilespmem:s14+$0xB030]  }
0x28f: {  	vm1 =	vgt.f32 v6, $0.0e+00;
	v6 =	vadd.f32 $1.023000000e+03, v11;
	v4 =	vadd.f32 $1.023000000e+03, v4;
	v13 =	vld [tilespmem:s14+$0xA000]  }
0x290: {  	vm0 =	vgt.f32 v5, $0.0e+00;
	v7 =	vmin.f32 v10, v7;
	v11 =	vld [tilespmem:s14+$0xA010]  }
0x291: {  	v7 =	vtrunc.f32 v7;
	v6 =	vmin.f32 v12, v6;
	v4 =	vmin.f32 v8, v4;
	v5 =	vld [tilespmem:s14+$0xA020]  }
0x292: {  	v6 =	vtrunc.f32 v6;
	v4 =	vtrunc.f32 v4;
	v8 =	vsub.f32 $0.0e+00, v9;
	[tilespmem:v3+s29+$0x0] =	vst.idx.add.f32.msk vm3, v1  }
0x293: {  	v7 =	vcvt.f32.s32 v7;
	v6 =	vcvt.f32.s32 v6;
	v10 =	vld [tilespmem:s14+$0xB000];
	vm3 =	vgt.f32 v14, $5.000000000e-01  }
0x294: {  	v4 =	vcvt.f32.s32 v4;
	v12 =	vsub.f32 $0.0e+00, v13;
	v14 =	vld [tilespmem:s14+$0xB010];
	v3 =	vsel vm3, v9, v8  }
0x295: {  	v7 =	vshll.u32 v7, $0x4;
	v8 =	vsub.f32 $0.0e+00, v11;
	v9 =	vld [tilespmem:s14+$0xB020];
	v3 =	vsub.f32 $1.000000000e+00, v3  }
0x296: {  	v6 =	vshll.u32 v6, $0x4;
	v4 =	vshll.u32 v4, $0x4;
	v15 =	vsub.f32 $0.0e+00, v5  }
0x297: {  	v17 =	vor.u32 v2, v7;
	v18 =	vor.u32 v2, v6;
	v16 =	vmul.f32 $1.280000000e+02, v3  }
0x298: {  	v6 =	vsel vm3, $0x44800000, v0;
	v4 =	vor.u32 v2, v4;
	vm5 =	vgt.f32 v10, $5.000000000e-01  }
.Ltmp22:
0x299: {  	vm3 =	vgt.f32 v14, $5.000000000e-01;
	v10 =	vadd.f32 v16, v6;
	v6 =	vadd.f32 $1.023000000e+03, v6;
	(pc) =	sbr.rel @p1 .LBB2_31-.Ltmp22, $4  }
0x29a: {  	v7 =	vsel vm5, v13, v12;
	v8 =	vsel vm3, v11, v8;
	vm4 =	vgt.f32 v9, $5.000000000e-01  }
0x29b: {  	v7 =	vsub.f32 $1.000000000e+00, v7;
	v5 =	vsel vm4, v5, v15;
	v9 =	vmin.f32 v10, v6  }
0x29c: {  	v6 =	vsub.f32 $1.000000000e+00, v8;
	v5 =	vsub.f32 $1.000000000e+00, v5;
	v9 =	vtrunc.f32 v9;
	[tilespmem:v17+s29+$0x0] =	vst.idx.add.f32.msk vm2, v1  }
0x29d: {  	s3 =	sadd.s32 $0x200, s3;
	s13 =	sadd.s32 $0x40, s13;
	v8 =	vsel vm5, $0x44800000, v0;
	v10 =	vmul.f32 $1.280000000e+02, v7;
	v9 =	vcvt.f32.s32 v9;
	[tilespmem:v18+s29+$0x0] =	vst.idx.add.f32.msk vm1, v1  }
0x29e: {  	v11 =	vsel vm3, $0x44800000, v0;
	v12 =	vmul.f32 $1.280000000e+02, v6;
	v13 =	vmul.f32 $1.280000000e+02, v5  }
0x29f: {  	v14 =	vsel vm4, $0x44800000, v0;
	v10 =	vadd.f32 v10, v8;
	v8 =	vadd.f32 $1.023000000e+03, v8  }
0x2a0: {  	vm1 =	vgt.f32 v3, $0.0e+00;
	v3 =	vadd.f32 v12, v11;
	v11 =	vadd.f32 $1.023000000e+03, v11  }
0x2a1: {  	v52 =	vadd.f32 $1.023000000e+03, v14;
	v51 =	vadd.f32 v13, v14;
	v8 =	vmin.f32 v10, v8  }
0x2a2: {  	vm2 =	vgt.f32 v7, $0.0e+00;
	v8 =	vtrunc.f32 v8;
	v3 =	vmin.f32 v3, v11  }
0x2a3: {  	v10 =	vmin.f32 v51, v52;
	v3 =	vtrunc.f32 v3;
	v8 =	vcvt.f32.s32 v8  }
0x2a4: {  	v9 =	vshll.u32 v9, $0x4;
	v10 =	vtrunc.f32 v10;
	v3 =	vcvt.f32.s32 v3  }
0x2a5: {  	v9 =	vor.u32 v2, v9;
	v7 =	vcvt.f32.s32 v10;
	v8 =	vshll.u32 v8, $0x4  }
0x2a6: {  	vm3 =	vgt.f32 v6, $0.0e+00;
	v3 =	vshll.u32 v3, $0x4;
	v6 =	vor.u32 v2, v8  }
0x2a7: {  	vm4 =	vgt.f32 v5, $0.0e+00;
	v5 =	vshll.u32 v7, $0x4;
	v3 =	vor.u32 v2, v3  }
0x2a8: {  	v5 =	vor.u32 v2, v5  }
0x2a9: {  	[tilespmem:v4+s29+$0x0] =	vst.idx.add.f32.msk vm0, v1  }
0x2aa: {  	[tilespmem:v9+s29+$0x0] =	vst.idx.add.f32.msk vm1, v1  }
0x2ab: {  	[tilespmem:v6+s29+$0x0] =	vst.idx.add.f32.msk vm2, v1  }
0x2ac: {  	[tilespmem:v3+s29+$0x0] =	vst.idx.add.f32.msk vm3, v1  }
0x2ad: {  	[tilespmem:v5+s29+$0x0] =	vst.idx.add.f32.msk vm4, v1  }
0x2ae: {  	v3 =	vld [tilespmem:s31+$0xA0B0]  }
0x2af: {  	v4 =	vld [tilespmem:s31+$0xB0B0]  }
0x2b0: {  	v5 =	vld [tilespmem:s31+$0xA080]  }
0x2b1: {  	v6 =	vld [tilespmem:s31+$0xA090]  }
0x2b2: {  	v7 =	vld [tilespmem:s31+$0xA0A0]  }
0x2b3: {  	v9 =	vld [tilespmem:s31+$0xB080]  }
0x2b4: {  	v59 =	vld [tilespmem:s30+$0xA080]  }
0x2b5: {  	vm0 =	vgt.f32 v4, $5.000000000e-01;
	v4 =	vld [tilespmem:s31+$0xB090]  }
0x2b6: {  	v8 =	vsub.f32 $0.0e+00, v3  }
0x2b7: {  	v10 =	vsub.f32 $0.0e+00, v5;
	v53 =	vsub.f32 $0.0e+00, v6  }
0x2b8: {  	v55 =	vsel vm0, $0x44800000, v0;
	v3 =	vsel vm0, v3, v8;
	v8 =	vld [tilespmem:s31+$0xB0A0];
	vm0 =	vgt.f32 v9, $5.000000000e-01  }
0x2b9: {  	v58 =	vld [tilespmem:s30+$0xB0B0];
	v54 =	vsub.f32 $0.0e+00, v7;
	v3 =	vsub.f32 $1.000000000e+00, v3;
	v5 =	vsel vm0, v5, v10  }
0x2ba: {  	v60 =	vsub.f32 $0.0e+00, v59;
	v5 =	vsub.f32 $1.000000000e+00, v5;
	vm1 =	vgt.f32 v4, $5.000000000e-01  }
0x2bb: {  	v9 =	vadd.f32 $1.023000000e+03, v55;
	v11 =	vmul.f32 $1.280000000e+02, v3;
	v6 =	vsel vm1, v6, v53  }
0x2bc: {  	v10 =	vsel vm1, $0x44800000, v0;
	vm1 =	vgt.f32 v3, $0.0e+00;
	vm5 =	vgt.f32 v5, $0.0e+00  }
0x2bd: {  	v4 =	vadd.f32 v11, v55;
	vm2 =	vgt.f32 v8, $5.000000000e-01;
	v6 =	vsub.f32 $1.000000000e+00, v6  }
0x2be: {  	v8 =	vsel vm0, $0x44800000, v0;
	vm0 =	vgt.f32 v58, $5.000000000e-01;
	v7 =	vsel vm2, v7, v54  }
0x2bf: {  	v3 =	vld [tilespmem:s30+$0xA0B0];
	v57 =	vsel vm2, $0x44800000, v0;
	v4 =	vmin.f32 v4, v9;
	v9 =	vmul.f32 $1.280000000e+02, v5  }
0x2c0: {  	v7 =	vsub.f32 $1.000000000e+00, v7;
	v11 =	vmul.f32 $1.280000000e+02, v6;
	v4 =	vtrunc.f32 v4  }
0x2c1: {  	v13 =	vadd.f32 $1.023000000e+03, v57;
	vm2 =	vgt.f32 v6, $0.0e+00;
	v6 =	vld [tilespmem:s30+$0xB080];
	v4 =	vcvt.f32.s32 v4  }
0x2c2: {  	v56 =	vmul.f32 $1.280000000e+02, v7;
	v9 =	vadd.f32 v9, v8;
	v8 =	vadd.f32 $1.023000000e+03, v8  }
0x2c3: {  	v16 =	vld [tilespmem:s30+$0xA090];
	v11 =	vadd.f32 v11, v10;
	v10 =	vadd.f32 $1.023000000e+03, v10;
	v4 =	vshll.u32 v4, $0x4  }
0x2c4: {  	v8 =	vmin.f32 v9, v8;
	v9 =	vsub.f32 $0.0e+00, v3;
	v15 =	vor.u32 v2, v4  }
0x2c5: {  	v4 =	vadd.f32 v56, v57;
	v5 =	vtrunc.f32 v8;
	v8 =	vmin.f32 v11, v10;
	v10 =	vld [tilespmem:s30+$0xB090]  }
0x2c6: {  	vm6 =	vgt.f32 v6, $5.000000000e-01;
	v8 =	vtrunc.f32 v8;
	v5 =	vcvt.f32.s32 v5  }
0x2c7: {  	v11 =	vld [tilespmem:s30+$0xA0A0];
	v3 =	vsel vm0, v3, v9;
	v4 =	vmin.f32 v4, v13;
	v8 =	vcvt.f32.s32 v8  }
0x2c8: {  	v9 =	vsub.f32 $0.0e+00, v16;
	v3 =	vsub.f32 $1.000000000e+00, v3;
	v4 =	vtrunc.f32 v4  }
0x2c9: {  	v61 =	vld [tilespmem:s30+$0xB0A0];
	v5 =	vshll.u32 v5, $0x4;
	v4 =	vcvt.f32.s32 v4;
	v6 =	vshll.u32 v8, $0x4  }
0x2ca: {  	v62 =	vor.u32 v2, v5;
	vm3 =	vgt.f32 v10, $5.000000000e-01;
	v10 =	vmul.f32 $1.280000000e+02, v3  }
0x2cb: {  	v63 =	vor.u32 v2, v6;
	v6 =	vsel vm0, $0x44800000, v0;
	vm0 =	vgt.f32 v7, $0.0e+00  }
0x2cc: {  	v5 =	vsel vm3, v16, v9;
	v9 =	vsub.f32 $0.0e+00, v11;
	v4 =	vshll.u32 v4, $0x4  }
0x2cd: {  	v10 =	vadd.f32 v10, v6;
	v6 =	vadd.f32 $1.023000000e+03, v6;
	v4 =	vor.u32 v2, v4  }
0x2ce: {  	s29 =	simm.s32 $0x0;
	vm4 =	vgt.f32 v61, $5.000000000e-01;
	v8 =	vsel vm6, v59, v60  }
0x2cf: {  	[tilespmem:v15+s29+$0x0] =	vst.idx.add.f32.msk vm1, v1;
	v7 =	vsub.f32 $1.000000000e+00, v8;
	v8 =	vsel vm4, v11, v9;
	v9 =	vmin.f32 v10, v6  }
0x2d0: {  	v6 =	vsub.f32 $1.000000000e+00, v5;
	v5 =	vsub.f32 $1.000000000e+00, v8;
	[tilespmem:v62+s29+$0x0] =	vst.idx.add.f32.msk vm5, v1;
	v9 =	vtrunc.f32 v9  }
0x2d1: {  	s0 =	simm.s32 $0x4;
	s3 =	simm.s32 $0x400;
	s13 =	simm.s32 $0x80;
	v8 =	vsel vm6, $0x44800000, v0;
	v10 =	vmul.f32 $1.280000000e+02, v7;
	[tilespmem:v63+s29+$0x0] =	vst.idx.add.f32.msk vm2, v1;
	v9 =	vcvt.f32.s32 v9  }
.LBB2_33:
0x2d2: {  	s14 =	sand.u32 $0x40, s13;
	s21 =	sand.u32 $0xC00, s3;
	s0 =	sadd.s32 $0x4, s0;
	v11 =	vsel vm3, $0x44800000, v0;
	v12 =	vmul.f32 $1.280000000e+02, v6;
	v13 =	vmul.f32 $1.280000000e+02, v5;
	[tilespmem:v4+s29+$0x0] =	vst.idx.add.f32.msk vm0, v1  }
0x2d3: {  	v4 =	vsel vm4, $0x44800000, v0;
	vm3 =	vgt.f32 v3, $0.0e+00;
	s14 =	sor.u32 s14, s21;
	p1 =	slt.u32 s0, $0x1C;
	v3 =	vshll.u32 v9, $0x4  }
0x2d4: {  	v10 =	vadd.f32 v10, v8;
	v9 =	vld [tilespmem:s14+$0xA0B0];
	v12 =	vadd.f32 v12, v11;
	v3 =	vor.u32 v2, v3  }
0x2d5: {  	vm2 =	vgt.f32 v7, $0.0e+00;
	v7 =	vadd.f32 $1.023000000e+03, v8;
	v8 =	vadd.f32 v13, v4;
	v14 =	vld [tilespmem:s14+$0xB0B0]  }
0x2d6: {  	vm1 =	vgt.f32 v6, $0.0e+00;
	v6 =	vadd.f32 $1.023000000e+03, v11;
	v4 =	vadd.f32 $1.023000000e+03, v4;
	v13 =	vld [tilespmem:s14+$0xA080]  }
0x2d7: {  	vm0 =	vgt.f32 v5, $0.0e+00;
	v7 =	vmin.f32 v10, v7;
	v11 =	vld [tilespmem:s14+$0xA090]  }
0x2d8: {  	v7 =	vtrunc.f32 v7;
	v6 =	vmin.f32 v12, v6;
	v4 =	vmin.f32 v8, v4;
	v5 =	vld [tilespmem:s14+$0xA0A0]  }
0x2d9: {  	v6 =	vtrunc.f32 v6;
	v4 =	vtrunc.f32 v4;
	v8 =	vsub.f32 $0.0e+00, v9;
	[tilespmem:v3+s29+$0x0] =	vst.idx.add.f32.msk vm3, v1  }
0x2da: {  	v7 =	vcvt.f32.s32 v7;
	v6 =	vcvt.f32.s32 v6;
	v10 =	vld [tilespmem:s14+$0xB080];
	vm3 =	vgt.f32 v14, $5.000000000e-01  }
0x2db: {  	v4 =	vcvt.f32.s32 v4;
	v12 =	vsub.f32 $0.0e+00, v13;
	v14 =	vld [tilespmem:s14+$0xB090];
	v3 =	vsel vm3, v9, v8  }
0x2dc: {  	v7 =	vshll.u32 v7, $0x4;
	v8 =	vsub.f32 $0.0e+00, v11;
	v9 =	vld [tilespmem:s14+$0xB0A0];
	v3 =	vsub.f32 $1.000000000e+00, v3  }
0x2dd: {  	v6 =	vshll.u32 v6, $0x4;
	v4 =	vshll.u32 v4, $0x4;
	v15 =	vsub.f32 $0.0e+00, v5  }
0x2de: {  	v17 =	vor.u32 v2, v7;
	v18 =	vor.u32 v2, v6;
	v16 =	vmul.f32 $1.280000000e+02, v3  }
0x2df: {  	v6 =	vsel vm3, $0x44800000, v0;
	v4 =	vor.u32 v2, v4;
	vm5 =	vgt.f32 v10, $5.000000000e-01  }
.Ltmp23:
0x2e0: {  	vm3 =	vgt.f32 v14, $5.000000000e-01;
	v10 =	vadd.f32 v16, v6;
	v6 =	vadd.f32 $1.023000000e+03, v6;
	(pc) =	sbr.rel @p1 .LBB2_33-.Ltmp23, $4  }
0x2e1: {  	v7 =	vsel vm5, v13, v12;
	v8 =	vsel vm3, v11, v8;
	vm4 =	vgt.f32 v9, $5.000000000e-01  }
0x2e2: {  	v7 =	vsub.f32 $1.000000000e+00, v7;
	v5 =	vsel vm4, v5, v15;
	v9 =	vmin.f32 v10, v6  }
0x2e3: {  	v6 =	vsub.f32 $1.000000000e+00, v8;
	v5 =	vsub.f32 $1.000000000e+00, v5;
	v9 =	vtrunc.f32 v9;
	[tilespmem:v17+s29+$0x0] =	vst.idx.add.f32.msk vm2, v1  }
0x2e4: {  	s3 =	sadd.s32 $0x200, s3;
	s13 =	sadd.s32 $0x40, s13;
	v8 =	vsel vm5, $0x44800000, v0;
	v10 =	vmul.f32 $1.280000000e+02, v7;
	v9 =	vcvt.f32.s32 v9;
	[tilespmem:v18+s29+$0x0] =	vst.idx.add.f32.msk vm1, v1  }
0x2e5: {  	v11 =	vsel vm3, $0x44800000, v0;
	v12 =	vmul.f32 $1.280000000e+02, v6;
	v13 =	vmul.f32 $1.280000000e+02, v5  }
0x2e6: {  	vm1 =	vgt.f32 v3, $0.0e+00;
	v3 =	vadd.f32 v10, v8;
	v8 =	vadd.f32 $1.023000000e+03, v8  }
0x2e7: {  	v10 =	vsel vm4, $0x44800000, v0;
	v12 =	vadd.f32 v12, v11;
	v11 =	vadd.f32 $1.023000000e+03, v11  }
0x2e8: {  	v13 =	vadd.f32 v13, v10;
	v10 =	vadd.f32 $1.023000000e+03, v10;
	v3 =	vmin.f32 v3, v8  }
0x2e9: {  	v8 =	vshll.u32 v9, $0x4;
	v3 =	vtrunc.f32 v3;
	v9 =	vmin.f32 v12, v11  }
0x2ea: {  	v10 =	vmin.f32 v13, v10;
	v9 =	vtrunc.f32 v9;
	v3 =	vcvt.f32.s32 v3  }
0x2eb: {  	vm2 =	vgt.f32 v7, $0.0e+00;
	v10 =	vtrunc.f32 v10;
	v9 =	vcvt.f32.s32 v9  }
0x2ec: {  	v8 =	vor.u32 v2, v8;
	v7 =	vcvt.f32.s32 v10;
	v3 =	vshll.u32 v3, $0x4  }
0x2ed: {  	vm3 =	vgt.f32 v6, $0.0e+00;
	v6 =	vshll.u32 v9, $0x4;
	v3 =	vor.u32 v2, v3  }
0x2ee: {  	vm15 =	vgt.f32 v5, $0.0e+00;
	v5 =	vshll.u32 v7, $0x4;
	v6 =	vor.u32 v2, v6  }
0x2ef: {  	v5 =	vor.u32 v2, v5  }
0x2f0: {  	[tilespmem:v4+s29+$0x0] =	vst.idx.add.f32.msk vm0, v1;
	s30 =	simm.s32 $0x0  }
0x2f1: {  	[tilespmem:v8+s30+$0x0] =	vst.idx.add.f32.msk vm1, v1  }
0x2f2: {  	[tilespmem:v3+s30+$0x0] =	vst.idx.add.f32.msk vm2, v1  }
0x2f3: {  	s0 =	sand.u32 $0x40, s30;
	s3 =	sand.u32 $0xC00, s30;
	[tilespmem:v6+s30+$0x0] =	vst.idx.add.f32.msk vm3, v1  }
0x2f4: {  	s0 =	sor.u32 s0, s3;
	[tilespmem:v5+s30+$0x0] =	vst.idx.add.f32.msk vm15, v1  }
0x2f5: {  	v3 =	vld [tilespmem:s0+$0xA130]  }
0x2f6: {  	v4 =	vld [tilespmem:s0+$0xB130];
	_ =	sdelay $0x1  }
0x2f7: {  	v5 =	vld [tilespmem:s0+$0xA100]  }
0x2f8: {  	v6 =	vld [tilespmem:s0+$0xA110]  }
0x2f9: {  	v7 =	vld [tilespmem:s0+$0xA120];
	v8 =	vsub.f32 $0.0e+00, v3  }
0x2fa: {  	v9 =	vld [tilespmem:s0+$0xB100];
	vm0 =	vgt.f32 v4, $5.000000000e-01  }
0x2fb: {  	v10 =	vld [tilespmem:s0+$0xB110];
	v3 =	vsel vm0, v3, v8  }
0x2fc: {  	v8 =	vld [tilespmem:s0+$0xB120];
	v4 =	vsub.f32 $1.000000000e+00, v3;
	_ =	sdelay $0x1  }
0x2fd: {  	v11 =	vsub.f32 $0.0e+00, v6;
	v63 =	vsub.f32 $0.0e+00, v7;
	v62 =	vmul.f32 $1.280000000e+02, v4  }
0x2fe: {  	p2 =	por $0x1, $0x1;
	vm3 =	vgt.f32 v9, $5.000000000e-01;
	v9 =	vsel vm0, $0x44800000, v0;
	v3 =	vsub.f32 $0.0e+00, v5  }
.Ltmp24:
0x2ff: {  	vm1 =	vgt.f32 v10, $5.000000000e-01;
	v10 =	vadd.f32 v62, v9;
	v9 =	vadd.f32 $1.023000000e+03, v9;
	(pc) =	sbr.rel @!p2 .LBB2_35-.Ltmp24, $4  }
0x300: {  	v6 =	vsel vm1, v6, v11;
	v3 =	vsel vm3, v5, v3;
	vm2 =	vgt.f32 v8, $5.000000000e-01  }
0x301: {  	v5 =	vsub.f32 $1.000000000e+00, v3;
	v3 =	vsel vm2, v7, v63;
	v7 =	vmin.f32 v10, v9  }
0x302: {  	v6 =	vsub.f32 $1.000000000e+00, v6;
	v8 =	vsel vm3, $0x44800000, v0;
	v7 =	vtrunc.f32 v7  }
0x303: {  	s31 =	simm.s32 $0x200;
	s29 =	simm.s32 $0x40;
	p1 =	por $0x0, $0x0;
	v3 =	vsub.f32 $1.000000000e+00, v3;
	v10 =	vmul.f32 $1.280000000e+02, v5;
	v9 =	vcvt.f32.s32 v7  }
0x304: {  	s0 =	sand.u32 $0x40, s29;
	s3 =	sand.u32 $0xC00, s31  }
0x305: {  	v7 =	vsel vm1, $0x44800000, v0;
	v11 =	vmul.f32 $1.280000000e+02, v6;
	s0 =	sor.u32 s0, s3  }
0x306: {  	v13 =	vsel vm2, $0x44800000, v0;
	vm3 =	vgt.f32 v4, $0.0e+00;
	vm5 =	vgt.f32 v5, $0.0e+00;
	v4 =	vld [tilespmem:s0+$0xA130]  }
0x307: {  	v12 =	vmul.f32 $1.280000000e+02, v3;
	v10 =	vadd.f32 v10, v8;
	v8 =	vadd.f32 $1.023000000e+03, v8;
	v14 =	vld [tilespmem:s0+$0xB130]  }
0x308: {  	vm4 =	vgt.f32 v6, $0.0e+00;
	v11 =	vadd.f32 v11, v7;
	v15 =	vld [tilespmem:s0+$0xA100];
	v7 =	vadd.f32 $1.023000000e+03, v7  }
0x309: {  	v9 =	vshll.u32 v9, $0x4;
	v6 =	vld [tilespmem:s0+$0xB100];
	v12 =	vadd.f32 v12, v13;
	v13 =	vadd.f32 $1.023000000e+03, v13  }
0x30a: {  	v9 =	vor.u32 v2, v9;
	v58 =	vld [tilespmem:s0+$0xA120];
	v8 =	vmin.f32 v10, v8;
	v7 =	vmin.f32 v11, v7  }
0x30b: {  	v60 =	vld [tilespmem:s0+$0xB120];
	v5 =	vtrunc.f32 v8;
	v8 =	vmin.f32 v12, v13;
	v7 =	vtrunc.f32 v7  }
0x30c: {  	v16 =	vld [tilespmem:s0+$0xA110];
	v5 =	vcvt.f32.s32 v5;
	v8 =	vtrunc.f32 v8;
	v10 =	vsub.f32 $0.0e+00, v4  }
0x30d: {  	v7 =	vcvt.f32.s32 v7;
	vm0 =	vgt.f32 v14, $5.000000000e-01;
	v59 =	vsub.f32 $0.0e+00, v15  }
0x30e: {  	v8 =	vcvt.f32.s32 v8;
	v5 =	vshll.u32 v5, $0x4;
	v4 =	vsel vm0, v4, v10  }
0x30f: {  	v11 =	vld [tilespmem:s0+$0xB110];
	vm6 =	vgt.f32 v6, $5.000000000e-01;
	v62 =	vsub.f32 $0.0e+00, v58;
	v4 =	vsub.f32 $1.000000000e+00, v4  }
0x310: {  	vm2 =	vgt.f32 v60, $5.000000000e-01;
	v6 =	vshll.u32 v7, $0x4;
	v61 =	vor.u32 v2, v5  }
0x311: {  	v5 =	vsel vm0, $0x44800000, v0;
	v10 =	vsub.f32 $0.0e+00, v16;
	v7 =	vmul.f32 $1.280000000e+02, v4  }
0x312: {  	p4 =	por $0x1, $0x1;
	v63 =	vor.u32 v2, v6;
	v6 =	vshll.u32 v8, $0x4;
	vm0 =	vgt.f32 v3, $0.0e+00  }
.Ltmp25:
0x313: {  	v17 =	vadd.f32 $1.023000000e+03, v5;
	v8 =	vadd.f32 v7, v5;
	v7 =	vor.u32 v2, v6;
	(pc) =	sbr.rel @!p4 .LBB2_38-.Ltmp25, $4  }
0x314: {  	vm1 =	vgt.f32 v11, $5.000000000e-01;
	v11 =	vsel vm6, v15, v59;
	v3 =	vsel vm2, v58, v62  }
0x315: {  	[tilespmem:v9+s30+$0x0] =	vst.idx.add.f32.msk vm3, v1;
	v10 =	vsel vm1, v16, v10;
	v5 =	vsub.f32 $1.000000000e+00, v11;
	v8 =	vmin.f32 v8, v17  }
0x316: {  	s13 =	simm.s32 $0x80;
	v3 =	vsub.f32 $1.000000000e+00, v3;
	[tilespmem:v61+s30+$0x0] =	vst.idx.add.f32.msk vm5, v1;
	v6 =	vsub.f32 $1.000000000e+00, v10;
	v9 =	vtrunc.f32 v8  }
0x317: {  	p3 =	por $0x1, $0x1;
	s3 =	simm.s32 $0x400;
	s0 =	simm.s32 $0x4;
	[tilespmem:v63+s30+$0x0] =	vst.idx.add.f32.msk vm4, v1;
	v10 =	vmul.f32 $1.280000000e+02, v5;
	v8 =	vsel vm6, $0x44800000, v0;
	v9 =	vcvt.f32.s32 v9  }
.LBB2_37:
0x318: {  	s14 =	sand.u32 $0x40, s13;
	s21 =	sand.u32 $0xC00, s3;
	s0 =	sadd.s32 $0x4, s0;
	v11 =	vsel vm1, $0x44800000, v0;
	v12 =	vmul.f32 $1.280000000e+02, v6;
	v13 =	vmul.f32 $1.280000000e+02, v3;
	[tilespmem:v7+s30+$0x0] =	vst.idx.add.f32.msk vm0, v1  }
0x319: {  	v7 =	vsel vm2, $0x44800000, v0;
	vm1 =	vgt.f32 v4, $0.0e+00;
	s14 =	sor.u32 s14, s21;
	p4 =	slt.u32 s0, $0x1C;
	v4 =	vshll.u32 v9, $0x4  }
0x31a: {  	v10 =	vadd.f32 v10, v8;
	v9 =	vld [tilespmem:s14+$0xA130];
	v12 =	vadd.f32 v12, v11;
	v4 =	vor.u32 v2, v4  }
0x31b: {  	vm4 =	vgt.f32 v5, $0.0e+00;
	v5 =	vadd.f32 $1.023000000e+03, v8;
	v8 =	vadd.f32 v13, v7;
	v14 =	vld [tilespmem:s14+$0xB130]  }
0x31c: {  	vm3 =	vgt.f32 v6, $0.0e+00;
	v6 =	vadd.f32 $1.023000000e+03, v11;
	v7 =	vadd.f32 $1.023000000e+03, v7;
	v13 =	vld [tilespmem:s14+$0xA100]  }
0x31d: {  	vm0 =	vgt.f32 v3, $0.0e+00;
	v5 =	vmin.f32 v10, v5;
	v11 =	vld [tilespmem:s14+$0xA110]  }
0x31e: {  	v5 =	vtrunc.f32 v5;
	v6 =	vmin.f32 v12, v6;
	v7 =	vmin.f32 v8, v7;
	v3 =	vld [tilespmem:s14+$0xA120]  }
0x31f: {  	v6 =	vtrunc.f32 v6;
	v7 =	vtrunc.f32 v7;
	v8 =	vsub.f32 $0.0e+00, v9;
	[tilespmem:v4+s30+$0x0] =	vst.idx.add.f32.msk vm1, v1  }
0x320: {  	v5 =	vcvt.f32.s32 v5;
	v6 =	vcvt.f32.s32 v6;
	v10 =	vld [tilespmem:s14+$0xB100];
	vm1 =	vgt.f32 v14, $5.000000000e-01  }
0x321: {  	v7 =	vcvt.f32.s32 v7;
	v12 =	vsub.f32 $0.0e+00, v13;
	v14 =	vld [tilespmem:s14+$0xB110];
	v4 =	vsel vm1, v9, v8  }
0x322: {  	v5 =	vshll.u32 v5, $0x4;
	v8 =	vsub.f32 $0.0e+00, v11;
	v9 =	vld [tilespmem:s14+$0xB120];
	v4 =	vsub.f32 $1.000000000e+00, v4  }
0x323: {  	v6 =	vshll.u32 v6, $0x4;
	v7 =	vshll.u32 v7, $0x4;
	v15 =	vsub.f32 $0.0e+00, v3  }
0x324: {  	v17 =	vor.u32 v2, v5;
	v18 =	vor.u32 v2, v6;
	v16 =	vmul.f32 $1.280000000e+02, v4  }
0x325: {  	v5 =	vsel vm1, $0x44800000, v0;
	v7 =	vor.u32 v2, v7;
	vm5 =	vgt.f32 v10, $5.000000000e-01  }
.Ltmp26:
0x326: {  	v10 =	vadd.f32 $1.023000000e+03, v5;
	vm1 =	vgt.f32 v14, $5.000000000e-01;
	v6 =	vadd.f32 v16, v5;
	(pc) =	sbr.rel @p4 .LBB2_37-.Ltmp26, $4  }
0x327: {  	v5 =	vsel vm5, v13, v12;
	v8 =	vsel vm1, v11, v8;
	vm2 =	vgt.f32 v9, $5.000000000e-01  }
0x328: {  	v5 =	vsub.f32 $1.000000000e+00, v5;
	v3 =	vsel vm2, v3, v15;
	v9 =	vmin.f32 v6, v10  }
0x329: {  	v6 =	vsub.f32 $1.000000000e+00, v8;
	v3 =	vsub.f32 $1.000000000e+00, v3;
	v9 =	vtrunc.f32 v9;
	[tilespmem:v17+s30+$0x0] =	vst.idx.add.f32.msk vm4, v1  }
0x32a: {  	s3 =	sadd.s32 $0x200, s3;
	s13 =	sadd.s32 $0x40, s13;
	v8 =	vsel vm5, $0x44800000, v0;
	v10 =	vmul.f32 $1.280000000e+02, v5;
	v9 =	vcvt.f32.s32 v9;
	[tilespmem:v18+s30+$0x0] =	vst.idx.add.f32.msk vm3, v1  }
.LBB2_38:
0x32b: {  	v11 =	vsel vm1, $0x44800000, v0;
	v12 =	vmul.f32 $1.280000000e+02, v6;
	v13 =	vmul.f32 $1.280000000e+02, v3  }
0x32c: {  	vm1 =	vgt.f32 v4, $0.0e+00;
	v4 =	vadd.f32 v10, v8;
	v8 =	vadd.f32 $1.023000000e+03, v8  }
0x32d: {  	v10 =	vsel vm2, $0x44800000, v0;
	v12 =	vadd.f32 v12, v11;
	v11 =	vadd.f32 $1.023000000e+03, v11  }
0x32e: {  	v13 =	vadd.f32 v13, v10;
	v10 =	vadd.f32 $1.023000000e+03, v10;
	v4 =	vmin.f32 v4, v8  }
0x32f: {  	v8 =	vshll.u32 v9, $0x4;
	v4 =	vtrunc.f32 v4;
	v9 =	vmin.f32 v12, v11  }
0x330: {  	v10 =	vmin.f32 v13, v10;
	v9 =	vtrunc.f32 v9;
	v4 =	vcvt.f32.s32 v4  }
0x331: {  	vm2 =	vgt.f32 v5, $0.0e+00;
	v10 =	vtrunc.f32 v10;
	v9 =	vcvt.f32.s32 v9  }
0x332: {  	v8 =	vor.u32 v2, v8;
	v5 =	vcvt.f32.s32 v10;
	v4 =	vshll.u32 v4, $0x4  }
0x333: {  	vm3 =	vgt.f32 v6, $0.0e+00;
	v6 =	vshll.u32 v9, $0x4;
	v4 =	vor.u32 v2, v4  }
0x334: {  	vm4 =	vgt.f32 v3, $0.0e+00;
	v3 =	vshll.u32 v5, $0x4;
	v5 =	vor.u32 v2, v6  }
0x335: {  	v3 =	vor.u32 v2, v3  }
0x336: {  	[tilespmem:v7+s30+$0x0] =	vst.idx.add.f32.msk @p3 vm0, v1  }
0x337: {  	[tilespmem:v8+s30+$0x0] =	vst.idx.add.f32.msk vm1, v1  }
0x338: {  	s0 =	sand.u32 $0xFFFFFC00, s30;
	[tilespmem:v4+s30+$0x0] =	vst.idx.add.f32.msk vm2, v1  }
0x339: {  	s0 =	sadd.s32 $0x0, s0;
	[tilespmem:v5+s30+$0x0] =	vst.idx.add.f32.msk vm3, v1  }
0x33a: {  	s3 =	sor.u32 $0x1B0, s0;
	[tilespmem:v3+s30+$0x0] =	vst.idx.add.f32.msk vm4, v1  }
0x33b: {  	v3 =	vld [tilespmem:s3+$0xA000]  }
0x33c: {  	v4 =	vld [tilespmem:s3+$0xB000]  }
0x33d: {  	s30 =	sor.u32 $0x180, s0  }
0x33e: {  	s13 =	sor.u32 $0x190, s0;
	v5 =	vld [tilespmem:s30+$0xA000]  }
0x33f: {  	s0 =	sor.u32 $0x1A0, s0;
	v6 =	vld [tilespmem:s13+$0xA000]  }
0x340: {  	v7 =	vld [tilespmem:s0+$0xA000];
	v8 =	vsub.f32 $0.0e+00, v3  }
0x341: {  	v9 =	vld [tilespmem:s30+$0xB000];
	vm0 =	vgt.f32 v4, $5.000000000e-01  }
0x342: {  	v4 =	vld [tilespmem:s13+$0xB000];
	v3 =	vsel vm0, v3, v8  }
0x343: {  	v8 =	vld [tilespmem:s0+$0xB000];
	v3 =	vsub.f32 $1.000000000e+00, v3;
	_ =	sdelay $0x1  }
0x344: {  	v10 =	vsub.f32 $0.0e+00, v5;
	v11 =	vsub.f32 $0.0e+00, v6;
	v62 =	vmul.f32 $1.280000000e+02, v3  }
.Ltmp27:
0x345: {  	v63 =	vsub.f32 $0.0e+00, v7;
	vm4 =	vgt.f32 v9, $5.000000000e-01;
	v9 =	vsel vm0, $0x44800000, v0;
	(pc) =	sbr.rel @!p2 .LBB2_39-.Ltmp27, $4  }
0x346: {  	vm2 =	vgt.f32 v4, $5.000000000e-01;
	v4 =	vadd.f32 v62, v9;
	v9 =	vadd.f32 $1.023000000e+03, v9  }
0x347: {  	v5 =	vsel vm4, v5, v10;
	v10 =	vsel vm2, v6, v11;
	vm3 =	vgt.f32 v8, $5.000000000e-01  }
0x348: {  	v6 =	vsub.f32 $1.000000000e+00, v5;
	v7 =	vsel vm3, v7, v63;
	v8 =	vmin.f32 v4, v9  }
0x349: {  	v5 =	vsub.f32 $1.000000000e+00, v10;
	v4 =	vsub.f32 $1.000000000e+00, v7;
	v9 =	vtrunc.f32 v8  }
0x34a: {  	s0 =	sand.u32 $0xFFFFFC00, s31;
	v7 =	vsel vm4, $0x44800000, v0  }
0x34b: {  	v8 =	vmul.f32 $1.280000000e+02, v6;
	v9 =	vcvt.f32.s32 v9;
	v10 =	vsel vm2, $0x44800000, v0;
	s0 =	sadd.s32 $0x40, s0  }
0x34c: {  	v13 =	vsel vm3, $0x44800000, v0;
	vm5 =	vgt.f32 v3, $0.0e+00;
	vm6 =	vgt.f32 v6, $0.0e+00;
	s3 =	sor.u32 $0x1B0, s0  }
0x34d: {  	v11 =	vmul.f32 $1.280000000e+02, v5;
	v12 =	vmul.f32 $1.280000000e+02, v4;
	v6 =	vadd.f32 $1.023000000e+03, v10;
	v3 =	vld [tilespmem:s3+$0xA000]  }
0x34e: {  	vm0 =	vgt.f32 v5, $0.0e+00;
	s13 =	sor.u32 $0x180, s0;
	v8 =	vadd.f32 v8, v7;
	v7 =	vadd.f32 $1.023000000e+03, v7;
	v14 =	vld [tilespmem:s3+$0xB000]  }
0x34f: {  	vm1 =	vgt.f32 v4, $0.0e+00;
	v9 =	vshll.u32 v9, $0x4;
	v11 =	vadd.f32 v11, v10;
	v15 =	vld [tilespmem:s13+$0xA000]  }
0x350: {  	s21 =	sor.u32 $0x190, s0;
	v12 =	vadd.f32 v12, v13;
	v10 =	vadd.f32 $1.023000000e+03, v13;
	v4 =	vld [tilespmem:s13+$0xB000];
	v5 =	vmin.f32 v8, v7  }
0x351: {  	v9 =	vor.u32 v2, v9;
	v8 =	vld [tilespmem:s21+$0xB000];
	v5 =	vtrunc.f32 v5  }
0x352: {  	v6 =	vmin.f32 v11, v6;
	v7 =	vmin.f32 v12, v10;
	v10 =	vsub.f32 $0.0e+00, v3  }
0x353: {  	v58 =	vld [tilespmem:s21+$0xA000];
	v6 =	vtrunc.f32 v6;
	v7 =	vtrunc.f32 v7;
	vm3 =	vgt.f32 v14, $5.000000000e-01  }
0x354: {  	s0 =	sor.u32 $0x1A0, s0;
	v5 =	vcvt.f32.s32 v5;
	v6 =	vcvt.f32.s32 v6;
	v3 =	vsel vm3, v3, v10  }
0x355: {  	v11 =	vld [tilespmem:s0+$0xA000];
	v7 =	vcvt.f32.s32 v7;
	v59 =	vsub.f32 $0.0e+00, v15;
	v3 =	vsub.f32 $1.000000000e+00, v3  }
0x356: {  	v60 =	vld [tilespmem:s0+$0xB000];
	vm4 =	vgt.f32 v4, $5.000000000e-01;
	v4 =	vshll.u32 v5, $0x4;
	vm2 =	vgt.f32 v8, $5.000000000e-01  }
0x357: {  	v61 =	vor.u32 v2, v4;
	v6 =	vshll.u32 v6, $0x4;
	v8 =	vmul.f32 $1.280000000e+02, v3  }
0x358: {  	p2 =	por $0x1, $0x1;
	v62 =	vsel vm3, $0x44800000, v0;
	v7 =	vshll.u32 v7, $0x4;
	v10 =	vsub.f32 $0.0e+00, v58  }
.Ltmp28:
0x359: {  	v13 =	vadd.f32 $1.023000000e+03, v62;
	v63 =	vadd.f32 v8, v62;
	v8 =	vor.u32 v2, v6;
	(pc) =	sbr.rel @!p2 .LBB2_42-.Ltmp28, $4  }
0x35a: {  	v7 =	vor.u32 v2, v7;
	v4 =	vsel vm2, v58, v10;
	v10 =	vsub.f32 $0.0e+00, v11  }
0x35b: {  	s30 =	simm.s32 $0x0;
	v5 =	vsel vm4, v15, v59;
	vm3 =	vgt.f32 v60, $5.000000000e-01  }
0x35c: {  	[tilespmem:v9+s30+$0x0] =	vst.idx.add.f32.msk vm5, v1;
	v9 =	vsel vm3, v11, v10;
	v6 =	vsub.f32 $1.000000000e+00, v5;
	v10 =	vmin.f32 v63, v13  }
0x35d: {  	s31 =	simm.s32 $0x400;
	p1 =	por $0x1, $0x1;
	s0 =	simm.s32 $0x4;
	[tilespmem:v61+s30+$0x0] =	vst.idx.add.f32.msk vm6, v1;
	v5 =	vsub.f32 $1.000000000e+00, v4;
	v4 =	vsub.f32 $1.000000000e+00, v9;
	v9 =	vtrunc.f32 v10  }
.LBB2_41:
0x35e: {  	s3 =	sand.u32 $0xFFFFFC00, s31;
	s0 =	sadd.s32 $0x4, s0;
	v10 =	vsel vm4, $0x44800000, v0;
	v11 =	vmul.f32 $1.280000000e+02, v6;
	v9 =	vcvt.f32.s32 v9;
	s29 =	sadd.s32 $0x40, s29;
	[tilespmem:v8+s30+$0x0] =	vst.idx.add.f32.msk vm0, v1  }
0x35f: {  	v8 =	vsel vm2, $0x44800000, v0;
	s3 =	sadd.s32 s3, s29;
	p2 =	slt.u32 s0, $0x1C;
	v12 =	vmul.f32 $1.280000000e+02, v5;
	v13 =	vmul.f32 $1.280000000e+02, v4;
	[tilespmem:v7+s30+$0x0] =	vst.idx.add.f32.msk vm1, v1  }
0x360: {  	vm2 =	vgt.f32 v3, $0.0e+00;
	v7 =	vsel vm3, $0x44800000, v0;
	s13 =	sor.u32 $0x180, s3;
	s14 =	sor.u32 $0x190, s3;
	s21 =	sor.u32 $0x1B0, s3;
	v3 =	vshll.u32 v9, $0x4  }
0x361: {  	s3 =	sor.u32 $0x1A0, s3;
	v11 =	vadd.f32 v11, v10;
	v9 =	vld [tilespmem:s21+$0xA000];
	v12 =	vadd.f32 v12, v8;
	v3 =	vor.u32 v2, v3  }
0x362: {  	vm5 =	vgt.f32 v6, $0.0e+00;
	v6 =	vadd.f32 $1.023000000e+03, v10;
	v10 =	vadd.f32 v13, v7;
	v14 =	vld [tilespmem:s21+$0xB000]  }
0x363: {  	vm0 =	vgt.f32 v5, $0.0e+00;
	v5 =	vadd.f32 $1.023000000e+03, v8;
	v7 =	vadd.f32 $1.023000000e+03, v7;
	v13 =	vld [tilespmem:s13+$0xA000]  }
0x364: {  	vm1 =	vgt.f32 v4, $0.0e+00;
	v6 =	vmin.f32 v11, v6;
	v15 =	vld [tilespmem:s14+$0xA000]  }
0x365: {  	v6 =	vtrunc.f32 v6;
	v5 =	vmin.f32 v12, v5;
	v7 =	vmin.f32 v10, v7;
	v4 =	vld [tilespmem:s3+$0xA000]  }
0x366: {  	v5 =	vtrunc.f32 v5;
	v7 =	vtrunc.f32 v7;
	v8 =	vsub.f32 $0.0e+00, v9;
	[tilespmem:v3+s30+$0x0] =	vst.idx.add.f32.msk vm2, v1  }
0x367: {  	v6 =	vcvt.f32.s32 v6;
	v5 =	vcvt.f32.s32 v5;
	v10 =	vld [tilespmem:s13+$0xB000];
	vm2 =	vgt.f32 v14, $5.000000000e-01  }
0x368: {  	v7 =	vcvt.f32.s32 v7;
	v11 =	vsub.f32 $0.0e+00, v13;
	v12 =	vld [tilespmem:s14+$0xB000];
	v3 =	vsel vm2, v9, v8  }
0x369: {  	v6 =	vshll.u32 v6, $0x4;
	v9 =	vsub.f32 $0.0e+00, v15;
	v14 =	vld [tilespmem:s3+$0xB000];
	v3 =	vsub.f32 $1.000000000e+00, v3  }
0x36a: {  	v5 =	vshll.u32 v5, $0x4;
	v7 =	vshll.u32 v7, $0x4;
	v16 =	vsub.f32 $0.0e+00, v4  }
0x36b: {  	v18 =	vor.u32 v2, v6;
	v8 =	vor.u32 v2, v5;
	v17 =	vmul.f32 $1.280000000e+02, v3  }
.Ltmp29:
0x36c: {  	v5 =	vsel vm2, $0x44800000, v0;
	v7 =	vor.u32 v2, v7;
	vm4 =	vgt.f32 v10, $5.000000000e-01;
	(pc) =	sbr.rel @p2 .LBB2_41-.Ltmp29, $4  }
0x36d: {  	vm2 =	vgt.f32 v12, $5.000000000e-01;
	v10 =	vadd.f32 v17, v5;
	v5 =	vadd.f32 $1.023000000e+03, v5  }
0x36e: {  	v6 =	vsel vm4, v13, v11;
	v9 =	vsel vm2, v15, v9;
	vm3 =	vgt.f32 v14, $5.000000000e-01  }
0x36f: {  	v6 =	vsub.f32 $1.000000000e+00, v6;
	v4 =	vsel vm3, v4, v16;
	v10 =	vmin.f32 v10, v5  }
0x370: {  	s31 =	sadd.s32 $0x200, s31;
	v5 =	vsub.f32 $1.000000000e+00, v9;
	v4 =	vsub.f32 $1.000000000e+00, v4;
	v9 =	vtrunc.f32 v10;
	[tilespmem:v18+s30+$0x0] =	vst.idx.add.f32.msk vm5, v1  }
.LBB2_42:
0x371: {  	v10 =	vmul.f32 $1.280000000e+02, v6  }
0x372: {  	v11 =	vsel vm4, $0x44800000, v0;
	v12 =	vmul.f32 $1.280000000e+02, v5  }
0x373: {  	v13 =	vsel vm2, $0x44800000, v0;
	v10 =	vadd.f32 v10, v11;
	v11 =	vadd.f32 $1.023000000e+03, v11  }
0x374: {  	v9 =	vcvt.f32.s32 v9;
	v14 =	vmul.f32 $1.280000000e+02, v4;
	v12 =	vadd.f32 v12, v13  }
0x375: {  	v13 =	vadd.f32 $1.023000000e+03, v13;
	v10 =	vmin.f32 v10, v11;
	v11 =	vsel vm3, $0x44800000, v0  }
0x376: {  	vm2 =	vgt.f32 v3, $0.0e+00;
	v61 =	vadd.f32 v14, v11;
	v11 =	vadd.f32 $1.023000000e+03, v11  }
0x377: {  	v3 =	vshll.u32 v9, $0x4;
	v12 =	vmin.f32 v12, v13;
	v9 =	vtrunc.f32 v10  }
0x378: {  	v9 =	vcvt.f32.s32 v9;
	v10 =	vmin.f32 v61, v11;
	v11 =	vtrunc.f32 v12  }
0x379: {  	v3 =	vor.u32 v2, v3;
	v10 =	vtrunc.f32 v10;
	v11 =	vcvt.f32.s32 v11  }
0x37a: {  	vm3 =	vgt.f32 v6, $0.0e+00;
	v9 =	vshll.u32 v9, $0x4;
	v6 =	vcvt.f32.s32 v10  }
0x37b: {  	vm4 =	vgt.f32 v5, $0.0e+00;
	v9 =	vor.u32 v2, v9;
	v5 =	vshll.u32 v11, $0x4  }
0x37c: {  	vm5 =	vgt.f32 v4, $0.0e+00;
	v4 =	vshll.u32 v6, $0x4;
	v5 =	vor.u32 v2, v5  }
0x37d: {  	[tilespmem:v8+s30+$0x0] =	vst.idx.add.f32.msk @p1 vm0, v1;
	v4 =	vor.u32 v2, v4  }
0x37e: {  	[tilespmem:v7+s30+$0x0] =	vst.idx.add.f32.msk @p1 vm1, v1;
	s29 =	simm.s32 $0x0;
	p1 =	por $0x0, $0x0;
	s0 =	simm.s32 $0x1  }
0x37f: {  	s0 =	simm.s32 @!p1 $0x0;
	[tilespmem:v3+s29+$0x0] =	vst.idx.add.f32.msk vm2, v1  }
0x380: {  	s0 =	sshll.u32 s0, $0x6;
	[tilespmem:v9+s29+$0x0] =	vst.idx.add.f32.msk vm3, v1  }
0x381: {  	s30 =	sadd.s32 $0x0, s0;
	[tilespmem:v5+s29+$0x0] =	vst.idx.add.f32.msk vm4, v1  }
0x382: {  	s0 =	sor.u32 $0x230, s30;
	[tilespmem:v4+s29+$0x0] =	vst.idx.add.f32.msk vm5, v1  }
0x383: {  	v3 =	vld [tilespmem:s0+$0xA000]  }
0x384: {  	v4 =	vld [tilespmem:s0+$0xB000]  }
0x385: {  	s31 =	sor.u32 $0x200, s30  }
0x386: {  	s3 =	sor.u32 $0x210, s30;
	v5 =	vld [tilespmem:s31+$0xA000]  }
0x387: {  	s13 =	sor.u32 $0x220, s30;
	v6 =	vld [tilespmem:s3+$0xA000]  }
0x388: {  	v7 =	vld [tilespmem:s13+$0xA000];
	v8 =	vsub.f32 $0.0e+00, v3  }
0x389: {  	v9 =	vld [tilespmem:s31+$0xB000];
	vm0 =	vgt.f32 v4, $5.000000000e-01  }
0x38a: {  	v10 =	vld [tilespmem:s13+$0xB000];
	v3 =	vsel vm0, v3, v8  }
0x38b: {  	v4 =	vld [tilespmem:s3+$0xB000];
	v3 =	vsub.f32 $1.000000000e+00, v3  }
0x38c: {  	p3 =	por $0x1, $0x1  }
.Ltmp30:
0x38d: {  	v11 =	vsub.f32 $0.0e+00, v6;
	v63 =	vsub.f32 $0.0e+00, v7;
	v62 =	vmul.f32 $1.280000000e+02, v3;
	(pc) =	sbr.rel @!p3 .LBB2_43-.Ltmp30, $4  }
0x38e: {  	vm4 =	vgt.f32 v9, $5.000000000e-01;
	v9 =	vsel vm0, $0x44800000, v0;
	v8 =	vsub.f32 $0.0e+00, v5  }
0x38f: {  	vm5 =	vgt.f32 v10, $5.000000000e-01;
	v12 =	vadd.f32 v62, v9;
	v9 =	vadd.f32 $1.023000000e+03, v9  }
0x390: {  	v10 =	vsel vm5, v7, v63;
	vm3 =	vgt.f32 v4, $5.000000000e-01;
	v4 =	vsel vm4, v5, v8  }
0x391: {  	p2 =	por !p1, !p1;
	v8 =	vsel vm3, v6, v11;
	v4 =	vsub.f32 $1.000000000e+00, v4;
	v9 =	vmin.f32 v12, v9  }
0x392: {  	s0 =	simm.s32 $0x1  }
0x393: {  	s0 =	simm.s32 @!p2 $0x0  }
0x394: {  	v5 =	vsub.f32 $1.000000000e+00, v8;
	v6 =	vsub.f32 $1.000000000e+00, v10;
	v7 =	vtrunc.f32 v9;
	s0 =	sshll.u32 s0, $0x6  }
0x395: {  	v8 =	vsel vm4, $0x44800000, v0;
	v10 =	vsel vm3, $0x44800000, v0;
	v13 =	vsel vm5, $0x44800000, v0;
	s0 =	sadd.s32 $0x200, s0  }
0x396: {  	vm6 =	vgt.f32 v3, $0.0e+00;
	v9 =	vmul.f32 $1.280000000e+02, v4;
	v7 =	vcvt.f32.s32 v7;
	s3 =	sor.u32 $0x230, s0  }
0x397: {  	vm1 =	vgt.f32 v4, $0.0e+00;
	v4 =	vadd.f32 $1.023000000e+03, v10;
	v11 =	vmul.f32 $1.280000000e+02, v5;
	v3 =	vld [tilespmem:s3+$0xA000]  }
0x398: {  	v12 =	vmul.f32 $1.280000000e+02, v6;
	v7 =	vshll.u32 v7, $0x4;
	v9 =	vadd.f32 v9, v8;
	s13 =	sor.u32 $0x200, s0;
	v14 =	vld [tilespmem:s3+$0xB000]  }
0x399: {  	v11 =	vadd.f32 v11, v10;
	s21 =	sor.u32 $0x210, s0;
	v15 =	vor.u32 v2, v7;
	v7 =	vadd.f32 $1.023000000e+03, v8;
	v59 =	vld [tilespmem:s13+$0xA000]  }
0x39a: {  	v8 =	vadd.f32 v12, v13;
	v10 =	vadd.f32 $1.023000000e+03, v13;
	v60 =	vld [tilespmem:s21+$0xA000]  }
0x39b: {  	vm0 =	vgt.f32 v5, $0.0e+00;
	vm2 =	vgt.f32 v6, $0.0e+00;
	v6 =	vld [tilespmem:s13+$0xB000];
	v5 =	vmin.f32 v9, v7  }
0x39c: {  	s0 =	sor.u32 $0x220, s0;
	v4 =	vmin.f32 v11, v4;
	v7 =	vmin.f32 v8, v10;
	v8 =	vld [tilespmem:s21+$0xB000];
	v5 =	vtrunc.f32 v5  }
0x39d: {  	v9 =	vld [tilespmem:s0+$0xA000];
	v4 =	vtrunc.f32 v4;
	v7 =	vtrunc.f32 v7;
	v10 =	vsub.f32 $0.0e+00, v3  }
0x39e: {  	v5 =	vcvt.f32.s32 v5;
	v4 =	vcvt.f32.s32 v4;
	vm5 =	vgt.f32 v14, $5.000000000e-01  }
0x39f: {  	v7 =	vcvt.f32.s32 v7;
	v11 =	vsub.f32 $0.0e+00, v59;
	v3 =	vsel vm5, v3, v10  }
0x3a0: {  	v61 =	vld [tilespmem:s0+$0xB000];
	vm4 =	vgt.f32 v6, $5.000000000e-01;
	v5 =	vshll.u32 v5, $0x4;
	v3 =	vsub.f32 $1.000000000e+00, v3  }
0x3a1: {  	p6 =	por $0x1, $0x1;
	v4 =	vshll.u32 v4, $0x4;
	vm3 =	vgt.f32 v8, $5.000000000e-01;
	v10 =	vsub.f32 $0.0e+00, v60  }
.Ltmp31:
0x3a2: {  	v62 =	vsub.f32 $0.0e+00, v9;
	v63 =	vsel vm5, $0x44800000, v0;
	v6 =	vmul.f32 $1.280000000e+02, v3;
	(pc) =	sbr.rel @!p6 .LBB2_46-.Ltmp31, $4  }
0x3a3: {  	v8 =	vsel vm3, v60, v10;
	v10 =	vshll.u32 v7, $0x4;
	v7 =	vor.u32 v2, v5  }
0x3a4: {  	v13 =	vadd.f32 $1.023000000e+03, v63;
	v16 =	vadd.f32 v6, v63;
	v6 =	vor.u32 v2, v4  }
0x3a5: {  	s31 =	simm.s32 $0x4;
	v11 =	vsel vm4, v59, v11;
	vm5 =	vgt.f32 v61, $5.000000000e-01;
	v5 =	vor.u32 v2, v10  }
0x3a6: {  	p5 =	por !p2, !p2;
	p4 =	por $0x1, $0x1;
	s0 =	simm.s32 $0x200;
	[tilespmem:v15+s29+$0x0] =	vst.idx.add.f32.msk vm6, v1;
	v10 =	vsel vm5, v9, v62;
	v4 =	vsub.f32 $1.000000000e+00, v11;
	v9 =	vmin.f32 v16, v13  }
.LBB2_45:
0x3a7: {  	s3 =	simm.s32 $0x1  }
0x3a8: {  	s31 =	sadd.s32 $0x4, s31;
	v8 =	vsub.f32 $1.000000000e+00, v8;
	v10 =	vsub.f32 $1.000000000e+00, v10;
	v9 =	vtrunc.f32 v9;
	[tilespmem:v7+s29+$0x0] =	vst.idx.add.f32.msk vm1, v1;
	s3 =	simm.s32 @!p5 $0x0  }
0x3a9: {  	v7 =	vsel vm4, $0x44800000, v0;
	s0 =	sadd.s32 $0x200, s0;
	p6 =	slt.u32 s31, $0x1C;
	v11 =	vmul.f32 $1.280000000e+02, v4;
	v9 =	vcvt.f32.s32 v9;
	s3 =	sshll.u32 s3, $0x6;
	[tilespmem:v6+s29+$0x0] =	vst.idx.add.f32.msk vm0, v1  }
0x3aa: {  	v6 =	vsel vm3, $0x44800000, v0;
	v12 =	vmul.f32 $1.280000000e+02, v8;
	v13 =	vmul.f32 $1.280000000e+02, v10;
	s3 =	sadd.s32 s3, s0;
	[tilespmem:v5+s29+$0x0] =	vst.idx.add.f32.msk vm2, v1  }
0x3ab: {  	vm3 =	vgt.f32 v3, $0.0e+00;
	v5 =	vsel vm5, $0x44800000, v0;
	v3 =	vshll.u32 v9, $0x4;
	s13 =	sor.u32 $0x200, s3;
	s14 =	sor.u32 $0x210, s3;
	s21 =	sor.u32 $0x230, s3  }
0x3ac: {  	v11 =	vadd.f32 v11, v7;
	s3 =	sor.u32 $0x220, s3;
	v12 =	vadd.f32 v12, v6;
	v3 =	vor.u32 v2, v3;
	v9 =	vld [tilespmem:s21+$0xA000]  }
0x3ad: {  	vm1 =	vgt.f32 v4, $0.0e+00;
	v4 =	vadd.f32 $1.023000000e+03, v7;
	v7 =	vadd.f32 v13, v5;
	v14 =	vld [tilespmem:s21+$0xB000]  }
0x3ae: {  	vm0 =	vgt.f32 v8, $0.0e+00;
	v6 =	vadd.f32 $1.023000000e+03, v6;
	v5 =	vadd.f32 $1.023000000e+03, v5;
	v13 =	vld [tilespmem:s13+$0xA000]  }
0x3af: {  	vm2 =	vgt.f32 v10, $0.0e+00;
	v4 =	vmin.f32 v11, v4;
	v8 =	vld [tilespmem:s14+$0xA000]  }
0x3b0: {  	v4 =	vtrunc.f32 v4;
	v6 =	vmin.f32 v12, v6;
	v5 =	vmin.f32 v7, v5;
	v10 =	vld [tilespmem:s3+$0xA000]  }
0x3b1: {  	v6 =	vtrunc.f32 v6;
	v5 =	vtrunc.f32 v5;
	v7 =	vsub.f32 $0.0e+00, v9;
	[tilespmem:v3+s29+$0x0] =	vst.idx.add.f32.msk vm3, v1  }
0x3b2: {  	v4 =	vcvt.f32.s32 v4;
	v6 =	vcvt.f32.s32 v6;
	v11 =	vld [tilespmem:s13+$0xB000];
	vm3 =	vgt.f32 v14, $5.000000000e-01  }
0x3b3: {  	v5 =	vcvt.f32.s32 v5;
	v12 =	vsub.f32 $0.0e+00, v13;
	v14 =	vld [tilespmem:s14+$0xB000];
	v3 =	vsel vm3, v9, v7  }
0x3b4: {  	v4 =	vshll.u32 v4, $0x4;
	v9 =	vsub.f32 $0.0e+00, v8;
	v15 =	vld [tilespmem:s3+$0xB000];
	v3 =	vsub.f32 $1.000000000e+00, v3  }
0x3b5: {  	v6 =	vshll.u32 v6, $0x4;
	v5 =	vshll.u32 v5, $0x4;
	v16 =	vsub.f32 $0.0e+00, v10  }
.Ltmp32:
0x3b6: {  	v6 =	vor.u32 v2, v6;
	v7 =	vor.u32 v2, v4;
	v17 =	vmul.f32 $1.280000000e+02, v3;
	(pc) =	sbr.rel @p6 .LBB2_45-.Ltmp32, $4  }
0x3b7: {  	v5 =	vor.u32 v2, v5;
	v4 =	vsel vm3, $0x44800000, v0;
	vm4 =	vgt.f32 v11, $5.000000000e-01  }
0x3b8: {  	vm3 =	vgt.f32 v14, $5.000000000e-01;
	v11 =	vadd.f32 v17, v4;
	v14 =	vadd.f32 $1.023000000e+03, v4  }
0x3b9: {  	v4 =	vsel vm4, v13, v12;
	v8 =	vsel vm3, v8, v9;
	vm5 =	vgt.f32 v15, $5.000000000e-01  }
0x3ba: {  	p5 =	por !p5, !p5;
	v4 =	vsub.f32 $1.000000000e+00, v4;
	v10 =	vsel vm5, v10, v16;
	v9 =	vmin.f32 v11, v14  }
.LBB2_46:
0x3bb: {  	v8 =	vsub.f32 $1.000000000e+00, v8;
	v10 =	vsub.f32 $1.000000000e+00, v10;
	v13 =	vsel vm4, $0x44800000, v0  }
0x3bc: {  	v14 =	vsel vm3, $0x44800000, v0;
	v16 =	vsel vm5, $0x44800000, v0;
	v11 =	vmul.f32 $1.280000000e+02, v4  }
0x3bd: {  	v9 =	vtrunc.f32 v9;
	vm3 =	vgt.f32 v3, $0.0e+00;
	v12 =	vmul.f32 $1.280000000e+02, v8  }
0x3be: {  	v15 =	vmul.f32 $1.280000000e+02, v10;
	v11 =	vadd.f32 v11, v13;
	v13 =	vadd.f32 $1.023000000e+03, v13  }
0x3bf: {  	v9 =	vcvt.f32.s32 v9;
	v12 =	vadd.f32 v12, v14;
	v14 =	vadd.f32 $1.023000000e+03, v14  }
0x3c0: {  	v15 =	vadd.f32 v15, v16;
	v16 =	vadd.f32 $1.023000000e+03, v16;
	v11 =	vmin.f32 v11, v13  }
0x3c1: {  	vm4 =	vgt.f32 v4, $0.0e+00;
	v12 =	vmin.f32 v12, v14;
	v3 =	vtrunc.f32 v11  }
0x3c2: {  	v60 =	vmin.f32 v15, v16;
	v11 =	vtrunc.f32 v12;
	v3 =	vcvt.f32.s32 v3  }
0x3c3: {  	v9 =	vshll.u32 v9, $0x4;
	v61 =	vtrunc.f32 v60;
	v11 =	vcvt.f32.s32 v11  }
0x3c4: {  	v9 =	vor.u32 v2, v9;
	v4 =	vcvt.f32.s32 v61;
	v3 =	vshll.u32 v3, $0x4  }
0x3c5: {  	vm5 =	vgt.f32 v8, $0.0e+00;
	v8 =	vshll.u32 v11, $0x4;
	v3 =	vor.u32 v2, v3  }
0x3c6: {  	[tilespmem:v7+s29+$0x0] =	vst.idx.add.f32.msk @p4 vm1, v1;
	vm1 =	vgt.f32 v10, $0.0e+00;
	v4 =	vshll.u32 v4, $0x4;
	v7 =	vor.u32 v2, v8  }
0x3c7: {  	[tilespmem:v6+s29+$0x0] =	vst.idx.add.f32.msk @p4 vm0, v1;
	v4 =	vor.u32 v2, v4  }
0x3c8: {  	[tilespmem:v5+s29+$0x0] =	vst.idx.add.f32.msk @p4 vm2, v1  }
0x3c9: {  	[tilespmem:v9+s29+$0x0] =	vst.idx.add.f32.msk vm3, v1  }
0x3ca: {  	[tilespmem:v3+s29+$0x0] =	vst.idx.add.f32.msk vm4, v1  }
0x3cb: {  	[tilespmem:v7+s29+$0x0] =	vst.idx.add.f32.msk vm5, v1  }
0x3cc: {  	s0 =	sor.u32 $0x2B0, s30;
	[tilespmem:v4+s29+$0x0] =	vst.idx.add.f32.msk vm1, v1  }
0x3cd: {  	v3 =	vld [tilespmem:s0+$0xA000]  }
0x3ce: {  	v4 =	vld [tilespmem:s0+$0xB000]  }
0x3cf: {  	s31 =	sor.u32 $0x280, s30  }
0x3d0: {  	s3 =	sor.u32 $0x290, s30;
	v5 =	vld [tilespmem:s31+$0xA000]  }
0x3d1: {  	s13 =	sor.u32 $0x2A0, s30;
	v6 =	vld [tilespmem:s3+$0xA000]  }
0x3d2: {  	v7 =	vld [tilespmem:s13+$0xA000];
	v8 =	vsub.f32 $0.0e+00, v3  }
0x3d3: {  	v9 =	vld [tilespmem:s31+$0xB000];
	vm0 =	vgt.f32 v4, $5.000000000e-01  }
0x3d4: {  	v10 =	vld [tilespmem:s13+$0xB000];
	v3 =	vsel vm0, v3, v8  }
0x3d5: {  	v4 =	vld [tilespmem:s3+$0xB000];
	v3 =	vsub.f32 $1.000000000e+00, v3;
	_ =	sdelay $0x1  }
.Ltmp33:
0x3d6: {  	v11 =	vsub.f32 $0.0e+00, v6;
	v63 =	vsub.f32 $0.0e+00, v7;
	v62 =	vmul.f32 $1.280000000e+02, v3;
	(pc) =	sbr.rel @!p3 .LBB2_47-.Ltmp33, $4  }
0x3d7: {  	vm4 =	vgt.f32 v9, $5.000000000e-01;
	v9 =	vsel vm0, $0x44800000, v0;
	v8 =	vsub.f32 $0.0e+00, v5  }
0x3d8: {  	vm5 =	vgt.f32 v10, $5.000000000e-01;
	v12 =	vadd.f32 v62, v9;
	v9 =	vadd.f32 $1.023000000e+03, v9  }
0x3d9: {  	v10 =	vsel vm5, v7, v63;
	vm3 =	vgt.f32 v4, $5.000000000e-01;
	v4 =	vsel vm4, v5, v8  }
0x3da: {  	v8 =	vsel vm3, v6, v11;
	v4 =	vsub.f32 $1.000000000e+00, v4;
	v9 =	vmin.f32 v12, v9  }
0x3db: {  	s0 =	simm.s32 $0x1  }
0x3dc: {  	s0 =	simm.s32 @!p2 $0x0  }
0x3dd: {  	v5 =	vsub.f32 $1.000000000e+00, v8;
	v6 =	vsub.f32 $1.000000000e+00, v10;
	v7 =	vtrunc.f32 v9;
	s0 =	sshll.u32 s0, $0x6  }
0x3de: {  	v8 =	vsel vm4, $0x44800000, v0;
	v10 =	vsel vm3, $0x44800000, v0;
	v13 =	vsel vm5, $0x44800000, v0;
	s0 =	sadd.s32 $0x200, s0  }
0x3df: {  	vm6 =	vgt.f32 v3, $0.0e+00;
	v9 =	vmul.f32 $1.280000000e+02, v4;
	v7 =	vcvt.f32.s32 v7;
	s3 =	sor.u32 $0x2B0, s0  }
0x3e0: {  	vm0 =	vgt.f32 v4, $0.0e+00;
	v4 =	vadd.f32 $1.023000000e+03, v10;
	v11 =	vmul.f32 $1.280000000e+02, v5;
	v3 =	vld [tilespmem:s3+$0xA000]  }
0x3e1: {  	v12 =	vmul.f32 $1.280000000e+02, v6;
	v7 =	vshll.u32 v7, $0x4;
	v9 =	vadd.f32 v9, v8;
	s13 =	sor.u32 $0x280, s0;
	v14 =	vld [tilespmem:s3+$0xB000]  }
0x3e2: {  	v11 =	vadd.f32 v11, v10;
	s31 =	sor.u32 $0x290, s0;
	v15 =	vor.u32 v2, v7;
	v7 =	vadd.f32 $1.023000000e+03, v8;
	v59 =	vld [tilespmem:s13+$0xA000]  }
0x3e3: {  	v8 =	vadd.f32 v12, v13;
	v10 =	vadd.f32 $1.023000000e+03, v13;
	v60 =	vld [tilespmem:s31+$0xA000]  }
0x3e4: {  	vm1 =	vgt.f32 v5, $0.0e+00;
	vm2 =	vgt.f32 v6, $0.0e+00;
	v6 =	vld [tilespmem:s13+$0xB000];
	v5 =	vmin.f32 v9, v7  }
0x3e5: {  	s0 =	sor.u32 $0x2A0, s0;
	v4 =	vmin.f32 v11, v4;
	v7 =	vmin.f32 v8, v10;
	v8 =	vld [tilespmem:s31+$0xB000];
	v5 =	vtrunc.f32 v5  }
0x3e6: {  	v9 =	vld [tilespmem:s0+$0xA000];
	v4 =	vtrunc.f32 v4;
	v7 =	vtrunc.f32 v7;
	v10 =	vsub.f32 $0.0e+00, v3  }
0x3e7: {  	v5 =	vcvt.f32.s32 v5;
	v4 =	vcvt.f32.s32 v4;
	vm5 =	vgt.f32 v14, $5.000000000e-01  }
0x3e8: {  	v7 =	vcvt.f32.s32 v7;
	v11 =	vsub.f32 $0.0e+00, v59;
	v3 =	vsel vm5, v3, v10  }
0x3e9: {  	v61 =	vld [tilespmem:s0+$0xB000];
	vm4 =	vgt.f32 v6, $5.000000000e-01;
	v5 =	vshll.u32 v5, $0x4;
	v3 =	vsub.f32 $1.000000000e+00, v3  }
0x3ea: {  	p3 =	por $0x1, $0x1;
	v4 =	vshll.u32 v4, $0x4;
	vm3 =	vgt.f32 v8, $5.000000000e-01;
	v10 =	vsub.f32 $0.0e+00, v60  }
.Ltmp34:
0x3eb: {  	v62 =	vsub.f32 $0.0e+00, v9;
	v63 =	vsel vm5, $0x44800000, v0;
	v6 =	vmul.f32 $1.280000000e+02, v3;
	(pc) =	sbr.rel @!p3 .LBB2_50-.Ltmp34, $4  }
0x3ec: {  	v8 =	vsel vm3, v60, v10;
	v10 =	vshll.u32 v7, $0x4;
	v7 =	vor.u32 v2, v5  }
0x3ed: {  	v13 =	vadd.f32 $1.023000000e+03, v63;
	v16 =	vadd.f32 v6, v63;
	v6 =	vor.u32 v2, v4  }
0x3ee: {  	s30 =	simm.s32 $0x4;
	s29 =	simm.s32 $0x0;
	v11 =	vsel vm4, v59, v11;
	vm5 =	vgt.f32 v61, $5.000000000e-01;
	v5 =	vor.u32 v2, v10  }
0x3ef: {  	p1 =	por $0x1, $0x1;
	p2 =	por !p2, !p2;
	s0 =	simm.s32 $0x200;
	[tilespmem:v15+s29+$0x0] =	vst.idx.add.f32.msk vm6, v1;
	v10 =	vsel vm5, v9, v62;
	v4 =	vsub.f32 $1.000000000e+00, v11;
	v9 =	vmin.f32 v16, v13  }
.LBB2_49:
0x3f0: {  	s3 =	simm.s32 $0x1  }
0x3f1: {  	s30 =	sadd.s32 $0x4, s30;
	v8 =	vsub.f32 $1.000000000e+00, v8;
	v10 =	vsub.f32 $1.000000000e+00, v10;
	v9 =	vtrunc.f32 v9;
	[tilespmem:v7+s29+$0x0] =	vst.idx.add.f32.msk vm0, v1;
	s3 =	simm.s32 @!p2 $0x0  }
0x3f2: {  	v7 =	vsel vm4, $0x44800000, v0;
	s0 =	sadd.s32 $0x200, s0;
	p3 =	slt.u32 s30, $0x1C;
	v11 =	vmul.f32 $1.280000000e+02, v4;
	v9 =	vcvt.f32.s32 v9;
	s3 =	sshll.u32 s3, $0x6;
	[tilespmem:v6+s29+$0x0] =	vst.idx.add.f32.msk vm1, v1  }
0x3f3: {  	v6 =	vsel vm3, $0x44800000, v0;
	v12 =	vmul.f32 $1.280000000e+02, v8;
	v13 =	vmul.f32 $1.280000000e+02, v10;
	s3 =	sadd.s32 s3, s0;
	[tilespmem:v5+s29+$0x0] =	vst.idx.add.f32.msk vm2, v1  }
0x3f4: {  	vm3 =	vgt.f32 v3, $0.0e+00;
	v5 =	vsel vm5, $0x44800000, v0;
	v3 =	vshll.u32 v9, $0x4;
	s13 =	sor.u32 $0x280, s3;
	s14 =	sor.u32 $0x290, s3;
	s21 =	sor.u32 $0x2B0, s3  }
0x3f5: {  	v11 =	vadd.f32 v11, v7;
	s3 =	sor.u32 $0x2A0, s3;
	v12 =	vadd.f32 v12, v6;
	v3 =	vor.u32 v2, v3;
	v9 =	vld [tilespmem:s21+$0xA000]  }
0x3f6: {  	vm0 =	vgt.f32 v4, $0.0e+00;
	v4 =	vadd.f32 $1.023000000e+03, v7;
	v7 =	vadd.f32 v13, v5;
	v14 =	vld [tilespmem:s21+$0xB000]  }
0x3f7: {  	vm1 =	vgt.f32 v8, $0.0e+00;
	v6 =	vadd.f32 $1.023000000e+03, v6;
	v5 =	vadd.f32 $1.023000000e+03, v5;
	v13 =	vld [tilespmem:s13+$0xA000]  }
0x3f8: {  	vm2 =	vgt.f32 v10, $0.0e+00;
	v4 =	vmin.f32 v11, v4;
	v8 =	vld [tilespmem:s14+$0xA000]  }
0x3f9: {  	v4 =	vtrunc.f32 v4;
	v6 =	vmin.f32 v12, v6;
	v5 =	vmin.f32 v7, v5;
	v10 =	vld [tilespmem:s3+$0xA000]  }
0x3fa: {  	v6 =	vtrunc.f32 v6;
	v5 =	vtrunc.f32 v5;
	v7 =	vsub.f32 $0.0e+00, v9;
	[tilespmem:v3+s29+$0x0] =	vst.idx.add.f32.msk vm3, v1  }
0x3fb: {  	v4 =	vcvt.f32.s32 v4;
	v6 =	vcvt.f32.s32 v6;
	v11 =	vld [tilespmem:s13+$0xB000];
	vm3 =	vgt.f32 v14, $5.000000000e-01  }
0x3fc: {  	v5 =	vcvt.f32.s32 v5;
	v12 =	vsub.f32 $0.0e+00, v13;
	v14 =	vld [tilespmem:s14+$0xB000];
	v3 =	vsel vm3, v9, v7  }
0x3fd: {  	v4 =	vshll.u32 v4, $0x4;
	v9 =	vsub.f32 $0.0e+00, v8;
	v15 =	vld [tilespmem:s3+$0xB000];
	v3 =	vsub.f32 $1.000000000e+00, v3  }
0x3fe: {  	v6 =	vshll.u32 v6, $0x4;
	v5 =	vshll.u32 v5, $0x4;
	v16 =	vsub.f32 $0.0e+00, v10  }
.Ltmp35:
0x3ff: {  	v6 =	vor.u32 v2, v6;
	v7 =	vor.u32 v2, v4;
	v17 =	vmul.f32 $1.280000000e+02, v3;
	(pc) =	sbr.rel @p3 .LBB2_49-.Ltmp35, $4  }
0x400: {  	v5 =	vor.u32 v2, v5;
	v4 =	vsel vm3, $0x44800000, v0;
	vm4 =	vgt.f32 v11, $5.000000000e-01  }
0x401: {  	vm3 =	vgt.f32 v14, $5.000000000e-01;
	v11 =	vadd.f32 v17, v4;
	v14 =	vadd.f32 $1.023000000e+03, v4  }
0x402: {  	v4 =	vsel vm4, v13, v12;
	v8 =	vsel vm3, v8, v9;
	vm5 =	vgt.f32 v15, $5.000000000e-01  }
0x403: {  	p2 =	por !p2, !p2;
	v4 =	vsub.f32 $1.000000000e+00, v4;
	v10 =	vsel vm5, v10, v16;
	v9 =	vmin.f32 v11, v14  }
.LBB2_50:
0x404: {  	v8 =	vsub.f32 $1.000000000e+00, v8;
	v10 =	vsub.f32 $1.000000000e+00, v10;
	v13 =	vsel vm4, $0x44800000, v0  }
0x405: {  	v14 =	vsel vm3, $0x44800000, v0;
	v16 =	vsel vm5, $0x44800000, v0;
	v11 =	vmul.f32 $1.280000000e+02, v4  }
0x406: {  	v9 =	vtrunc.f32 v9;
	vm3 =	vgt.f32 v3, $0.0e+00;
	v12 =	vmul.f32 $1.280000000e+02, v8  }
0x407: {  	v15 =	vmul.f32 $1.280000000e+02, v10;
	v11 =	vadd.f32 v11, v13;
	v13 =	vadd.f32 $1.023000000e+03, v13  }
0x408: {  	v9 =	vcvt.f32.s32 v9;
	v12 =	vadd.f32 v12, v14;
	v14 =	vadd.f32 $1.023000000e+03, v14  }
0x409: {  	v15 =	vadd.f32 v15, v16;
	v16 =	vadd.f32 $1.023000000e+03, v16;
	v11 =	vmin.f32 v11, v13  }
0x40a: {  	vm4 =	vgt.f32 v4, $0.0e+00;
	v12 =	vmin.f32 v12, v14;
	v3 =	vtrunc.f32 v11  }
0x40b: {  	v60 =	vmin.f32 v15, v16;
	v11 =	vtrunc.f32 v12;
	v3 =	vcvt.f32.s32 v3  }
0x40c: {  	v9 =	vshll.u32 v9, $0x4;
	v61 =	vtrunc.f32 v60;
	v11 =	vcvt.f32.s32 v11  }
0x40d: {  	v9 =	vor.u32 v2, v9;
	v4 =	vcvt.f32.s32 v61;
	v3 =	vshll.u32 v3, $0x4  }
0x40e: {  	vm5 =	vgt.f32 v8, $0.0e+00;
	v8 =	vshll.u32 v11, $0x4;
	v3 =	vor.u32 v2, v3  }
0x40f: {  	[tilespmem:v7+s29+$0x0] =	vst.idx.add.f32.msk @p1 vm0, v1;
	vm0 =	vgt.f32 v10, $0.0e+00;
	v4 =	vshll.u32 v4, $0x4;
	v7 =	vor.u32 v2, v8  }
0x410: {  	[tilespmem:v6+s29+$0x0] =	vst.idx.add.f32.msk @p1 vm1, v1;
	v4 =	vor.u32 v2, v4  }
0x411: {  	[tilespmem:v5+s29+$0x0] =	vst.idx.add.f32.msk @p1 vm2, v1;
	s30 =	simm.s32 $0x0;
	p2 =	por $0x0, $0x0;
	s0 =	simm.s32 $0x1  }
0x412: {  	s0 =	simm.s32 @!p2 $0x0;
	[tilespmem:v9+s30+$0x0] =	vst.idx.add.f32.msk vm3, v1  }
0x413: {  	s0 =	sshll.u32 s0, $0x6;
	[tilespmem:v3+s30+$0x0] =	vst.idx.add.f32.msk vm4, v1  }
0x414: {  	s0 =	sadd.s32 $0x0, s0;
	[tilespmem:v7+s30+$0x0] =	vst.idx.add.f32.msk vm5, v1  }
0x415: {  	s3 =	sor.u32 $0x330, s0;
	[tilespmem:v4+s30+$0x0] =	vst.idx.add.f32.msk vm0, v1  }
0x416: {  	v3 =	vld [tilespmem:s3+$0xA000]  }
0x417: {  	v4 =	vld [tilespmem:s3+$0xB000]  }
0x418: {  	s31 =	sor.u32 $0x300, s0  }
0x419: {  	s13 =	sor.u32 $0x310, s0;
	v5 =	vld [tilespmem:s31+$0xA000]  }
0x41a: {  	s0 =	sor.u32 $0x320, s0;
	v6 =	vld [tilespmem:s13+$0xA000]  }
0x41b: {  	v7 =	vld [tilespmem:s0+$0xA000];
	v8 =	vsub.f32 $0.0e+00, v3  }
0x41c: {  	v9 =	vld [tilespmem:s31+$0xB000];
	vm0 =	vgt.f32 v4, $5.000000000e-01  }
0x41d: {  	v10 =	vld [tilespmem:s0+$0xB000];
	v3 =	vsel vm0, v3, v8  }
0x41e: {  	v4 =	vld [tilespmem:s13+$0xB000];
	v3 =	vsub.f32 $1.000000000e+00, v3  }
0x41f: {  	p1 =	por $0x1, $0x1  }
.Ltmp36:
0x420: {  	v11 =	vsub.f32 $0.0e+00, v6;
	v63 =	vsub.f32 $0.0e+00, v7;
	v62 =	vmul.f32 $1.280000000e+02, v3;
	(pc) =	sbr.rel @!p1 .LBB2_51-.Ltmp36, $4  }
0x421: {  	vm4 =	vgt.f32 v9, $5.000000000e-01;
	v9 =	vsel vm0, $0x44800000, v0;
	v8 =	vsub.f32 $0.0e+00, v5  }
0x422: {  	vm5 =	vgt.f32 v10, $5.000000000e-01;
	v12 =	vadd.f32 v62, v9;
	v9 =	vadd.f32 $1.023000000e+03, v9  }
0x423: {  	v10 =	vsel vm5, v7, v63;
	vm3 =	vgt.f32 v4, $5.000000000e-01;
	v4 =	vsel vm4, v5, v8  }
0x424: {  	s29 =	simm.s32 $0x0;
	p3 =	por !p2, !p2;
	v8 =	vsel vm3, v6, v11;
	v4 =	vsub.f32 $1.000000000e+00, v4;
	v9 =	vmin.f32 v12, v9  }
0x425: {  	s0 =	simm.s32 $0x1  }
0x426: {  	s0 =	simm.s32 @!p3 $0x0  }
0x427: {  	v5 =	vsub.f32 $1.000000000e+00, v8;
	v6 =	vsub.f32 $1.000000000e+00, v10;
	v7 =	vtrunc.f32 v9;
	s0 =	sshll.u32 s0, $0x6  }
0x428: {  	v8 =	vsel vm4, $0x44800000, v0;
	v10 =	vsel vm3, $0x44800000, v0;
	v13 =	vsel vm5, $0x44800000, v0;
	s0 =	sadd.s32 $0x200, s0  }
0x429: {  	vm6 =	vgt.f32 v3, $0.0e+00;
	v9 =	vmul.f32 $1.280000000e+02, v4;
	v7 =	vcvt.f32.s32 v7;
	s3 =	sor.u32 $0x330, s0  }
0x42a: {  	vm1 =	vgt.f32 v4, $0.0e+00;
	v4 =	vadd.f32 $1.023000000e+03, v10;
	v11 =	vmul.f32 $1.280000000e+02, v5;
	v3 =	vld [tilespmem:s3+$0xA000]  }
0x42b: {  	v12 =	vmul.f32 $1.280000000e+02, v6;
	v7 =	vshll.u32 v7, $0x4;
	v9 =	vadd.f32 v9, v8;
	s13 =	sor.u32 $0x300, s0;
	v14 =	vld [tilespmem:s3+$0xB000]  }
0x42c: {  	v11 =	vadd.f32 v11, v10;
	s21 =	sor.u32 $0x310, s0;
	v15 =	vor.u32 v2, v7;
	v7 =	vadd.f32 $1.023000000e+03, v8;
	v59 =	vld [tilespmem:s13+$0xA000]  }
0x42d: {  	v8 =	vadd.f32 v12, v13;
	v10 =	vadd.f32 $1.023000000e+03, v13;
	v60 =	vld [tilespmem:s21+$0xA000]  }
0x42e: {  	vm0 =	vgt.f32 v5, $0.0e+00;
	vm2 =	vgt.f32 v6, $0.0e+00;
	v6 =	vld [tilespmem:s13+$0xB000];
	v5 =	vmin.f32 v9, v7  }
0x42f: {  	s0 =	sor.u32 $0x320, s0;
	v4 =	vmin.f32 v11, v4;
	v7 =	vmin.f32 v8, v10;
	v8 =	vld [tilespmem:s21+$0xB000];
	v5 =	vtrunc.f32 v5  }
0x430: {  	v9 =	vld [tilespmem:s0+$0xA000];
	v4 =	vtrunc.f32 v4;
	v7 =	vtrunc.f32 v7;
	v10 =	vsub.f32 $0.0e+00, v3  }
0x431: {  	v5 =	vcvt.f32.s32 v5;
	v4 =	vcvt.f32.s32 v4;
	vm5 =	vgt.f32 v14, $5.000000000e-01  }
0x432: {  	v7 =	vcvt.f32.s32 v7;
	v11 =	vsub.f32 $0.0e+00, v59;
	v3 =	vsel vm5, v3, v10  }
0x433: {  	v61 =	vld [tilespmem:s0+$0xB000];
	vm4 =	vgt.f32 v6, $5.000000000e-01;
	v5 =	vshll.u32 v5, $0x4;
	v3 =	vsub.f32 $1.000000000e+00, v3  }
0x434: {  	p4 =	por $0x1, $0x1;
	v4 =	vshll.u32 v4, $0x4;
	vm3 =	vgt.f32 v8, $5.000000000e-01;
	v10 =	vsub.f32 $0.0e+00, v60  }
.Ltmp37:
0x435: {  	v62 =	vsub.f32 $0.0e+00, v9;
	v63 =	vsel vm5, $0x44800000, v0;
	v6 =	vmul.f32 $1.280000000e+02, v3;
	(pc) =	sbr.rel @!p4 .LBB2_54-.Ltmp37, $4  }
0x436: {  	v8 =	vsel vm3, v60, v10;
	v10 =	vshll.u32 v7, $0x4;
	v7 =	vor.u32 v2, v5  }
0x437: {  	v13 =	vadd.f32 $1.023000000e+03, v63;
	v16 =	vadd.f32 v6, v63;
	v6 =	vor.u32 v2, v4  }
0x438: {  	s31 =	simm.s32 $0x4;
	v11 =	vsel vm4, v59, v11;
	vm5 =	vgt.f32 v61, $5.000000000e-01;
	v5 =	vor.u32 v2, v10  }
0x439: {  	p2 =	por $0x1, $0x1;
	p3 =	por !p3, !p3;
	s0 =	simm.s32 $0x200;
	[tilespmem:v15+s30+$0x0] =	vst.idx.add.f32.msk vm6, v1;
	v10 =	vsel vm5, v9, v62;
	v4 =	vsub.f32 $1.000000000e+00, v11;
	v9 =	vmin.f32 v16, v13  }
.LBB2_53:
0x43a: {  	s3 =	simm.s32 $0x1  }
0x43b: {  	s31 =	sadd.s32 $0x4, s31;
	v8 =	vsub.f32 $1.000000000e+00, v8;
	v10 =	vsub.f32 $1.000000000e+00, v10;
	v9 =	vtrunc.f32 v9;
	[tilespmem:v7+s30+$0x0] =	vst.idx.add.f32.msk vm1, v1;
	s3 =	simm.s32 @!p3 $0x0  }
0x43c: {  	v7 =	vsel vm4, $0x44800000, v0;
	s0 =	sadd.s32 $0x200, s0;
	p4 =	slt.u32 s31, $0x1C;
	v11 =	vmul.f32 $1.280000000e+02, v4;
	v9 =	vcvt.f32.s32 v9;
	s3 =	sshll.u32 s3, $0x6;
	[tilespmem:v6+s30+$0x0] =	vst.idx.add.f32.msk vm0, v1  }
0x43d: {  	v6 =	vsel vm3, $0x44800000, v0;
	v12 =	vmul.f32 $1.280000000e+02, v8;
	v13 =	vmul.f32 $1.280000000e+02, v10;
	s3 =	sadd.s32 s3, s0;
	[tilespmem:v5+s30+$0x0] =	vst.idx.add.f32.msk vm2, v1  }
0x43e: {  	vm3 =	vgt.f32 v3, $0.0e+00;
	v5 =	vsel vm5, $0x44800000, v0;
	v3 =	vshll.u32 v9, $0x4;
	s13 =	sor.u32 $0x300, s3;
	s14 =	sor.u32 $0x310, s3;
	s21 =	sor.u32 $0x330, s3  }
0x43f: {  	v11 =	vadd.f32 v11, v7;
	s3 =	sor.u32 $0x320, s3;
	v12 =	vadd.f32 v12, v6;
	v3 =	vor.u32 v2, v3;
	v9 =	vld [tilespmem:s21+$0xA000]  }
0x440: {  	vm1 =	vgt.f32 v4, $0.0e+00;
	v4 =	vadd.f32 $1.023000000e+03, v7;
	v7 =	vadd.f32 v13, v5;
	v14 =	vld [tilespmem:s21+$0xB000]  }
0x441: {  	vm0 =	vgt.f32 v8, $0.0e+00;
	v6 =	vadd.f32 $1.023000000e+03, v6;
	v5 =	vadd.f32 $1.023000000e+03, v5;
	v13 =	vld [tilespmem:s13+$0xA000]  }
0x442: {  	vm2 =	vgt.f32 v10, $0.0e+00;
	v4 =	vmin.f32 v11, v4;
	v8 =	vld [tilespmem:s14+$0xA000]  }
0x443: {  	v4 =	vtrunc.f32 v4;
	v6 =	vmin.f32 v12, v6;
	v5 =	vmin.f32 v7, v5;
	v10 =	vld [tilespmem:s3+$0xA000]  }
0x444: {  	v6 =	vtrunc.f32 v6;
	v5 =	vtrunc.f32 v5;
	v7 =	vsub.f32 $0.0e+00, v9;
	[tilespmem:v3+s30+$0x0] =	vst.idx.add.f32.msk vm3, v1  }
0x445: {  	v4 =	vcvt.f32.s32 v4;
	v6 =	vcvt.f32.s32 v6;
	v11 =	vld [tilespmem:s13+$0xB000];
	vm3 =	vgt.f32 v14, $5.000000000e-01  }
0x446: {  	v5 =	vcvt.f32.s32 v5;
	v12 =	vsub.f32 $0.0e+00, v13;
	v14 =	vld [tilespmem:s14+$0xB000];
	v3 =	vsel vm3, v9, v7  }
0x447: {  	v4 =	vshll.u32 v4, $0x4;
	v9 =	vsub.f32 $0.0e+00, v8;
	v15 =	vld [tilespmem:s3+$0xB000];
	v3 =	vsub.f32 $1.000000000e+00, v3  }
0x448: {  	v6 =	vshll.u32 v6, $0x4;
	v5 =	vshll.u32 v5, $0x4;
	v16 =	vsub.f32 $0.0e+00, v10  }
.Ltmp38:
0x449: {  	v6 =	vor.u32 v2, v6;
	v7 =	vor.u32 v2, v4;
	v17 =	vmul.f32 $1.280000000e+02, v3;
	(pc) =	sbr.rel @p4 .LBB2_53-.Ltmp38, $4  }
0x44a: {  	v5 =	vor.u32 v2, v5;
	v4 =	vsel vm3, $0x44800000, v0;
	vm4 =	vgt.f32 v11, $5.000000000e-01  }
0x44b: {  	vm3 =	vgt.f32 v14, $5.000000000e-01;
	v11 =	vadd.f32 v17, v4;
	v14 =	vadd.f32 $1.023000000e+03, v4  }
0x44c: {  	v4 =	vsel vm4, v13, v12;
	v8 =	vsel vm3, v8, v9;
	vm5 =	vgt.f32 v15, $5.000000000e-01  }
0x44d: {  	p3 =	por !p3, !p3;
	v4 =	vsub.f32 $1.000000000e+00, v4;
	v10 =	vsel vm5, v10, v16;
	v9 =	vmin.f32 v11, v14  }
.LBB2_54:
0x44e: {  	v8 =	vsub.f32 $1.000000000e+00, v8;
	v10 =	vsub.f32 $1.000000000e+00, v10;
	v13 =	vsel vm4, $0x44800000, v0  }
0x44f: {  	v14 =	vsel vm3, $0x44800000, v0;
	v16 =	vsel vm5, $0x44800000, v0;
	v11 =	vmul.f32 $1.280000000e+02, v4  }
0x450: {  	v9 =	vtrunc.f32 v9;
	vm3 =	vgt.f32 v3, $0.0e+00;
	v12 =	vmul.f32 $1.280000000e+02, v8  }
0x451: {  	v15 =	vmul.f32 $1.280000000e+02, v10;
	v11 =	vadd.f32 v11, v13;
	v13 =	vadd.f32 $1.023000000e+03, v13  }
0x452: {  	v9 =	vcvt.f32.s32 v9;
	v12 =	vadd.f32 v12, v14;
	v14 =	vadd.f32 $1.023000000e+03, v14  }
0x453: {  	v15 =	vadd.f32 v15, v16;
	v16 =	vadd.f32 $1.023000000e+03, v16;
	v11 =	vmin.f32 v11, v13  }
0x454: {  	vm4 =	vgt.f32 v4, $0.0e+00;
	v12 =	vmin.f32 v12, v14;
	v3 =	vtrunc.f32 v11  }
0x455: {  	v13 =	vmin.f32 v15, v16;
	v11 =	vtrunc.f32 v12;
	v3 =	vcvt.f32.s32 v3  }
0x456: {  	v9 =	vshll.u32 v9, $0x4;
	v12 =	vtrunc.f32 v13;
	v11 =	vcvt.f32.s32 v11  }
0x457: {  	v9 =	vor.u32 v2, v9;
	v4 =	vcvt.f32.s32 v12;
	v3 =	vshll.u32 v3, $0x4  }
0x458: {  	vm5 =	vgt.f32 v8, $0.0e+00;
	v8 =	vshll.u32 v11, $0x4;
	v3 =	vor.u32 v2, v3  }
0x459: {  	[tilespmem:v7+s30+$0x0] =	vst.idx.add.f32.msk @p2 vm1, v1;
	vm1 =	vgt.f32 v10, $0.0e+00;
	v4 =	vshll.u32 v4, $0x4;
	v7 =	vor.u32 v2, v8  }
0x45a: {  	[tilespmem:v6+s30+$0x0] =	vst.idx.add.f32.msk @p2 vm0, v1;
	v4 =	vor.u32 v2, v4  }
0x45b: {  	[tilespmem:v5+s30+$0x0] =	vst.idx.add.f32.msk @p2 vm2, v1  }
0x45c: {  	[tilespmem:v9+s30+$0x0] =	vst.idx.add.f32.msk vm3, v1  }
0x45d: {  	[tilespmem:v3+s30+$0x0] =	vst.idx.add.f32.msk vm4, v1  }
0x45e: {  	[tilespmem:v7+s30+$0x0] =	vst.idx.add.f32.msk vm5, v1  }
0x45f: {  	s0 =	sor.u32 $0x3B0, s30;
	[tilespmem:v4+s30+$0x0] =	vst.idx.add.f32.msk vm1, v1  }
0x460: {  	v3 =	vld [tilespmem:s0+$0xA000]  }
0x461: {  	v4 =	vld [tilespmem:s0+$0xB000]  }
0x462: {  	s31 =	sor.u32 $0x380, s30  }
0x463: {  	s3 =	sor.u32 $0x390, s30;
	v5 =	vld [tilespmem:s31+$0xA000]  }
0x464: {  	s13 =	sor.u32 $0x3A0, s30;
	v6 =	vld [tilespmem:s3+$0xA000]  }
0x465: {  	v7 =	vld [tilespmem:s13+$0xA000];
	v8 =	vsub.f32 $0.0e+00, v3  }
0x466: {  	v9 =	vld [tilespmem:s31+$0xB000];
	vm0 =	vgt.f32 v4, $5.000000000e-01  }
0x467: {  	v4 =	vld [tilespmem:s3+$0xB000];
	v3 =	vsel vm0, v3, v8  }
0x468: {  	v8 =	vld [tilespmem:s13+$0xB000];
	v3 =	vsub.f32 $1.000000000e+00, v3;
	_ =	sdelay $0x1  }
0x469: {  	v10 =	vsub.f32 $0.0e+00, v5;
	v11 =	vsub.f32 $0.0e+00, v6;
	v12 =	vmul.f32 $1.280000000e+02, v3  }
0x46a: {  	v13 =	vsub.f32 $0.0e+00, v7;
	vm1 =	vgt.f32 v9, $5.000000000e-01;
	v9 =	vsel vm0, $0x44800000, v0  }
0x46b: {  	vm0 =	vgt.f32 v4, $5.000000000e-01;
	v4 =	vadd.f32 v12, v9;
	v9 =	vadd.f32 $1.023000000e+03, v9  }
.Ltmp39:
0x46c: {  	v5 =	vsel vm1, v5, v10;
	v10 =	vsel vm0, v6, v11;
	vm3 =	vgt.f32 v8, $5.000000000e-01;
	(pc) =	sbr.rel @!p1 .LBB2_56-.Ltmp39, $4  }
0x46d: {  	v6 =	vsub.f32 $1.000000000e+00, v5;
	v7 =	vsel vm3, v7, v13;
	v8 =	vmin.f32 v4, v9  }
0x46e: {  	v5 =	vsub.f32 $1.000000000e+00, v10;
	v4 =	vsub.f32 $1.000000000e+00, v7;
	v8 =	vtrunc.f32 v8  }
0x46f: {  	v11 =	vmul.f32 $1.280000000e+02, v6;
	v7 =	vsel vm1, $0x44800000, v0;
	v10 =	vcvt.f32.s32 v8  }
0x470: {  	s0 =	simm.s32 $0x240;
	v12 =	vmul.f32 $1.280000000e+02, v5;
	v8 =	vsel vm0, $0x44800000, v0;
	v9 =	vmul.f32 $1.280000000e+02, v4  }
.LBB2_55:
0x471: {  	s3 =	sor.u32 $0x390, s0;
	s13 =	sor.u32 $0x3B0, s0;
	s29 =	sadd.s32 $0x4, s29;
	v13 =	vsel vm3, $0x44800000, v0;
	vm3 =	vgt.f32 v3, $0.0e+00;
	v3 =	vshll.u32 v10, $0x4  }
0x472: {  	s14 =	sor.u32 $0x380, s0;
	s21 =	sor.u32 $0x3A0, s0;
	v11 =	vadd.f32 v11, v7;
	v10 =	vld [tilespmem:s13+$0xA000];
	p1 =	slt.u32 s29, $0x1C;
	v12 =	vadd.f32 v12, v8;
	v3 =	vor.u32 v2, v3  }
0x473: {  	vm0 =	vgt.f32 v6, $0.0e+00;
	v6 =	vadd.f32 $1.023000000e+03, v7;
	v7 =	vadd.f32 v9, v13;
	v14 =	vld [tilespmem:s13+$0xB000]  }
0x474: {  	vm1 =	vgt.f32 v5, $0.0e+00;
	v5 =	vadd.f32 $1.023000000e+03, v8;
	v8 =	vadd.f32 $1.023000000e+03, v13;
	v9 =	vld [tilespmem:s14+$0xA000]  }
0x475: {  	vm2 =	vgt.f32 v4, $0.0e+00;
	v6 =	vmin.f32 v11, v6;
	v13 =	vld [tilespmem:s3+$0xA000]  }
0x476: {  	v6 =	vtrunc.f32 v6;
	v5 =	vmin.f32 v12, v5;
	v7 =	vmin.f32 v7, v8;
	v4 =	vld [tilespmem:s21+$0xA000]  }
0x477: {  	v5 =	vtrunc.f32 v5;
	v7 =	vtrunc.f32 v7;
	v8 =	vsub.f32 $0.0e+00, v10;
	[tilespmem:v3+s4+$0x0] =	vst.idx.add.f32.msk vm3, v1  }
0x478: {  	v6 =	vcvt.f32.s32 v6;
	v5 =	vcvt.f32.s32 v5;
	v11 =	vld [tilespmem:s14+$0xB000];
	vm3 =	vgt.f32 v14, $5.000000000e-01  }
0x479: {  	v7 =	vcvt.f32.s32 v7;
	v12 =	vsub.f32 $0.0e+00, v9;
	v14 =	vld [tilespmem:s3+$0xB000];
	v3 =	vsel vm3, v10, v8  }
0x47a: {  	v6 =	vshll.u32 v6, $0x4;
	v8 =	vsub.f32 $0.0e+00, v13;
	v10 =	vld [tilespmem:s21+$0xB000];
	v3 =	vsub.f32 $1.000000000e+00, v3  }
0x47b: {  	v5 =	vshll.u32 v5, $0x4;
	v7 =	vshll.u32 v7, $0x4;
	v15 =	vsub.f32 $0.0e+00, v4  }
0x47c: {  	v17 =	vor.u32 v2, v6;
	v18 =	vor.u32 v2, v5;
	v16 =	vmul.f32 $1.280000000e+02, v3  }
0x47d: {  	v5 =	vsel vm3, $0x44800000, v0;
	v19 =	vor.u32 v2, v7;
	vm4 =	vgt.f32 v11, $5.000000000e-01  }
0x47e: {  	vm5 =	vgt.f32 v14, $5.000000000e-01;
	v7 =	vadd.f32 v16, v5;
	v5 =	vadd.f32 $1.023000000e+03, v5  }
.Ltmp40:
0x47f: {  	v6 =	vsel vm4, v9, v12;
	v8 =	vsel vm5, v13, v8;
	vm3 =	vgt.f32 v10, $5.000000000e-01;
	(pc) =	sbr.rel @p1 .LBB2_55-.Ltmp40, $4  }
0x480: {  	v6 =	vsub.f32 $1.000000000e+00, v6;
	v4 =	vsel vm3, v4, v15;
	v7 =	vmin.f32 v7, v5  }
0x481: {  	v5 =	vsub.f32 $1.000000000e+00, v8;
	v4 =	vsub.f32 $1.000000000e+00, v4;
	v8 =	vtrunc.f32 v7;
	[tilespmem:v17+s4+$0x0] =	vst.idx.add.f32.msk vm0, v1  }
0x482: {  	v7 =	vsel vm4, $0x44800000, v0;
	v11 =	vmul.f32 $1.280000000e+02, v6;
	v10 =	vcvt.f32.s32 v8;
	[tilespmem:v18+s4+$0x0] =	vst.idx.add.f32.msk vm1, v1  }
0x483: {  	s0 =	sadd.s32 $0x240, s0;
	v8 =	vsel vm5, $0x44800000, v0;
	v12 =	vmul.f32 $1.280000000e+02, v5;
	v9 =	vmul.f32 $1.280000000e+02, v4;
	[tilespmem:v19+s4+$0x0] =	vst.idx.add.f32.msk vm2, v1  }
.LBB2_56:
0x484: {  	v13 =	vsel vm3, $0x44800000, v0;
	v11 =	vadd.f32 v11, v7;
	v56 =	vadd.f32 $1.023000000e+03, v7  }
0x485: {  	vm0 =	vgt.f32 v3, $0.0e+00;
	v57 =	vadd.f32 $1.023000000e+03, v8;
	v3 =	vadd.f32 v12, v8  }
0x486: {  	v9 =	vadd.f32 v9, v13;
	v58 =	vadd.f32 $1.023000000e+03, v13;
	v7 =	vmin.f32 v11, v56  }
0x487: {  	v10 =	vshll.u32 v10, $0x4;
	v7 =	vtrunc.f32 v7;
	v3 =	vmin.f32 v3, v57  }
0x488: {  	v59 =	vmin.f32 v9, v58;
	v3 =	vtrunc.f32 v3;
	v7 =	vcvt.f32.s32 v7  }
0x489: {  	vm1 =	vgt.f32 v6, $0.0e+00;
	v8 =	vtrunc.f32 v59;
	v3 =	vcvt.f32.s32 v3  }
0x48a: {  	v60 =	vor.u32 v2, v10;
	v61 =	vcvt.f32.s32 v8;
	v7 =	vshll.u32 v7, $0x4  }
0x48b: {  	vm2 =	vgt.f32 v5, $0.0e+00;
	v3 =	vshll.u32 v3, $0x4;
	v62 =	vor.u32 v2, v7  }
0x48c: {  	vm15 =	vgt.f32 v4, $0.0e+00;
	v63 =	vshll.u32 v61, $0x4;
	v3 =	vor.u32 v2, v3  }
0x48d: {  	v4 =	vor.u32 v2, v63  }
.Ltmp41:
0x48e: {  	_ = 	snop;
	(pc) =	sbr.rel @p0 .LBB2_58-.Ltmp41, $4  }
0x48f: {  	[tilespmem:v60+s4+$0x0] =	vst.idx.add.f32.msk vm0, v1  }
0x490: {  	[tilespmem:v62+s4+$0x0] =	vst.idx.add.f32.msk vm1, v1  }
0x491: {  	[tilespmem:v3+s4+$0x0] =	vst.idx.add.f32.msk vm2, v1  }
0x492: {  	[tilespmem:v4+s4+$0x0] =	vst.idx.add.f32.msk vm15, v1  }
.Ltmp42:
0x493: {  	s0 =	sadd.s32 s28, s10;
	(pc) =	sbr.rel .LBB2_4-.Ltmp42, $4  }
0x494: {  	s3 =	sadd.s32 s1, s0  }
0x495: {  	[tilespmem:s15], [sflag:$0x3] =	stream.linear.gather [hbm4b:s3+s4], $0x1000, $0x38;
	[tilespmem:$0xC000] =	vst v63  }
0x496: {  	s26 =	sadd.s32 $0x1, s26;
	s0 =	sadd.s32 s2, s0  }
0x497: {  	[tilespmem:s16], [sflag:$0x4] =	stream.linear.gather [hbm4b:s0+s4], $0x1000, $0x38;
	[tilespmem:$0xC000] =	vst v63  }
.LBB2_9:
.Ltmp43:
0x498: {  	(pc) =	sbr.rel .LBB2_12-.Ltmp43, $2  }
0x499: {  	_ =	sdelay $0x2  }
0x49a: {  	p2 =	por $0x0, $0x0  }
.LBB2_13:
.Ltmp44:
0x49b: {  	(pc) =	sbr.rel .LBB2_16-.Ltmp44, $2  }
0x49c: {  	_ =	sdelay $0x2  }
0x49d: {  	_ = 	snop  }
.LBB2_17:
.Ltmp45:
0x49e: {  	(pc) =	sbr.rel .LBB2_20-.Ltmp45, $2  }
0x49f: {  	_ =	sdelay $0x2  }
0x4a0: {  	p3 =	por $0x0, $0x0  }
.LBB2_21:
.Ltmp46:
0x4a1: {  	(pc) =	sbr.rel .LBB2_24-.Ltmp46, $2  }
0x4a2: {  	_ =	sdelay $0x2  }
0x4a3: {  	_ = 	snop  }
.LBB2_25:
.Ltmp47:
0x4a4: {  	(pc) =	sbr.rel .LBB2_28-.Ltmp47, $2  }
0x4a5: {  	_ =	sdelay $0x2  }
0x4a6: {  	_ = 	snop  }
.LBB2_35:
.Ltmp48:
0x4a7: {  	(pc) =	sbr.rel .LBB2_38-.Ltmp48, $2  }
0x4a8: {  	_ =	sdelay $0x2  }
0x4a9: {  	p3 =	por $0x0, $0x0  }
.LBB2_39:
.Ltmp49:
0x4aa: {  	(pc) =	sbr.rel .LBB2_42-.Ltmp49, $2  }
0x4ab: {  	_ =	sdelay $0x2  }
0x4ac: {  	_ = 	snop  }
.LBB2_43:
.Ltmp50:
0x4ad: {  	(pc) =	sbr.rel .LBB2_46-.Ltmp50, $2  }
0x4ae: {  	_ =	sdelay $0x2  }
0x4af: {  	p4 =	por $0x0, $0x0  }
.LBB2_47:
.Ltmp51:
0x4b0: {  	(pc) =	sbr.rel .LBB2_50-.Ltmp51, $2  }
0x4b1: {  	_ =	sdelay $0x2  }
0x4b2: {  	_ = 	snop  }
.LBB2_51:
.Ltmp52:
0x4b3: {  	(pc) =	sbr.rel .LBB2_54-.Ltmp52, $2  }
0x4b4: {  	_ =	sdelay $0x2  }
0x4b5: {  	_ = 	snop  }
.LBB2_59:
0x4b6: {  	_ =	sfence.sel $0x180000  }
0x4b7: {  	[bflag:$0x0] =	sbarrier.arrive $0xFFFF  }
0x4b8: {  	_ =	strace $0x90000047  }
0x4b9: {  	s0 =	stileid.u32;
	[bflag:$0x2] =	sbarrier.arrive $0xFFFF  }
0x4ba: {  	p0 =	sne.s32 s0, $0x0;
	s0 =	rddreg [dreg:$0x3]  }
0x4bb: {  	s0 =	sadd.s32 @!p0 $0x100000, s0  }
0x4bc: {  	[sflag:s0] =	ssyncadd.tile.s32 @!p0 $0x1;
	_ =	shalt  }
.Lfunc_end2:
_tile_overlayer_lowered:
.L_overlay_start_2:
0x4bd: {  	(tag) =	ssettag $0x2  }
0x4be: {  	s0 =	rddreg [dreg:$0x0];
	s2 =	stileid.u32  }
0x4bf: {  	s1 =	rddreg [dreg:$0x1];
	p0 =	sne.s32 s2, $0x0  }
0x4c0: {  	s3 =	rddreg [dreg:$0x2];
	[bflag:$0x3] =	sbarrier.arrive $0xFFFF;
	s2 =	simm.s32 @!p0 $0x1C05  }
0x4c1: {  	[timem:s3], [sflag:s2] =	dma.local @!p0 [hbm:s0], s1  }
0x4c2: {  	s0 =	simm.s32 @!p0 $0x5  }
0x4c3: {  	_ =	swait.ge @!p0 [sflag:s0], s1  }
0x4c4: {  	s1 =	ssub.s32 @!p0 $0x0, s1;
	[sflag:s0] =	ssyncset.done @!p0 $0x0  }
0x4c5: {  	[sflag:s0] =	ssyncadd.s32 @!p0 s1  }
0x4c6: {  	[bflag:$0x3] =	sbarrier.arrive $0xFFFF  }
0x4c7: {  	_ =	shalt  }

</sc_bundles>
